<compile_context>
chip_gen: v7x
topology: tpu7x:2x2x1
jax: 0.10.2.dev20260603
libtpu: 0.0.44.dev20260713+nightly
codegen_flags: <defaults>
</compile_context>

<pallas_src>
import jax
import jax.numpy as jnp
from jax import lax
from jax.experimental import pallas as pl
from jax.experimental.pallas import tpu as pltpu
from jax.experimental.pallas import tpu_sc as plsc

N_NODES = 10000
D = 128
E = 320000

_NC = 2
_NS = 16
_NW = _NC * _NS
_K = 80
_EPW = E // _NW
_CPW = _EPW // _K
_PLD = 1000
_NPAD = 10240
_RPS = _NPAD // _NS


def _make_sc_body(do_deg):
  def body(x_hbm, src_hbm, dst_hbm, zrows_hbm, sum_hbm, *rest):
    if do_deg:
      (deg_hbm, idx_s0, idx_d0, idx_s1, idx_d1, idx_s2, idx_d2, idx_s3,
       idx_d3, rows0, rows1, sem0, sem1, semi0, semi1, semi2, semi3,
       deg_t, agg_s) = rest
    else:
      (idx_s0, idx_d0, idx_s1, idx_d1, idx_s2, idx_d2, idx_s3,
       idx_d3, rows0, rows1, sem0, sem1, semi0, semi1, semi2, semi3,
       agg_s) = rest
    cid = lax.axis_index("c")
    sid = lax.axis_index("s")
    wid = cid * _NS + sid

    r0 = pl.multiple_of(sid * _RPS, 8)
    pltpu.sync_copy(zrows_hbm, rows0)
    for j in range(_RPS // _K):
      pltpu.async_copy(rows0, agg_s.at[pl.ds(r0 + j * _K, _K)], sem0)

    if do_deg:
      zeros16 = jnp.zeros((16,), jnp.float32)

      def zero_deg(i, carry):
        deg_t[pl.ds(i * 16, 16)] = zeros16
        return carry

      lax.fori_loop(0, _NPAD // 16, zero_deg, 0)
    for j in range(_RPS // _K):
      pltpu.make_async_copy(rows0, agg_s.at[pl.ds(r0 + j * _K, _K)],
                            sem0).wait()
    plsc.subcore_barrier()

    e0 = wid * _EPW
    ones16 = jnp.ones((16,), jnp.float32)
    ib = ((idx_s0, idx_d0, semi0), (idx_s1, idx_d1, semi1),
          (idx_s2, idx_d2, semi2), (idx_s3, idx_d3, semi3))

    def _idx_base(c):
      cc = jnp.minimum(c, _CPW - 1)
      return pl.multiple_of(e0 + cc * _K, 8)

    def start_idx(c, b):
      idx_s, idx_d, semi = ib[b]
      base = _idx_base(c)
      pltpu.async_copy(src_hbm.at[pl.ds(base, _K)], idx_s, semi)
      pltpu.async_copy(dst_hbm.at[pl.ds(base, _K)], idx_d, semi)

    def wait_idx(c, b):
      idx_s, idx_d, semi = ib[b]
      base = _idx_base(c)
      pltpu.make_async_copy(src_hbm.at[pl.ds(base, _K)], idx_s, semi).wait()
      pltpu.make_async_copy(dst_hbm.at[pl.ds(base, _K)], idx_d, semi).wait()

    def start_gather(b, rows, sem):
      pltpu.async_copy(x_hbm.at[ib[b][0]], rows, sem)

    def wait_gather(b, rows, sem):
      pltpu.make_async_copy(x_hbm.at[ib[b][0]], rows, sem).wait()

    def process(b, rows):
      idx_d = ib[b][1]
      pltpu.sync_copy(rows, agg_s.at[idx_d], add=True)
      if do_deg:
        for j in range(_K // 16):
          dv = idx_d[pl.ds(j * 16, 16)]
          plsc.addupdate_scatter(deg_t, [dv], ones16)

    for b in range(4):
      start_idx(b, b)

    def quad(q, carry):
      c = q * 4
      wait_idx(c, 0)
      start_gather(0, rows0, sem0)
      wait_idx(c + 1, 1)
      start_gather(1, rows1, sem1)
      wait_gather(0, rows0, sem0)
      process(0, rows0)
      start_idx(c + 4, 0)
      wait_idx(c + 2, 2)
      start_gather(2, rows0, sem0)
      wait_gather(1, rows1, sem1)
      process(1, rows1)
      start_idx(c + 5, 1)
      wait_idx(c + 3, 3)
      start_gather(3, rows1, sem1)
      wait_gather(2, rows0, sem0)
      process(2, rows0)
      start_idx(c + 6, 2)
      wait_gather(3, rows1, sem1)
      process(3, rows1)
      start_idx(c + 7, 3)
      return carry

    lax.fori_loop(0, _CPW // 4, quad, 0)
    wait_idx(_CPW - 1, 0)
    start_gather(0, rows0, sem0)
    wait_gather(0, rows0, sem0)
    process(0, rows0)
    wait_idx(_CPW, 1)
    wait_idx(_CPW + 1, 2)
    wait_idx(_CPW + 2, 3)
    plsc.subcore_barrier()

    o0 = pl.multiple_of(cid * _NPAD + sid * _RPS, 8)
    if do_deg:
      t0 = pl.multiple_of(wid * _NPAD, 8)
      pltpu.async_copy(deg_t, deg_hbm.at[pl.ds(t0, _NPAD)], semi0)
    db = (rows0, rows1)
    ds_ = (sem0, sem1)
    for j in range(_RPS // _K):
      buf, semb = db[j % 2], ds_[j % 2]
      if j >= 2:
        jp = j - 2
        pltpu.make_async_copy(buf, sum_hbm.at[pl.ds(o0 + jp * _K, _K)],
                              semb).wait()
      pltpu.sync_copy(agg_s.at[pl.ds(r0 + j * _K, _K)], buf)
      pltpu.async_copy(buf, sum_hbm.at[pl.ds(o0 + j * _K, _K)], semb)
    for j in range(_RPS // _K - 2, _RPS // _K):
      buf, semb = db[j % 2], ds_[j % 2]
      pltpu.make_async_copy(buf, sum_hbm.at[pl.ds(o0 + j * _K, _K)],
                            semb).wait()
    if do_deg:
      pltpu.make_async_copy(deg_t, deg_hbm.at[pl.ds(t0, _NPAD)],
                            semi0).wait()

  return body


def _make_sc_kernel(do_deg):
  if do_deg:
    out_type = [jax.ShapeDtypeStruct((_NC * _NPAD, D), jnp.float32),
                jax.ShapeDtypeStruct((_NW * _NPAD,), jnp.float32)]
  else:
    out_type = jax.ShapeDtypeStruct((_NC * _NPAD, D), jnp.float32)
  scratch = ([pltpu.VMEM((_K,), jnp.int32)] * 8
             + [pltpu.VMEM((_K, D), jnp.float32)] * 2
             + [pltpu.SemaphoreType.DMA] * 6)
  if do_deg:
    scratch.append(pltpu.VMEM((_NPAD,), jnp.float32))
  scratch.append(pltpu.VMEM_SHARED((_NPAD, D), jnp.float32))
  return pl.kernel(
      _make_sc_body(do_deg),
      out_type=out_type,
      mesh=plsc.VectorSubcoreMesh(core_axis_name="c", subcore_axis_name="s"),
      compiler_params=pltpu.CompilerParams(needs_layout_passes=False),
      scratch_types=scratch,
  )


_sc_agg = _make_sc_kernel(True)
_sc_agg_nodeg = _make_sc_kernel(False)


def _dotT(a, w):
  return lax.dot_general(a, w, (((1,), (1,)), ((), ())),
                         preferred_element_type=jnp.float32)


def _mean_from_partials(s_ref, d_ref):
  deg = lax.dot_general(d_ref[...], jnp.ones((_NW, 1), jnp.float32),
                        (((0,), (0,)), ((), ())),
                        preferred_element_type=jnp.float32)[:N_NODES]
  deg = jnp.maximum(deg, 1.0)
  return (s_ref[:N_NODES] + s_ref[_NPAD:_NPAD + N_NODES]) / deg


def _tc_layer1_body(x_ref, s_ref, d_ref, wl_ref, wr_ref, b_ref, g_ref, be_ref,
                    h_ref):
  mean = _mean_from_partials(s_ref, d_ref)
  t = _dotT(mean, wl_ref[...]) + _dotT(x_ref[...], wr_ref[...]) + b_ref[...]
  mu = jnp.mean(t, axis=0, keepdims=True)
  var = jnp.mean((t - mu) * (t - mu), axis=0, keepdims=True)
  h = g_ref[...] * (t - mu) * lax.rsqrt(var + 1e-5) + be_ref[...]
  h_ref[...] = jnp.maximum(h, 0.0)


def _tc_layer2_body(h_ref, s_ref, d_ref, wl_ref, wr_ref, b_ref, o_ref):
  mean = _mean_from_partials(s_ref, d_ref)
  o_ref[...] = _dotT(mean, wl_ref[...]) + _dotT(h_ref[...], wr_ref[...]) \
      + b_ref[...]


_tc_layer1 = pl.pallas_call(
    _tc_layer1_body,
    out_shape=jax.ShapeDtypeStruct((N_NODES, D), jnp.float32),
)

_tc_layer2 = pl.pallas_call(
    _tc_layer2_body,
    out_shape=jax.ShapeDtypeStruct((N_NODES, D), jnp.float32),
)


@jax.jit
def kernel(x, edge_index, W_l1, W_r1, b1, gamma1, beta1, W_l2, W_r2, b2):
  src = edge_index[0].astype(jnp.int32)
  dst = edge_index[1].astype(jnp.int32)
  zrows = jnp.zeros((_K, D), jnp.float32)

  sum1, degp = _sc_agg(x, src, dst, zrows)
  degT = degp.reshape(_NW, _NPAD)

  h = _tc_layer1(x, sum1, degT, W_l1, W_r1, b1.reshape(1, D),
                 gamma1.reshape(1, D), beta1.reshape(1, D))
  sum2 = _sc_agg_nodeg(h, src, dst, zrows)
  out = _tc_layer2(h, sum2, degT, W_l2, W_r2, b2.reshape(1, D))
  return out

# --- scband reference (transcript-rebuilt; emitter-appended) ---
"""Pipeline reference for scband-gnn-8864812499609 (READ-ONLY COPY).

The authoritative reference and input builder live on the scoring server;
editing this copy changes nothing except your own understanding.
"""

import jax, jax.numpy as jnp
import numpy as np

N_NODES = 10000
D = 128
E = 320000

def setup_inputs(seed: int = 0) -> dict:
    key = jax.random.key(seed)
    ks = jax.random.split(key, 12)
    x = jax.random.normal(ks[0], (N_NODES, D), dtype=jnp.float32)
    edge_index = jax.random.randint(ks[1], (2, E), 0, N_NODES, dtype=jnp.int64)
    s = 1.0 / np.sqrt(D)
    W_l1 = jax.random.uniform(ks[2], (D, D), jnp.float32, -s, s)
    W_r1 = jax.random.uniform(ks[3], (D, D), jnp.float32, -s, s)
    b1 = jax.random.uniform(ks[4], (D,), jnp.float32, -s, s)
    gamma1 = jnp.ones((D,), jnp.float32)
    beta1 = jnp.zeros((D,), jnp.float32)
    W_l2 = jax.random.uniform(ks[5], (D, D), jnp.float32, -s, s)
    W_r2 = jax.random.uniform(ks[6], (D, D), jnp.float32, -s, s)
    b2 = jax.random.uniform(ks[7], (D,), jnp.float32, -s, s)
    return {"x": x, "edge_index": edge_index, "W_l1": W_l1, "W_r1": W_r1, "b1": b1,
            "gamma1": gamma1, "beta1": beta1, "W_l2": W_l2, "W_r2": W_r2, "b2": b2}

def _sage_conv(x, edge_index, W_l, W_r, b):
    # PyG SAGEConv with mean aggregation: out = lin_l(mean_j x_j) + lin_r(x_i)
    src = edge_index[0]
    dst = edge_index[1]
    msgs = jnp.take(x, src, axis=0)                       # gather (SparseCore)
    agg = jax.ops.segment_sum(msgs, dst, num_segments=N_NODES)  # scatter-add
    deg = jax.ops.segment_sum(jnp.ones((msgs.shape[0],), x.dtype), dst, num_segments=N_NODES)
    mean = agg / jnp.clip(deg, 1.0, None)[:, None]
    return mean @ W_l.T + b + x @ W_r.T

def _batch_norm(x, gamma, beta, eps=1e-5):
    mu = jnp.mean(x, axis=0)
    var = jnp.var(x, axis=0)
    return gamma * (x - mu) / jnp.sqrt(var + eps) + beta

def reference(x, edge_index, W_l1, W_r1, b1, gamma1, beta1, W_l2, W_r2, b2):
    h = _sage_conv(x, edge_index, W_l1, W_r1, b1)
    h = _batch_norm(h, gamma1, beta1)
    h = jax.nn.relu(h)
    # dropout omitted (deterministic reference)
    out = _sage_conv(h, edge_index, W_l2, W_r2, b2)
    return out

if __name__ == "__main__":
    import jax
    _d = setup_inputs()
    print(jax.jit(kernel)(*tuple(_d.values())))

</pallas_src>

<mosaic_0001>
#map = affine_map<(d0, d1) -> (0, 0)>
#map1 = affine_map<(d0, d1) -> (0)>
module attributes {stable_mosaic.version = 14 : i64} {
  func.func @body(%arg0: i32, %arg1: i32, %arg2: memref<10000x128xf32, #tpu.memory_space<hbm>>, %arg3: memref<320000xi32, #tpu.memory_space<hbm>>, %arg4: memref<320000xi32, #tpu.memory_space<hbm>>, %arg5: memref<80x128xf32, #tpu.memory_space<hbm>>, %arg6: memref<20480x128xf32, #tpu.memory_space<hbm>>, %arg7: memref<327680xf32, #tpu.memory_space<hbm>>, %arg8: memref<80xi32, #tpu.memory_space<vmem>>, %arg9: memref<80xi32, #tpu.memory_space<vmem>>, %arg10: memref<80xi32, #tpu.memory_space<vmem>>, %arg11: memref<80xi32, #tpu.memory_space<vmem>>, %arg12: memref<80xi32, #tpu.memory_space<vmem>>, %arg13: memref<80xi32, #tpu.memory_space<vmem>>, %arg14: memref<80xi32, #tpu.memory_space<vmem>>, %arg15: memref<80xi32, #tpu.memory_space<vmem>>, %arg16: memref<80x128xf32, #tpu.memory_space<vmem>>, %arg17: memref<80x128xf32, #tpu.memory_space<vmem>>, %arg18: memref<!tpu.dma_semaphore, #tpu.memory_space<semaphore_mem>>, %arg19: memref<!tpu.dma_semaphore, #tpu.memory_space<semaphore_mem>>, %arg20: memref<!tpu.dma_semaphore, #tpu.memory_space<semaphore_mem>>, %arg21: memref<!tpu.dma_semaphore, #tpu.memory_space<semaphore_mem>>, %arg22: memref<!tpu.dma_semaphore, #tpu.memory_space<semaphore_mem>>, %arg23: memref<!tpu.dma_semaphore, #tpu.memory_space<semaphore_mem>>, %arg24: memref<10240xf32, #tpu.memory_space<vmem>>, %arg25: memref<10240x128xf32, #tpu.memory_space<vmem_shared>>) attributes {dimension_semantics = [#tpu.dimension_semantics<core_parallel>, #tpu.dimension_semantics<subcore_parallel>], iteration_bounds = array<i64: 2, 16>, scalar_prefetch = 0 : i64, scratch_operands = 18 : i64, tpu.core_type = #tpu.core_type<sc_vector_subcore>, window_params = [{transform_indices = #map}, {transform_indices = #map1}, {transform_indices = #map1}, {transform_indices = #map}, {transform_indices = #map}, {transform_indices = #map1}]} {
    %mul3A = arith.constant 16 : i32
    %mul3A_0 = arith.muli %arg0, %mul3A : i32
    %add3A = arith.addi %mul3A_0, %arg1 : i32
    %mul3A_1 = arith.constant 640 : i32
    %mul3A_2 = arith.muli %arg1, %mul3A_1 : i32
    %multiple_of3A = tpu.assume_multiple %mul3A_2, 8 : i32
    "tpu.region"() ({
      %run_scoped3A = tpu.sem_alloc : memref<!tpu.dma_semaphore, #tpu.memory_space<semaphore_mem>>
      tpu.enqueue_dma source(%arg5 : memref<80x128xf32, #tpu.memory_space<hbm>>) target(%arg16 : memref<80x128xf32, #tpu.memory_space<vmem>>) target_semaphore(%run_scoped3A : memref<!tpu.dma_semaphore, #tpu.memory_space<semaphore_mem>>)
      tpu.wait_dma2 semaphore(%run_scoped3A : memref<!tpu.dma_semaphore, #tpu.memory_space<semaphore_mem>>) src(%arg5 : memref<80x128xf32, #tpu.memory_space<hbm>>) dst(%arg16 : memref<80x128xf32, #tpu.memory_space<vmem>>)
      tpu.yield
    }) : () -> ()
    %add3A_3 = arith.constant 0 : i32
    %add3A_4 = arith.addi %multiple_of3A, %add3A_3 : i32
    %dma_start3A = arith.constant 0 : i32
    %dma_start3A_5 = tpu.memref_slice %arg25[%add3A_4, %dma_start3A] : memref<10240x128xf32, #tpu.memory_space<vmem_shared>> -> memref<80x128xf32, #tpu.memory_space<vmem_shared>>
    %dma_start3A_6 = arith.constant 0 : i32
    %dma_start3A_7 = tpu.memref_slice %arg25[%add3A_4, %dma_start3A_6] : memref<10240x128xf32, #tpu.memory_space<vmem_shared>> -> memref<80x128xf32, #tpu.memory_space<vmem_shared>>
    tpu.enqueue_dma source(%arg16 : memref<80x128xf32, #tpu.memory_space<vmem>>) target(%dma_start3A_7 : memref<80x128xf32, #tpu.memory_space<vmem_shared>>) target_semaphore(%arg18 : memref<!tpu.dma_semaphore, #tpu.memory_space<semaphore_mem>>)
    %add3A_8 = arith.constant 80 : i32
    %add3A_9 = arith.addi %multiple_of3A, %add3A_8 : i32
    %dma_start3A_10 = arith.constant 0 : i32
    %dma_start3A_11 = tpu.memref_slice %arg25[%add3A_9, %dma_start3A_10] : memref<10240x128xf32, #tpu.memory_space<vmem_shared>> -> memref<80x128xf32, #tpu.memory_space<vmem_shared>>
    %dma_start3A_12 = arith.constant 0 : i32
    %dma_start3A_13 = tpu.memref_slice %arg25[%add3A_9, %dma_start3A_12] : memref<10240x128xf32, #tpu.memory_space<vmem_shared>> -> memref<80x128xf32, #tpu.memory_space<vmem_shared>>
    tpu.enqueue_dma source(%arg16 : memref<80x128xf32, #tpu.memory_space<vmem>>) target(%dma_start3A_13 : memref<80x128xf32, #tpu.memory_space<vmem_shared>>) target_semaphore(%arg18 : memref<!tpu.dma_semaphore, #tpu.memory_space<semaphore_mem>>)
    %add3A_14 = arith.constant 160 : i32
    %add3A_15 = arith.addi %multiple_of3A, %add3A_14 : i32
    %dma_start3A_16 = arith.constant 0 : i32
    %dma_start3A_17 = tpu.memref_slice %arg25[%add3A_15, %dma_start3A_16] : memref<10240x128xf32, #tpu.memory_space<vmem_shared>> -> memref<80x128xf32, #tpu.memory_space<vmem_shared>>
    %dma_start3A_18 = arith.constant 0 : i32
    %dma_start3A_19 = tpu.memref_slice %arg25[%add3A_15, %dma_start3A_18] : memref<10240x128xf32, #tpu.memory_space<vmem_shared>> -> memref<80x128xf32, #tpu.memory_space<vmem_shared>>
    tpu.enqueue_dma source(%arg16 : memref<80x128xf32, #tpu.memory_space<vmem>>) target(%dma_start3A_19 : memref<80x128xf32, #tpu.memory_space<vmem_shared>>) target_semaphore(%arg18 : memref<!tpu.dma_semaphore, #tpu.memory_space<semaphore_mem>>)
    %add3A_20 = arith.constant 240 : i32
    %add3A_21 = arith.addi %multiple_of3A, %add3A_20 : i32
    %dma_start3A_22 = arith.constant 0 : i32
    %dma_start3A_23 = tpu.memref_slice %arg25[%add3A_21, %dma_start3A_22] : memref<10240x128xf32, #tpu.memory_space<vmem_shared>> -> memref<80x128xf32, #tpu.memory_space<vmem_shared>>
    %dma_start3A_24 = arith.constant 0 : i32
    %dma_start3A_25 = tpu.memref_slice %arg25[%add3A_21, %dma_start3A_24] : memref<10240x128xf32, #tpu.memory_space<vmem_shared>> -> memref<80x128xf32, #tpu.memory_space<vmem_shared>>
    tpu.enqueue_dma source(%arg16 : memref<80x128xf32, #tpu.memory_space<vmem>>) target(%dma_start3A_25 : memref<80x128xf32, #tpu.memory_space<vmem_shared>>) target_semaphore(%arg18 : memref<!tpu.dma_semaphore, #tpu.memory_space<semaphore_mem>>)
    %add3A_26 = arith.constant 320 : i32
    %add3A_27 = arith.addi %multiple_of3A, %add3A_26 : i32
    %dma_start3A_28 = arith.constant 0 : i32
    %dma_start3A_29 = tpu.memref_slice %arg25[%add3A_27, %dma_start3A_28] : memref<10240x128xf32, #tpu.memory_space<vmem_shared>> -> memref<80x128xf32, #tpu.memory_space<vmem_shared>>
    %dma_start3A_30 = arith.constant 0 : i32
    %dma_start3A_31 = tpu.memref_slice %arg25[%add3A_27, %dma_start3A_30] : memref<10240x128xf32, #tpu.memory_space<vmem_shared>> -> memref<80x128xf32, #tpu.memory_space<vmem_shared>>
    tpu.enqueue_dma source(%arg16 : memref<80x128xf32, #tpu.memory_space<vmem>>) target(%dma_start3A_31 : memref<80x128xf32, #tpu.memory_space<vmem_shared>>) target_semaphore(%arg18 : memref<!tpu.dma_semaphore, #tpu.memory_space<semaphore_mem>>)
    %add3A_32 = arith.constant 400 : i32
    %add3A_33 = arith.addi %multiple_of3A, %add3A_32 : i32
    %dma_start3A_34 = arith.constant 0 : i32
    %dma_start3A_35 = tpu.memref_slice %arg25[%add3A_33, %dma_start3A_34] : memref<10240x128xf32, #tpu.memory_space<vmem_shared>> -> memref<80x128xf32, #tpu.memory_space<vmem_shared>>
    %dma_start3A_36 = arith.constant 0 : i32
    %dma_start3A_37 = tpu.memref_slice %arg25[%add3A_33, %dma_start3A_36] : memref<10240x128xf32, #tpu.memory_space<vmem_shared>> -> memref<80x128xf32, #tpu.memory_space<vmem_shared>>
    tpu.enqueue_dma source(%arg16 : memref<80x128xf32, #tpu.memory_space<vmem>>) target(%dma_start3A_37 : memref<80x128xf32, #tpu.memory_space<vmem_shared>>) target_semaphore(%arg18 : memref<!tpu.dma_semaphore, #tpu.memory_space<semaphore_mem>>)
    %add3A_38 = arith.constant 480 : i32
    %add3A_39 = arith.addi %multiple_of3A, %add3A_38 : i32
    %dma_start3A_40 = arith.constant 0 : i32
    %dma_start3A_41 = tpu.memref_slice %arg25[%add3A_39, %dma_start3A_40] : memref<10240x128xf32, #tpu.memory_space<vmem_shared>> -> memref<80x128xf32, #tpu.memory_space<vmem_shared>>
    %dma_start3A_42 = arith.constant 0 : i32
    %dma_start3A_43 = tpu.memref_slice %arg25[%add3A_39, %dma_start3A_42] : memref<10240x128xf32, #tpu.memory_space<vmem_shared>> -> memref<80x128xf32, #tpu.memory_space<vmem_shared>>
    tpu.enqueue_dma source(%arg16 : memref<80x128xf32, #tpu.memory_space<vmem>>) target(%dma_start3A_43 : memref<80x128xf32, #tpu.memory_space<vmem_shared>>) target_semaphore(%arg18 : memref<!tpu.dma_semaphore, #tpu.memory_space<semaphore_mem>>)
    %add3A_44 = arith.constant 560 : i32
    %add3A_45 = arith.addi %multiple_of3A, %add3A_44 : i32
    %dma_start3A_46 = arith.constant 0 : i32
    %dma_start3A_47 = tpu.memref_slice %arg25[%add3A_45, %dma_start3A_46] : memref<10240x128xf32, #tpu.memory_space<vmem_shared>> -> memref<80x128xf32, #tpu.memory_space<vmem_shared>>
    %dma_start3A_48 = arith.constant 0 : i32
    %dma_start3A_49 = tpu.memref_slice %arg25[%add3A_45, %dma_start3A_48] : memref<10240x128xf32, #tpu.memory_space<vmem_shared>> -> memref<80x128xf32, #tpu.memory_space<vmem_shared>>
    tpu.enqueue_dma source(%arg16 : memref<80x128xf32, #tpu.memory_space<vmem>>) target(%dma_start3A_49 : memref<80x128xf32, #tpu.memory_space<vmem_shared>>) target_semaphore(%arg18 : memref<!tpu.dma_semaphore, #tpu.memory_space<semaphore_mem>>)
    %broadcast_in_dim3A = arith.constant 0.000000e+00 : f32
    %broadcast_in_dim3A_50 = vector.broadcast %broadcast_in_dim3A : f32 to vector<16xf32>
    %scan3A = arith.constant 0 : i32
    %scan3A_51 = arith.constant 0 : i32
    %scan3A_52 = arith.constant 640 : i32
    %scan3A_53 = arith.addi %scan3A_51, %scan3A_52 : i32
    %scan3A_54 = arith.constant 1 : i32
    scf.for %scan3A_341 = %scan3A_51 to %scan3A_53 step %scan3A_54  : i32 {
      %mul3A_342 = arith.constant 16 : i32
      %mul3A_343 = arith.muli %scan3A_341, %mul3A_342 : i32
      %swap3A = arith.index_cast %mul3A_343 : i32 to index
      %swap3A_344 = tpu.vector_load %arg24[%swap3A] {strides = array<i32>} : memref<10240xf32, #tpu.memory_space<vmem>>, vector<16xf32>,
      tpu.vector_store %arg24[%swap3A], %broadcast_in_dim3A_50 {strides = array<i32>} : memref<10240xf32, #tpu.memory_space<vmem>>, vector<16xf32>,
    }
    %scan3A_55 = arith.constant 640 : i32
    %add3A_56 = arith.constant 0 : i32
    %add3A_57 = arith.addi %multiple_of3A, %add3A_56 : i32
    %dma_wait3A = arith.constant 0 : i32
    %dma_wait3A_58 = tpu.memref_slice %arg25[%add3A_57, %dma_wait3A] : memref<10240x128xf32, #tpu.memory_space<vmem_shared>> -> memref<80x128xf32, #tpu.memory_space<vmem_shared>>
    %dma_wait3A_59 = arith.constant 0 : i32
    %dma_wait3A_60 = tpu.memref_slice %arg25[%add3A_57, %dma_wait3A_59] : memref<10240x128xf32, #tpu.memory_space<vmem_shared>> -> memref<80x128xf32, #tpu.memory_space<vmem_shared>>
    tpu.wait_dma2 semaphore(%arg18 : memref<!tpu.dma_semaphore, #tpu.memory_space<semaphore_mem>>) src(%arg16 : memref<80x128xf32, #tpu.memory_space<vmem>>) dst(%dma_wait3A_60 : memref<80x128xf32, #tpu.memory_space<vmem_shared>>)
    %add3A_61 = arith.constant 80 : i32
    %add3A_62 = arith.addi %multiple_of3A, %add3A_61 : i32
    %dma_wait3A_63 = arith.constant 0 : i32
    %dma_wait3A_64 = tpu.memref_slice %arg25[%add3A_62, %dma_wait3A_63] : memref<10240x128xf32, #tpu.memory_space<vmem_shared>> -> memref<80x128xf32, #tpu.memory_space<vmem_shared>>
    %dma_wait3A_65 = arith.constant 0 : i32
    %dma_wait3A_66 = tpu.memref_slice %arg25[%add3A_62, %dma_wait3A_65] : memref<10240x128xf32, #tpu.memory_space<vmem_shared>> -> memref<80x128xf32, #tpu.memory_space<vmem_shared>>
    tpu.wait_dma2 semaphore(%arg18 : memref<!tpu.dma_semaphore, #tpu.memory_space<semaphore_mem>>) src(%arg16 : memref<80x128xf32, #tpu.memory_space<vmem>>) dst(%dma_wait3A_66 : memref<80x128xf32, #tpu.memory_space<vmem_shared>>)
    %add3A_67 = arith.constant 160 : i32
    %add3A_68 = arith.addi %multiple_of3A, %add3A_67 : i32
    %dma_wait3A_69 = arith.constant 0 : i32
    %dma_wait3A_70 = tpu.memref_slice %arg25[%add3A_68, %dma_wait3A_69] : memref<10240x128xf32, #tpu.memory_space<vmem_shared>> -> memref<80x128xf32, #tpu.memory_space<vmem_shared>>
    %dma_wait3A_71 = arith.constant 0 : i32
    %dma_wait3A_72 = tpu.memref_slice %arg25[%add3A_68, %dma_wait3A_71] : memref<10240x128xf32, #tpu.memory_space<vmem_shared>> -> memref<80x128xf32, #tpu.memory_space<vmem_shared>>
    tpu.wait_dma2 semaphore(%arg18 : memref<!tpu.dma_semaphore, #tpu.memory_space<semaphore_mem>>) src(%arg16 : memref<80x128xf32, #tpu.memory_space<vmem>>) dst(%dma_wait3A_72 : memref<80x128xf32, #tpu.memory_space<vmem_shared>>)
    %add3A_73 = arith.constant 240 : i32
    %add3A_74 = arith.addi %multiple_of3A, %add3A_73 : i32
    %dma_wait3A_75 = arith.constant 0 : i32
    %dma_wait3A_76 = tpu.memref_slice %arg25[%add3A_74, %dma_wait3A_75] : memref<10240x128xf32, #tpu.memory_space<vmem_shared>> -> memref<80x128xf32, #tpu.memory_space<vmem_shared>>
    %dma_wait3A_77 = arith.constant 0 : i32
    %dma_wait3A_78 = tpu.memref_slice %arg25[%add3A_74, %dma_wait3A_77] : memref<10240x128xf32, #tpu.memory_space<vmem_shared>> -> memref<80x128xf32, #tpu.memory_space<vmem_shared>>
    tpu.wait_dma2 semaphore(%arg18 : memref<!tpu.dma_semaphore, #tpu.memory_space<semaphore_mem>>) src(%arg16 : memref<80x128xf32, #tpu.memory_space<vmem>>) dst(%dma_wait3A_78 : memref<80x128xf32, #tpu.memory_space<vmem_shared>>)
    %add3A_79 = arith.constant 320 : i32
    %add3A_80 = arith.addi %multiple_of3A, %add3A_79 : i32
    %dma_wait3A_81 = arith.constant 0 : i32
    %dma_wait3A_82 = tpu.memref_slice %arg25[%add3A_80, %dma_wait3A_81] : memref<10240x128xf32, #tpu.memory_space<vmem_shared>> -> memref<80x128xf32, #tpu.memory_space<vmem_shared>>
    %dma_wait3A_83 = arith.constant 0 : i32
    %dma_wait3A_84 = tpu.memref_slice %arg25[%add3A_80, %dma_wait3A_83] : memref<10240x128xf32, #tpu.memory_space<vmem_shared>> -> memref<80x128xf32, #tpu.memory_space<vmem_shared>>
    tpu.wait_dma2 semaphore(%arg18 : memref<!tpu.dma_semaphore, #tpu.memory_space<semaphore_mem>>) src(%arg16 : memref<80x128xf32, #tpu.memory_space<vmem>>) dst(%dma_wait3A_84 : memref<80x128xf32, #tpu.memory_space<vmem_shared>>)
    %add3A_85 = arith.constant 400 : i32
    %add3A_86 = arith.addi %multiple_of3A, %add3A_85 : i32
    %dma_wait3A_87 = arith.constant 0 : i32
    %dma_wait3A_88 = tpu.memref_slice %arg25[%add3A_86, %dma_wait3A_87] : memref<10240x128xf32, #tpu.memory_space<vmem_shared>> -> memref<80x128xf32, #tpu.memory_space<vmem_shared>>
    %dma_wait3A_89 = arith.constant 0 : i32
    %dma_wait3A_90 = tpu.memref_slice %arg25[%add3A_86, %dma_wait3A_89] : memref<10240x128xf32, #tpu.memory_space<vmem_shared>> -> memref<80x128xf32, #tpu.memory_space<vmem_shared>>
    tpu.wait_dma2 semaphore(%arg18 : memref<!tpu.dma_semaphore, #tpu.memory_space<semaphore_mem>>) src(%arg16 : memref<80x128xf32, #tpu.memory_space<vmem>>) dst(%dma_wait3A_90 : memref<80x128xf32, #tpu.memory_space<vmem_shared>>)
    %add3A_91 = arith.constant 480 : i32
    %add3A_92 = arith.addi %multiple_of3A, %add3A_91 : i32
    %dma_wait3A_93 = arith.constant 0 : i32
    %dma_wait3A_94 = tpu.memref_slice %arg25[%add3A_92, %dma_wait3A_93] : memref<10240x128xf32, #tpu.memory_space<vmem_shared>> -> memref<80x128xf32, #tpu.memory_space<vmem_shared>>
    %dma_wait3A_95 = arith.constant 0 : i32
    %dma_wait3A_96 = tpu.memref_slice %arg25[%add3A_92, %dma_wait3A_95] : memref<10240x128xf32, #tpu.memory_space<vmem_shared>> -> memref<80x128xf32, #tpu.memory_space<vmem_shared>>
    tpu.wait_dma2 semaphore(%arg18 : memref<!tpu.dma_semaphore, #tpu.memory_space<semaphore_mem>>) src(%arg16 : memref<80x128xf32, #tpu.memory_space<vmem>>) dst(%dma_wait3A_96 : memref<80x128xf32, #tpu.memory_space<vmem_shared>>)
    %add3A_97 = arith.constant 560 : i32
    %add3A_98 = arith.addi %multiple_of3A, %add3A_97 : i32
    %dma_wait3A_99 = arith.constant 0 : i32
    %dma_wait3A_100 = tpu.memref_slice %arg25[%add3A_98, %dma_wait3A_99] : memref<10240x128xf32, #tpu.memory_space<vmem_shared>> -> memref<80x128xf32, #tpu.memory_space<vmem_shared>>
    %dma_wait3A_101 = arith.constant 0 : i32
    %dma_wait3A_102 = tpu.memref_slice %arg25[%add3A_98, %dma_wait3A_101] : memref<10240x128xf32, #tpu.memory_space<vmem_shared>> -> memref<80x128xf32, #tpu.memory_space<vmem_shared>>
    tpu.wait_dma2 semaphore(%arg18 : memref<!tpu.dma_semaphore, #tpu.memory_space<semaphore_mem>>) src(%arg16 : memref<80x128xf32, #tpu.memory_space<vmem>>) dst(%dma_wait3A_102 : memref<80x128xf32, #tpu.memory_space<vmem_shared>>)
    %barrier3A = arith.constant 0 : index
    tpu.barrier barrier_id(%barrier3A)
    %mul3A_103 = arith.constant 10000 : i32
    %mul3A_104 = arith.muli %add3A, %mul3A_103 : i32
    %broadcast_in_dim3A_105 = arith.constant 1.000000e+00 : f32
    %broadcast_in_dim3A_106 = vector.broadcast %broadcast_in_dim3A_105 : f32 to vector<16xf32>
    %min3A = arith.constant 0 : i32
    %min3A_107 = arith.constant 124 : i32
    %min3A_108 = arith.minsi %min3A, %min3A_107 : i32
    %mul3A_109 = arith.constant 80 : i32
    %mul3A_110 = arith.muli %min3A_108, %mul3A_109 : i32
    %add3A_111 = arith.addi %mul3A_104, %mul3A_110 : i32
    %multiple_of3A_112 = tpu.assume_multiple %add3A_111, 8 : i32
    %dma_start3A_113 = tpu.memref_slice %arg3[%multiple_of3A_112] : memref<320000xi32, #tpu.memory_space<hbm>> -> memref<80xi32, #tpu.memory_space<hbm>>
    %dma_start3A_114 = tpu.memref_slice %arg3[%multiple_of3A_112] : memref<320000xi32, #tpu.memory_space<hbm>> -> memref<80xi32, #tpu.memory_space<hbm>>
    tpu.enqueue_dma source(%dma_start3A_114 : memref<80xi32, #tpu.memory_space<hbm>>) target(%arg8 : memref<80xi32, #tpu.memory_space<vmem>>) target_semaphore(%arg20 : memref<!tpu.dma_semaphore, #tpu.memory_space<semaphore_mem>>)
    %dma_start3A_115 = tpu.memref_slice %arg4[%multiple_of3A_112] : memref<320000xi32, #tpu.memory_space<hbm>> -> memref<80xi32, #tpu.memory_space<hbm>>
    %dma_start3A_116 = tpu.memref_slice %arg4[%multiple_of3A_112] : memref<320000xi32, #tpu.memory_space<hbm>> -> memref<80xi32, #tpu.memory_space<hbm>>
    tpu.enqueue_dma source(%dma_start3A_116 : memref<80xi32, #tpu.memory_space<hbm>>) target(%arg9 : memref<80xi32, #tpu.memory_space<vmem>>) target_semaphore(%arg20 : memref<!tpu.dma_semaphore, #tpu.memory_space<semaphore_mem>>)
    %min3A_117 = arith.constant 1 : i32
    %min3A_118 = arith.constant 124 : i32
    %min3A_119 = arith.minsi %min3A_117, %min3A_118 : i32
    %mul3A_120 = arith.constant 80 : i32
    %mul3A_121 = arith.muli %min3A_119, %mul3A_120 : i32
    %add3A_122 = arith.addi %mul3A_104, %mul3A_121 : i32
    %multiple_of3A_123 = tpu.assume_multiple %add3A_122, 8 : i32
    %dma_start3A_124 = tpu.memref_slice %arg3[%multiple_of3A_123] : memref<320000xi32, #tpu.memory_space<hbm>> -> memref<80xi32, #tpu.memory_space<hbm>>
    %dma_start3A_125 = tpu.memref_slice %arg3[%multiple_of3A_123] : memref<320000xi32, #tpu.memory_space<hbm>> -> memref<80xi32, #tpu.memory_space<hbm>>
    tpu.enqueue_dma source(%dma_start3A_125 : memref<80xi32, #tpu.memory_space<hbm>>) target(%arg10 : memref<80xi32, #tpu.memory_space<vmem>>) target_semaphore(%arg21 : memref<!tpu.dma_semaphore, #tpu.memory_space<semaphore_mem>>)
    %dma_start3A_126 = tpu.memref_slice %arg4[%multiple_of3A_123] : memref<320000xi32, #tpu.memory_space<hbm>> -> memref<80xi32, #tpu.memory_space<hbm>>
    %dma_start3A_127 = tpu.memref_slice %arg4[%multiple_of3A_123] : memref<320000xi32, #tpu.memory_space<hbm>> -> memref<80xi32, #tpu.memory_space<hbm>>
    tpu.enqueue_dma source(%dma_start3A_127 : memref<80xi32, #tpu.memory_space<hbm>>) target(%arg11 : memref<80xi32, #tpu.memory_space<vmem>>) target_semaphore(%arg21 : memref<!tpu.dma_semaphore, #tpu.memory_space<semaphore_mem>>)
    %min3A_128 = arith.constant 2 : i32
    %min3A_129 = arith.constant 124 : i32
    %min3A_130 = arith.minsi %min3A_128, %min3A_129 : i32
    %mul3A_131 = arith.constant 80 : i32
    %mul3A_132 = arith.muli %min3A_130, %mul3A_131 : i32
    %add3A_133 = arith.addi %mul3A_104, %mul3A_132 : i32
    %multiple_of3A_134 = tpu.assume_multiple %add3A_133, 8 : i32
    %dma_start3A_135 = tpu.memref_slice %arg3[%multiple_of3A_134] : memref<320000xi32, #tpu.memory_space<hbm>> -> memref<80xi32, #tpu.memory_space<hbm>>
    %dma_start3A_136 = tpu.memref_slice %arg3[%multiple_of3A_134] : memref<320000xi32, #tpu.memory_space<hbm>> -> memref<80xi32, #tpu.memory_space<hbm>>
    tpu.enqueue_dma source(%dma_start3A_136 : memref<80xi32, #tpu.memory_space<hbm>>) target(%arg12 : memref<80xi32, #tpu.memory_space<vmem>>) target_semaphore(%arg22 : memref<!tpu.dma_semaphore, #tpu.memory_space<semaphore_mem>>)
    %dma_start3A_137 = tpu.memref_slice %arg4[%multiple_of3A_134] : memref<320000xi32, #tpu.memory_space<hbm>> -> memref<80xi32, #tpu.memory_space<hbm>>
    %dma_start3A_138 = tpu.memref_slice %arg4[%multiple_of3A_134] : memref<320000xi32, #tpu.memory_space<hbm>> -> memref<80xi32, #tpu.memory_space<hbm>>
    tpu.enqueue_dma source(%dma_start3A_138 : memref<80xi32, #tpu.memory_space<hbm>>) target(%arg13 : memref<80xi32, #tpu.memory_space<vmem>>) target_semaphore(%arg22 : memref<!tpu.dma_semaphore, #tpu.memory_space<semaphore_mem>>)
    %min3A_139 = arith.constant 3 : i32
    %min3A_140 = arith.constant 124 : i32
    %min3A_141 = arith.minsi %min3A_139, %min3A_140 : i32
    %mul3A_142 = arith.constant 80 : i32
    %mul3A_143 = arith.muli %min3A_141, %mul3A_142 : i32
    %add3A_144 = arith.addi %mul3A_104, %mul3A_143 : i32
    %multiple_of3A_145 = tpu.assume_multiple %add3A_144, 8 : i32
    %dma_start3A_146 = tpu.memref_slice %arg3[%multiple_of3A_145] : memref<320000xi32, #tpu.memory_space<hbm>> -> memref<80xi32, #tpu.memory_space<hbm>>
    %dma_start3A_147 = tpu.memref_slice %arg3[%multiple_of3A_145] : memref<320000xi32, #tpu.memory_space<hbm>> -> memref<80xi32, #tpu.memory_space<hbm>>
    tpu.enqueue_dma source(%dma_start3A_147 : memref<80xi32, #tpu.memory_space<hbm>>) target(%arg14 : memref<80xi32, #tpu.memory_space<vmem>>) target_semaphore(%arg23 : memref<!tpu.dma_semaphore, #tpu.memory_space<semaphore_mem>>)
    %dma_start3A_148 = tpu.memref_slice %arg4[%multiple_of3A_145] : memref<320000xi32, #tpu.memory_space<hbm>> -> memref<80xi32, #tpu.memory_space<hbm>>
    %dma_start3A_149 = tpu.memref_slice %arg4[%multiple_of3A_145] : memref<320000xi32, #tpu.memory_space<hbm>> -> memref<80xi32, #tpu.memory_space<hbm>>
    tpu.enqueue_dma source(%dma_start3A_149 : memref<80xi32, #tpu.memory_space<hbm>>) target(%arg15 : memref<80xi32, #tpu.memory_space<vmem>>) target_semaphore(%arg23 : memref<!tpu.dma_semaphore, #tpu.memory_space<semaphore_mem>>)
    %scan3A_150 = arith.constant 0 : i32
    %scan3A_151 = arith.constant 0 : i32
    %scan3A_152 = arith.constant 31 : i32
    %scan3A_153 = arith.addi %scan3A_151, %scan3A_152 : i32
    %scan3A_154 = arith.constant 1 : i32
    scf.for %scan3A_341 = %scan3A_151 to %scan3A_153 step %scan3A_154  : i32 {
      %mul3A_342 = arith.constant 4 : i32
      %mul3A_343 = arith.muli %scan3A_341, %mul3A_342 : i32
      %min3A_344 = arith.constant 124 : i32
      %min3A_345 = arith.minsi %mul3A_343, %min3A_344 : i32
      %mul3A_346 = arith.constant 80 : i32
      %mul3A_347 = arith.muli %min3A_345, %mul3A_346 : i32
      %add3A_348 = arith.addi %mul3A_104, %mul3A_347 : i32
      %multiple_of3A_349 = tpu.assume_multiple %add3A_348, 8 : i32
      %dma_wait3A_350 = tpu.memref_slice %arg3[%multiple_of3A_349] : memref<320000xi32, #tpu.memory_space<hbm>> -> memref<80xi32, #tpu.memory_space<hbm>>
      %dma_wait3A_351 = tpu.memref_slice %arg3[%multiple_of3A_349] : memref<320000xi32, #tpu.memory_space<hbm>> -> memref<80xi32, #tpu.memory_space<hbm>>
      tpu.wait_dma2 semaphore(%arg20 : memref<!tpu.dma_semaphore, #tpu.memory_space<semaphore_mem>>) src(%dma_wait3A_351 : memref<80xi32, #tpu.memory_space<hbm>>) dst(%arg8 : memref<80xi32, #tpu.memory_space<vmem>>)
      %dma_wait3A_352 = tpu.memref_slice %arg4[%multiple_of3A_349] : memref<320000xi32, #tpu.memory_space<hbm>> -> memref<80xi32, #tpu.memory_space<hbm>>
      %dma_wait3A_353 = tpu.memref_slice %arg4[%multiple_of3A_349] : memref<320000xi32, #tpu.memory_space<hbm>> -> memref<80xi32, #tpu.memory_space<hbm>>
      tpu.wait_dma2 semaphore(%arg20 : memref<!tpu.dma_semaphore, #tpu.memory_space<semaphore_mem>>) src(%dma_wait3A_353 : memref<80xi32, #tpu.memory_space<hbm>>) dst(%arg9 : memref<80xi32, #tpu.memory_space<vmem>>)
      %dma_start3A_354 = arith.constant 0 : i32
      %dma_start3A_355 = arith.constant 0 : i32
      %dma_start3A_356 = tpu.memref_slice %arg2[%dma_start3A_354, %dma_start3A_355] : memref<10000x128xf32, #tpu.memory_space<hbm>> -> memref<10000x128xf32, #tpu.memory_space<hbm>>
      tpu.enqueue_indirect_dma source(%dma_start3A_356 : memref<10000x128xf32, #tpu.memory_space<hbm>>) target(%arg16 : memref<80x128xf32, #tpu.memory_space<vmem>>) offsets(%arg8 : memref<80xi32, #tpu.memory_space<vmem>>) semaphore(%arg18 : memref<!tpu.dma_semaphore, #tpu.memory_space<semaphore_mem>>)
      %add3A_357 = arith.constant 1 : i32
      %add3A_358 = arith.addi %mul3A_343, %add3A_357 : i32
      %min3A_359 = arith.constant 124 : i32
      %min3A_360 = arith.minsi %add3A_358, %min3A_359 : i32
      %mul3A_361 = arith.constant 80 : i32
      %mul3A_362 = arith.muli %min3A_360, %mul3A_361 : i32
      %add3A_363 = arith.addi %mul3A_104, %mul3A_362 : i32
      %multiple_of3A_364 = tpu.assume_multiple %add3A_363, 8 : i32
      %dma_wait3A_365 = tpu.memref_slice %arg3[%multiple_of3A_364] : memref<320000xi32, #tpu.memory_space<hbm>> -> memref<80xi32, #tpu.memory_space<hbm>>
      %dma_wait3A_366 = tpu.memref_slice %arg3[%multiple_of3A_364] : memref<320000xi32, #tpu.memory_space<hbm>> -> memref<80xi32, #tpu.memory_space<hbm>>
      tpu.wait_dma2 semaphore(%arg21 : memref<!tpu.dma_semaphore, #tpu.memory_space<semaphore_mem>>) src(%dma_wait3A_366 : memref<80xi32, #tpu.memory_space<hbm>>) dst(%arg10 : memref<80xi32, #tpu.memory_space<vmem>>)
      %dma_wait3A_367 = tpu.memref_slice %arg4[%multiple_of3A_364] : memref<320000xi32, #tpu.memory_space<hbm>> -> memref<80xi32, #tpu.memory_space<hbm>>
      %dma_wait3A_368 = tpu.memref_slice %arg4[%multiple_of3A_364] : memref<320000xi32, #tpu.memory_space<hbm>> -> memref<80xi32, #tpu.memory_space<hbm>>
      tpu.wait_dma2 semaphore(%arg21 : memref<!tpu.dma_semaphore, #tpu.memory_space<semaphore_mem>>) src(%dma_wait3A_368 : memref<80xi32, #tpu.memory_space<hbm>>) dst(%arg11 : memref<80xi32, #tpu.memory_space<vmem>>)
      %dma_start3A_369 = arith.constant 0 : i32
      %dma_start3A_370 = arith.constant 0 : i32
      %dma_start3A_371 = tpu.memref_slice %arg2[%dma_start3A_369, %dma_start3A_370] : memref<10000x128xf32, #tpu.memory_space<hbm>> -> memref<10000x128xf32, #tpu.memory_space<hbm>>
      tpu.enqueue_indirect_dma source(%dma_start3A_371 : memref<10000x128xf32, #tpu.memory_space<hbm>>) target(%arg17 : memref<80x128xf32, #tpu.memory_space<vmem>>) offsets(%arg10 : memref<80xi32, #tpu.memory_space<vmem>>) semaphore(%arg19 : memref<!tpu.dma_semaphore, #tpu.memory_space<semaphore_mem>>)
      %dma_wait3A_372 = arith.constant 0 : i32
      %dma_wait3A_373 = arith.constant 0 : i32
      %dma_wait3A_374 = tpu.memref_slice %arg2[%dma_wait3A_372, %dma_wait3A_373] : memref<10000x128xf32, #tpu.memory_space<hbm>> -> memref<10000x128xf32, #tpu.memory_space<hbm>>
      tpu.wait_indirect_dma semaphore(%arg18 : memref<!tpu.dma_semaphore, #tpu.memory_space<semaphore_mem>>) src(%dma_wait3A_374 : memref<10000x128xf32, #tpu.memory_space<hbm>>) dst(%arg16 : memref<80x128xf32, #tpu.memory_space<vmem>>)
      "tpu.region"() ({
        %run_scoped3A = tpu.sem_alloc : memref<!tpu.dma_semaphore, #tpu.memory_space<semaphore_mem>>
        %dma_start3A_502 = arith.constant 0 : i32
        %dma_start3A_503 = arith.constant 0 : i32
        %dma_start3A_504 = tpu.memref_slice %arg25[%dma_start3A_502, %dma_start3A_503] : memref<10240x128xf32, #tpu.memory_space<vmem_shared>> -> memref<10240x128xf32, #tpu.memory_space<vmem_shared>>
        tpu.enqueue_indirect_dma source(%arg16 : memref<80x128xf32, #tpu.memory_space<vmem>>) target(%dma_start3A_504 : memref<10240x128xf32, #tpu.memory_space<vmem_shared>>) offsets(%arg9 : memref<80xi32, #tpu.memory_space<vmem>>) semaphore(%run_scoped3A : memref<!tpu.dma_semaphore, #tpu.memory_space<semaphore_mem>>) {add = true}
        %dma_wait3A_505 = arith.constant 0 : i32
        %dma_wait3A_506 = arith.constant 0 : i32
        %dma_wait3A_507 = tpu.memref_slice %arg25[%dma_wait3A_505, %dma_wait3A_506] : memref<10240x128xf32, #tpu.memory_space<vmem_shared>> -> memref<10240x128xf32, #tpu.memory_space<vmem_shared>>
        tpu.wait_indirect_dma semaphore(%run_scoped3A : memref<!tpu.dma_semaphore, #tpu.memory_space<semaphore_mem>>) src(%arg16 : memref<80x128xf32, #tpu.memory_space<vmem>>) dst(%dma_wait3A_507 : memref<10240x128xf32, #tpu.memory_space<vmem_shared>>)
        tpu.yield
      }) : () -> ()
      %get3A_375 = arith.constant 0 : index
      %get3A_376 = tpu.vector_load %arg9[%get3A_375] {strides = array<i32>} : memref<80xi32, #tpu.memory_space<vmem>>, vector<16xi32>,
      tpu.vector_store_idx %arg24[%get3A_376], %broadcast_in_dim3A_106 {add = true} : memref<10240xf32, #tpu.memory_space<vmem>>[vector<16xi32>], vector<16xf32>,
      %get3A_377 = arith.constant 16 : index
      %get3A_378 = tpu.vector_load %arg9[%get3A_377] {strides = array<i32>} : memref<80xi32, #tpu.memory_space<vmem>>, vector<16xi32>,
      tpu.vector_store_idx %arg24[%get3A_378], %broadcast_in_dim3A_106 {add = true} : memref<10240xf32, #tpu.memory_space<vmem>>[vector<16xi32>], vector<16xf32>,
      %get3A_379 = arith.constant 32 : index
      %get3A_380 = tpu.vector_load %arg9[%get3A_379] {strides = array<i32>} : memref<80xi32, #tpu.memory_space<vmem>>, vector<16xi32>,
      tpu.vector_store_idx %arg24[%get3A_380], %broadcast_in_dim3A_106 {add = true} : memref<10240xf32, #tpu.memory_space<vmem>>[vector<16xi32>], vector<16xf32>,
      %get3A_381 = arith.constant 48 : index
      %get3A_382 = tpu.vector_load %arg9[%get3A_381] {strides = array<i32>} : memref<80xi32, #tpu.memory_space<vmem>>, vector<16xi32>,
      tpu.vector_store_idx %arg24[%get3A_382], %broadcast_in_dim3A_106 {add = true} : memref<10240xf32, #tpu.memory_space<vmem>>[vector<16xi32>], vector<16xf32>,
      %get3A_383 = arith.constant 64 : index
      %get3A_384 = tpu.vector_load %arg9[%get3A_383] {strides = array<i32>} : memref<80xi32, #tpu.memory_space<vmem>>, vector<16xi32>,
      tpu.vector_store_idx %arg24[%get3A_384], %broadcast_in_dim3A_106 {add = true} : memref<10240xf32, #tpu.memory_space<vmem>>[vector<16xi32>], vector<16xf32>,
      %add3A_385 = arith.constant 4 : i32
      %add3A_386 = arith.addi %mul3A_343, %add3A_385 : i32
      %min3A_387 = arith.constant 124 : i32
      %min3A_388 = arith.minsi %add3A_386, %min3A_387 : i32
      %mul3A_389 = arith.constant 80 : i32
      %mul3A_390 = arith.muli %min3A_388, %mul3A_389 : i32
      %add3A_391 = arith.addi %mul3A_104, %mul3A_390 : i32
      %multiple_of3A_392 = tpu.assume_multiple %add3A_391, 8 : i32
      %dma_start3A_393 = tpu.memref_slice %arg3[%multiple_of3A_392] : memref<320000xi32, #tpu.memory_space<hbm>> -> memref<80xi32, #tpu.memory_space<hbm>>
      %dma_start3A_394 = tpu.memref_slice %arg3[%multiple_of3A_392] : memref<320000xi32, #tpu.memory_space<hbm>> -> memref<80xi32, #tpu.memory_space<hbm>>
      tpu.enqueue_dma source(%dma_start3A_394 : memref<80xi32, #tpu.memory_space<hbm>>) target(%arg8 : memref<80xi32, #tpu.memory_space<vmem>>) target_semaphore(%arg20 : memref<!tpu.dma_semaphore, #tpu.memory_space<semaphore_mem>>)
      %dma_start3A_395 = tpu.memref_slice %arg4[%multiple_of3A_392] : memref<320000xi32, #tpu.memory_space<hbm>> -> memref<80xi32, #tpu.memory_space<hbm>>
      %dma_start3A_396 = tpu.memref_slice %arg4[%multiple_of3A_392] : memref<320000xi32, #tpu.memory_space<hbm>> -> memref<80xi32, #tpu.memory_space<hbm>>
      tpu.enqueue_dma source(%dma_start3A_396 : memref<80xi32, #tpu.memory_space<hbm>>) target(%arg9 : memref<80xi32, #tpu.memory_space<vmem>>) target_semaphore(%arg20 : memref<!tpu.dma_semaphore, #tpu.memory_space<semaphore_mem>>)
      %add3A_397 = arith.constant 2 : i32
      %add3A_398 = arith.addi %mul3A_343, %add3A_397 : i32
      %min3A_399 = arith.constant 124 : i32
      %min3A_400 = arith.minsi %add3A_398, %min3A_399 : i32
      %mul3A_401 = arith.constant 80 : i32
      %mul3A_402 = arith.muli %min3A_400, %mul3A_401 : i32
      %add3A_403 = arith.addi %mul3A_104, %mul3A_402 : i32
      %multiple_of3A_404 = tpu.assume_multiple %add3A_403, 8 : i32
      %dma_wait3A_405 = tpu.memref_slice %arg3[%multiple_of3A_404] : memref<320000xi32, #tpu.memory_space<hbm>> -> memref<80xi32, #tpu.memory_space<hbm>>
      %dma_wait3A_406 = tpu.memref_slice %arg3[%multiple_of3A_404] : memref<320000xi32, #tpu.memory_space<hbm>> -> memref<80xi32, #tpu.memory_space<hbm>>
      tpu.wait_dma2 semaphore(%arg22 : memref<!tpu.dma_semaphore, #tpu.memory_space<semaphore_mem>>) src(%dma_wait3A_406 : memref<80xi32, #tpu.memory_space<hbm>>) dst(%arg12 : memref<80xi32, #tpu.memory_space<vmem>>)
      %dma_wait3A_407 = tpu.memref_slice %arg4[%multiple_of3A_404] : memref<320000xi32, #tpu.memory_space<hbm>> -> memref<80xi32, #tpu.memory_space<hbm>>
      %dma_wait3A_408 = tpu.memref_slice %arg4[%multiple_of3A_404] : memref<320000xi32, #tpu.memory_space<hbm>> -> memref<80xi32, #tpu.memory_space<hbm>>
      tpu.wait_dma2 semaphore(%arg22 : memref<!tpu.dma_semaphore, #tpu.memory_space<semaphore_mem>>) src(%dma_wait3A_408 : memref<80xi32, #tpu.memory_space<hbm>>) dst(%arg13 : memref<80xi32, #tpu.memory_space<vmem>>)
      %dma_start3A_409 = arith.constant 0 : i32
      %dma_start3A_410 = arith.constant 0 : i32
      %dma_start3A_411 = tpu.memref_slice %arg2[%dma_start3A_409, %dma_start3A_410] : memref<10000x128xf32, #tpu.memory_space<hbm>> -> memref<10000x128xf32, #tpu.memory_space<hbm>>
      tpu.enqueue_indirect_dma source(%dma_start3A_411 : memref<10000x128xf32, #tpu.memory_space<hbm>>) target(%arg16 : memref<80x128xf32, #tpu.memory_space<vmem>>) offsets(%arg12 : memref<80xi32, #tpu.memory_space<vmem>>) semaphore(%arg18 : memref<!tpu.dma_semaphore, #tpu.memory_space<semaphore_mem>>)
      %dma_wait3A_412 = arith.constant 0 : i32
      %dma_wait3A_413 = arith.constant 0 : i32
      %dma_wait3A_414 = tpu.memref_slice %arg2[%dma_wait3A_412, %dma_wait3A_413] : memref<10000x128xf32, #tpu.memory_space<hbm>> -> memref<10000x128xf32, #tpu.memory_space<hbm>>
      tpu.wait_indirect_dma semaphore(%arg19 : memref<!tpu.dma_semaphore, #tpu.memory_space<semaphore_mem>>) src(%dma_wait3A_414 : memref<10000x128xf32, #tpu.memory_space<hbm>>) dst(%arg17 : memref<80x128xf32, #tpu.memory_space<vmem>>)
      "tpu.region"() ({
        %run_scoped3A = tpu.sem_alloc : memref<!tpu.dma_semaphore, #tpu.memory_space<semaphore_mem>>
        %dma_start3A_502 = arith.constant 0 : i32
        %dma_start3A_503 = arith.constant 0 : i32
        %dma_start3A_504 = tpu.memref_slice %arg25[%dma_start3A_502, %dma_start3A_503] : memref<10240x128xf32, #tpu.memory_space<vmem_shared>> -> memref<10240x128xf32, #tpu.memory_space<vmem_shared>>
        tpu.enqueue_indirect_dma source(%arg17 : memref<80x128xf32, #tpu.memory_space<vmem>>) target(%dma_start3A_504 : memref<10240x128xf32, #tpu.memory_space<vmem_shared>>) offsets(%arg11 : memref<80xi32, #tpu.memory_space<vmem>>) semaphore(%run_scoped3A : memref<!tpu.dma_semaphore, #tpu.memory_space<semaphore_mem>>) {add = true}
        %dma_wait3A_505 = arith.constant 0 : i32
        %dma_wait3A_506 = arith.constant 0 : i32
        %dma_wait3A_507 = tpu.memref_slice %arg25[%dma_wait3A_505, %dma_wait3A_506] : memref<10240x128xf32, #tpu.memory_space<vmem_shared>> -> memref<10240x128xf32, #tpu.memory_space<vmem_shared>>
        tpu.wait_indirect_dma semaphore(%run_scoped3A : memref<!tpu.dma_semaphore, #tpu.memory_space<semaphore_mem>>) src(%arg17 : memref<80x128xf32, #tpu.memory_space<vmem>>) dst(%dma_wait3A_507 : memref<10240x128xf32, #tpu.memory_space<vmem_shared>>)
        tpu.yield
      }) : () -> ()
      %get3A_415 = arith.constant 0 : index
      %get3A_416 = tpu.vector_load %arg11[%get3A_415] {strides = array<i32>} : memref<80xi32, #tpu.memory_space<vmem>>, vector<16xi32>,
      tpu.vector_store_idx %arg24[%get3A_416], %broadcast_in_dim3A_106 {add = true} : memref<10240xf32, #tpu.memory_space<vmem>>[vector<16xi32>], vector<16xf32>,
      %get3A_417 = arith.constant 16 : index
      %get3A_418 = tpu.vector_load %arg11[%get3A_417] {strides = array<i32>} : memref<80xi32, #tpu.memory_space<vmem>>, vector<16xi32>,
      tpu.vector_store_idx %arg24[%get3A_418], %broadcast_in_dim3A_106 {add = true} : memref<10240xf32, #tpu.memory_space<vmem>>[vector<16xi32>], vector<16xf32>,
      %get3A_419 = arith.constant 32 : index
      %get3A_420 = tpu.vector_load %arg11[%get3A_419] {strides = array<i32>} : memref<80xi32, #tpu.memory_space<vmem>>, vector<16xi32>,
      tpu.vector_store_idx %arg24[%get3A_420], %broadcast_in_dim3A_106 {add = true} : memref<10240xf32, #tpu.memory_space<vmem>>[vector<16xi32>], vector<16xf32>,
      %get3A_421 = arith.constant 48 : index
      %get3A_422 = tpu.vector_load %arg11[%get3A_421] {strides = array<i32>} : memref<80xi32, #tpu.memory_space<vmem>>, vector<16xi32>,
      tpu.vector_store_idx %arg24[%get3A_422], %broadcast_in_dim3A_106 {add = true} : memref<10240xf32, #tpu.memory_space<vmem>>[vector<16xi32>], vector<16xf32>,
      %get3A_423 = arith.constant 64 : index
      %get3A_424 = tpu.vector_load %arg11[%get3A_423] {strides = array<i32>} : memref<80xi32, #tpu.memory_space<vmem>>, vector<16xi32>,
      tpu.vector_store_idx %arg24[%get3A_424], %broadcast_in_dim3A_106 {add = true} : memref<10240xf32, #tpu.memory_space<vmem>>[vector<16xi32>], vector<16xf32>,
      %add3A_425 = arith.constant 5 : i32
      %add3A_426 = arith.addi %mul3A_343, %add3A_425 : i32
      %min3A_427 = arith.constant 124 : i32
      %min3A_428 = arith.minsi %add3A_426, %min3A_427 : i32
      %mul3A_429 = arith.constant 80 : i32
      %mul3A_430 = arith.muli %min3A_428, %mul3A_429 : i32
      %add3A_431 = arith.addi %mul3A_104, %mul3A_430 : i32
      %multiple_of3A_432 = tpu.assume_multiple %add3A_431, 8 : i32
      %dma_start3A_433 = tpu.memref_slice %arg3[%multiple_of3A_432] : memref<320000xi32, #tpu.memory_space<hbm>> -> memref<80xi32, #tpu.memory_space<hbm>>
      %dma_start3A_434 = tpu.memref_slice %arg3[%multiple_of3A_432] : memref<320000xi32, #tpu.memory_space<hbm>> -> memref<80xi32, #tpu.memory_space<hbm>>
      tpu.enqueue_dma source(%dma_start3A_434 : memref<80xi32, #tpu.memory_space<hbm>>) target(%arg10 : memref<80xi32, #tpu.memory_space<vmem>>) target_semaphore(%arg21 : memref<!tpu.dma_semaphore, #tpu.memory_space<semaphore_mem>>)
      %dma_start3A_435 = tpu.memref_slice %arg4[%multiple_of3A_432] : memref<320000xi32, #tpu.memory_space<hbm>> -> memref<80xi32, #tpu.memory_space<hbm>>
      %dma_start3A_436 = tpu.memref_slice %arg4[%multiple_of3A_432] : memref<320000xi32, #tpu.memory_space<hbm>> -> memref<80xi32, #tpu.memory_space<hbm>>
      tpu.enqueue_dma source(%dma_start3A_436 : memref<80xi32, #tpu.memory_space<hbm>>) target(%arg11 : memref<80xi32, #tpu.memory_space<vmem>>) target_semaphore(%arg21 : memref<!tpu.dma_semaphore, #tpu.memory_space<semaphore_mem>>)
      %add3A_437 = arith.constant 3 : i32
      %add3A_438 = arith.addi %mul3A_343, %add3A_437 : i32
      %min3A_439 = arith.constant 124 : i32
      %min3A_440 = arith.minsi %add3A_438, %min3A_439 : i32
      %mul3A_441 = arith.constant 80 : i32
      %mul3A_442 = arith.muli %min3A_440, %mul3A_441 : i32
      %add3A_443 = arith.addi %mul3A_104, %mul3A_442 : i32
      %multiple_of3A_444 = tpu.assume_multiple %add3A_443, 8 : i32
      %dma_wait3A_445 = tpu.memref_slice %arg3[%multiple_of3A_444] : memref<320000xi32, #tpu.memory_space<hbm>> -> memref<80xi32, #tpu.memory_space<hbm>>
      %dma_wait3A_446 = tpu.memref_slice %arg3[%multiple_of3A_444] : memref<320000xi32, #tpu.memory_space<hbm>> -> memref<80xi32, #tpu.memory_space<hbm>>
      tpu.wait_dma2 semaphore(%arg23 : memref<!tpu.dma_semaphore, #tpu.memory_space<semaphore_mem>>) src(%dma_wait3A_446 : memref<80xi32, #tpu.memory_space<hbm>>) dst(%arg14 : memref<80xi32, #tpu.memory_space<vmem>>)
      %dma_wait3A_447 = tpu.memref_slice %arg4[%multiple_of3A_444] : memref<320000xi32, #tpu.memory_space<hbm>> -> memref<80xi32, #tpu.memory_space<hbm>>
      %dma_wait3A_448 = tpu.memref_slice %arg4[%multiple_of3A_444] : memref<320000xi32, #tpu.memory_space<hbm>> -> memref<80xi32, #tpu.memory_space<hbm>>
      tpu.wait_dma2 semaphore(%arg23 : memref<!tpu.dma_semaphore, #tpu.memory_space<semaphore_mem>>) src(%dma_wait3A_448 : memref<80xi32, #tpu.memory_space<hbm>>) dst(%arg15 : memref<80xi32, #tpu.memory_space<vmem>>)
      %dma_start3A_449 = arith.constant 0 : i32
      %dma_start3A_450 = arith.constant 0 : i32
      %dma_start3A_451 = tpu.memref_slice %arg2[%dma_start3A_449, %dma_start3A_450] : memref<10000x128xf32, #tpu.memory_space<hbm>> -> memref<10000x128xf32, #tpu.memory_space<hbm>>
      tpu.enqueue_indirect_dma source(%dma_start3A_451 : memref<10000x128xf32, #tpu.memory_space<hbm>>) target(%arg17 : memref<80x128xf32, #tpu.memory_space<vmem>>) offsets(%arg14 : memref<80xi32, #tpu.memory_space<vmem>>) semaphore(%arg19 : memref<!tpu.dma_semaphore, #tpu.memory_space<semaphore_mem>>)
      %dma_wait3A_452 = arith.constant 0 : i32
      %dma_wait3A_453 = arith.constant 0 : i32
      %dma_wait3A_454 = tpu.memref_slice %arg2[%dma_wait3A_452, %dma_wait3A_453] : memref<10000x128xf32, #tpu.memory_space<hbm>> -> memref<10000x128xf32, #tpu.memory_space<hbm>>
      tpu.wait_indirect_dma semaphore(%arg18 : memref<!tpu.dma_semaphore, #tpu.memory_space<semaphore_mem>>) src(%dma_wait3A_454 : memref<10000x128xf32, #tpu.memory_space<hbm>>) dst(%arg16 : memref<80x128xf32, #tpu.memory_space<vmem>>)
      "tpu.region"() ({
        %run_scoped3A = tpu.sem_alloc : memref<!tpu.dma_semaphore, #tpu.memory_space<semaphore_mem>>
        %dma_start3A_502 = arith.constant 0 : i32
        %dma_start3A_503 = arith.constant 0 : i32
        %dma_start3A_504 = tpu.memref_slice %arg25[%dma_start3A_502, %dma_start3A_503] : memref<10240x128xf32, #tpu.memory_space<vmem_shared>> -> memref<10240x128xf32, #tpu.memory_space<vmem_shared>>
        tpu.enqueue_indirect_dma source(%arg16 : memref<80x128xf32, #tpu.memory_space<vmem>>) target(%dma_start3A_504 : memref<10240x128xf32, #tpu.memory_space<vmem_shared>>) offsets(%arg13 : memref<80xi32, #tpu.memory_space<vmem>>) semaphore(%run_scoped3A : memref<!tpu.dma_semaphore, #tpu.memory_space<semaphore_mem>>) {add = true}
        %dma_wait3A_505 = arith.constant 0 : i32
        %dma_wait3A_506 = arith.constant 0 : i32
        %dma_wait3A_507 = tpu.memref_slice %arg25[%dma_wait3A_505, %dma_wait3A_506] : memref<10240x128xf32, #tpu.memory_space<vmem_shared>> -> memref<10240x128xf32, #tpu.memory_space<vmem_shared>>
        tpu.wait_indirect_dma semaphore(%run_scoped3A : memref<!tpu.dma_semaphore, #tpu.memory_space<semaphore_mem>>) src(%arg16 : memref<80x128xf32, #tpu.memory_space<vmem>>) dst(%dma_wait3A_507 : memref<10240x128xf32, #tpu.memory_space<vmem_shared>>)
        tpu.yield
      }) : () -> ()
      %get3A_455 = arith.constant 0 : index
      %get3A_456 = tpu.vector_load %arg13[%get3A_455] {strides = array<i32>} : memref<80xi32, #tpu.memory_space<vmem>>, vector<16xi32>,
      tpu.vector_store_idx %arg24[%get3A_456], %broadcast_in_dim3A_106 {add = true} : memref<10240xf32, #tpu.memory_space<vmem>>[vector<16xi32>], vector<16xf32>,
      %get3A_457 = arith.constant 16 : index
      %get3A_458 = tpu.vector_load %arg13[%get3A_457] {strides = array<i32>} : memref<80xi32, #tpu.memory_space<vmem>>, vector<16xi32>,
      tpu.vector_store_idx %arg24[%get3A_458], %broadcast_in_dim3A_106 {add = true} : memref<10240xf32, #tpu.memory_space<vmem>>[vector<16xi32>], vector<16xf32>,
      %get3A_459 = arith.constant 32 : index
      %get3A_460 = tpu.vector_load %arg13[%get3A_459] {strides = array<i32>} : memref<80xi32, #tpu.memory_space<vmem>>, vector<16xi32>,
      tpu.vector_store_idx %arg24[%get3A_460], %broadcast_in_dim3A_106 {add = true} : memref<10240xf32, #tpu.memory_space<vmem>>[vector<16xi32>], vector<16xf32>,
      %get3A_461 = arith.constant 48 : index
      %get3A_462 = tpu.vector_load %arg13[%get3A_461] {strides = array<i32>} : memref<80xi32, #tpu.memory_space<vmem>>, vector<16xi32>,
      tpu.vector_store_idx %arg24[%get3A_462], %broadcast_in_dim3A_106 {add = true} : memref<10240xf32, #tpu.memory_space<vmem>>[vector<16xi32>], vector<16xf32>,
      %get3A_463 = arith.constant 64 : index
      %get3A_464 = tpu.vector_load %arg13[%get3A_463] {strides = array<i32>} : memref<80xi32, #tpu.memory_space<vmem>>, vector<16xi32>,
      tpu.vector_store_idx %arg24[%get3A_464], %broadcast_in_dim3A_106 {add = true} : memref<10240xf32, #tpu.memory_space<vmem>>[vector<16xi32>], vector<16xf32>,
      %add3A_465 = arith.constant 6 : i32
      %add3A_466 = arith.addi %mul3A_343, %add3A_465 : i32
      %min3A_467 = arith.constant 124 : i32
      %min3A_468 = arith.minsi %add3A_466, %min3A_467 : i32
      %mul3A_469 = arith.constant 80 : i32
      %mul3A_470 = arith.muli %min3A_468, %mul3A_469 : i32
      %add3A_471 = arith.addi %mul3A_104, %mul3A_470 : i32
      %multiple_of3A_472 = tpu.assume_multiple %add3A_471, 8 : i32
      %dma_start3A_473 = tpu.memref_slice %arg3[%multiple_of3A_472] : memref<320000xi32, #tpu.memory_space<hbm>> -> memref<80xi32, #tpu.memory_space<hbm>>
      %dma_start3A_474 = tpu.memref_slice %arg3[%multiple_of3A_472] : memref<320000xi32, #tpu.memory_space<hbm>> -> memref<80xi32, #tpu.memory_space<hbm>>
      tpu.enqueue_dma source(%dma_start3A_474 : memref<80xi32, #tpu.memory_space<hbm>>) target(%arg12 : memref<80xi32, #tpu.memory_space<vmem>>) target_semaphore(%arg22 : memref<!tpu.dma_semaphore, #tpu.memory_space<semaphore_mem>>)
      %dma_start3A_475 = tpu.memref_slice %arg4[%multiple_of3A_472] : memref<320000xi32, #tpu.memory_space<hbm>> -> memref<80xi32, #tpu.memory_space<hbm>>
      %dma_start3A_476 = tpu.memref_slice %arg4[%multiple_of3A_472] : memref<320000xi32, #tpu.memory_space<hbm>> -> memref<80xi32, #tpu.memory_space<hbm>>
      tpu.enqueue_dma source(%dma_start3A_476 : memref<80xi32, #tpu.memory_space<hbm>>) target(%arg13 : memref<80xi32, #tpu.memory_space<vmem>>) target_semaphore(%arg22 : memref<!tpu.dma_semaphore, #tpu.memory_space<semaphore_mem>>)
      %dma_wait3A_477 = arith.constant 0 : i32
      %dma_wait3A_478 = arith.constant 0 : i32
      %dma_wait3A_479 = tpu.memref_slice %arg2[%dma_wait3A_477, %dma_wait3A_478] : memref<10000x128xf32, #tpu.memory_space<hbm>> -> memref<10000x128xf32, #tpu.memory_space<hbm>>
      tpu.wait_indirect_dma semaphore(%arg19 : memref<!tpu.dma_semaphore, #tpu.memory_space<semaphore_mem>>) src(%dma_wait3A_479 : memref<10000x128xf32, #tpu.memory_space<hbm>>) dst(%arg17 : memref<80x128xf32, #tpu.memory_space<vmem>>)
      "tpu.region"() ({
        %run_scoped3A = tpu.sem_alloc : memref<!tpu.dma_semaphore, #tpu.memory_space<semaphore_mem>>
        %dma_start3A_502 = arith.constant 0 : i32
        %dma_start3A_503 = arith.constant 0 : i32
        %dma_start3A_504 = tpu.memref_slice %arg25[%dma_start3A_502, %dma_start3A_503] : memref<10240x128xf32, #tpu.memory_space<vmem_shared>> -> memref<10240x128xf32, #tpu.memory_space<vmem_shared>>
        tpu.enqueue_indirect_dma source(%arg17 : memref<80x128xf32, #tpu.memory_space<vmem>>) target(%dma_start3A_504 : memref<10240x128xf32, #tpu.memory_space<vmem_shared>>) offsets(%arg15 : memref<80xi32, #tpu.memory_space<vmem>>) semaphore(%run_scoped3A : memref<!tpu.dma_semaphore, #tpu.memory_space<semaphore_mem>>) {add = true}
        %dma_wait3A_505 = arith.constant 0 : i32
        %dma_wait3A_506 = arith.constant 0 : i32
        %dma_wait3A_507 = tpu.memref_slice %arg25[%dma_wait3A_505, %dma_wait3A_506] : memref<10240x128xf32, #tpu.memory_space<vmem_shared>> -> memref<10240x128xf32, #tpu.memory_space<vmem_shared>>
        tpu.wait_indirect_dma semaphore(%run_scoped3A : memref<!tpu.dma_semaphore, #tpu.memory_space<semaphore_mem>>) src(%arg17 : memref<80x128xf32, #tpu.memory_space<vmem>>) dst(%dma_wait3A_507 : memref<10240x128xf32, #tpu.memory_space<vmem_shared>>)
        tpu.yield
      }) : () -> ()
      %get3A_480 = arith.constant 0 : index
      %get3A_481 = tpu.vector_load %arg15[%get3A_480] {strides = array<i32>} : memref<80xi32, #tpu.memory_space<vmem>>, vector<16xi32>,
      tpu.vector_store_idx %arg24[%get3A_481], %broadcast_in_dim3A_106 {add = true} : memref<10240xf32, #tpu.memory_space<vmem>>[vector<16xi32>], vector<16xf32>,
      %get3A_482 = arith.constant 16 : index
      %get3A_483 = tpu.vector_load %arg15[%get3A_482] {strides = array<i32>} : memref<80xi32, #tpu.memory_space<vmem>>, vector<16xi32>,
      tpu.vector_store_idx %arg24[%get3A_483], %broadcast_in_dim3A_106 {add = true} : memref<10240xf32, #tpu.memory_space<vmem>>[vector<16xi32>], vector<16xf32>,
      %get3A_484 = arith.constant 32 : index
      %get3A_485 = tpu.vector_load %arg15[%get3A_484] {strides = array<i32>} : memref<80xi32, #tpu.memory_space<vmem>>, vector<16xi32>,
      tpu.vector_store_idx %arg24[%get3A_485], %broadcast_in_dim3A_106 {add = true} : memref<10240xf32, #tpu.memory_space<vmem>>[vector<16xi32>], vector<16xf32>,
      %get3A_486 = arith.constant 48 : index
      %get3A_487 = tpu.vector_load %arg15[%get3A_486] {strides = array<i32>} : memref<80xi32, #tpu.memory_space<vmem>>, vector<16xi32>,
      tpu.vector_store_idx %arg24[%get3A_487], %broadcast_in_dim3A_106 {add = true} : memref<10240xf32, #tpu.memory_space<vmem>>[vector<16xi32>], vector<16xf32>,
      %get3A_488 = arith.constant 64 : index
      %get3A_489 = tpu.vector_load %arg15[%get3A_488] {strides = array<i32>} : memref<80xi32, #tpu.memory_space<vmem>>, vector<16xi32>,
      tpu.vector_store_idx %arg24[%get3A_489], %broadcast_in_dim3A_106 {add = true} : memref<10240xf32, #tpu.memory_space<vmem>>[vector<16xi32>], vector<16xf32>,
      %add3A_490 = arith.constant 7 : i32
      %add3A_491 = arith.addi %mul3A_343, %add3A_490 : i32
      %min3A_492 = arith.constant 124 : i32
      %min3A_493 = arith.minsi %add3A_491, %min3A_492 : i32
      %mul3A_494 = arith.constant 80 : i32
      %mul3A_495 = arith.muli %min3A_493, %mul3A_494 : i32
      %add3A_496 = arith.addi %mul3A_104, %mul3A_495 : i32
      %multiple_of3A_497 = tpu.assume_multiple %add3A_496, 8 : i32
      %dma_start3A_498 = tpu.memref_slice %arg3[%multiple_of3A_497] : memref<320000xi32, #tpu.memory_space<hbm>> -> memref<80xi32, #tpu.memory_space<hbm>>
      %dma_start3A_499 = tpu.memref_slice %arg3[%multiple_of3A_497] : memref<320000xi32, #tpu.memory_space<hbm>> -> memref<80xi32, #tpu.memory_space<hbm>>
      tpu.enqueue_dma source(%dma_start3A_499 : memref<80xi32, #tpu.memory_space<hbm>>) target(%arg14 : memref<80xi32, #tpu.memory_space<vmem>>) target_semaphore(%arg23 : memref<!tpu.dma_semaphore, #tpu.memory_space<semaphore_mem>>)
      %dma_start3A_500 = tpu.memref_slice %arg4[%multiple_of3A_497] : memref<320000xi32, #tpu.memory_space<hbm>> -> memref<80xi32, #tpu.memory_space<hbm>>
      %dma_start3A_501 = tpu.memref_slice %arg4[%multiple_of3A_497] : memref<320000xi32, #tpu.memory_space<hbm>> -> memref<80xi32, #tpu.memory_space<hbm>>
      tpu.enqueue_dma source(%dma_start3A_501 : memref<80xi32, #tpu.memory_space<hbm>>) target(%arg15 : memref<80xi32, #tpu.memory_space<vmem>>) target_semaphore(%arg23 : memref<!tpu.dma_semaphore, #tpu.memory_space<semaphore_mem>>)
    }
    %scan3A_155 = arith.constant 31 : i32
    %min3A_156 = arith.constant 124 : i32
    %min3A_157 = arith.constant 124 : i32
    %min3A_158 = arith.minsi %min3A_156, %min3A_157 : i32
    %mul3A_159 = arith.constant 80 : i32
    %mul3A_160 = arith.muli %min3A_158, %mul3A_159 : i32
    %add3A_161 = arith.addi %mul3A_104, %mul3A_160 : i32
    %multiple_of3A_162 = tpu.assume_multiple %add3A_161, 8 : i32
    %dma_wait3A_163 = tpu.memref_slice %arg3[%multiple_of3A_162] : memref<320000xi32, #tpu.memory_space<hbm>> -> memref<80xi32, #tpu.memory_space<hbm>>
    %dma_wait3A_164 = tpu.memref_slice %arg3[%multiple_of3A_162] : memref<320000xi32, #tpu.memory_space<hbm>> -> memref<80xi32, #tpu.memory_space<hbm>>
    tpu.wait_dma2 semaphore(%arg20 : memref<!tpu.dma_semaphore, #tpu.memory_space<semaphore_mem>>) src(%dma_wait3A_164 : memref<80xi32, #tpu.memory_space<hbm>>) dst(%arg8 : memref<80xi32, #tpu.memory_space<vmem>>)
    %dma_wait3A_165 = tpu.memref_slice %arg4[%multiple_of3A_162] : memref<320000xi32, #tpu.memory_space<hbm>> -> memref<80xi32, #tpu.memory_space<hbm>>
    %dma_wait3A_166 = tpu.memref_slice %arg4[%multiple_of3A_162] : memref<320000xi32, #tpu.memory_space<hbm>> -> memref<80xi32, #tpu.memory_space<hbm>>
    tpu.wait_dma2 semaphore(%arg20 : memref<!tpu.dma_semaphore, #tpu.memory_space<semaphore_mem>>) src(%dma_wait3A_166 : memref<80xi32, #tpu.memory_space<hbm>>) dst(%arg9 : memref<80xi32, #tpu.memory_space<vmem>>)
    %dma_start3A_167 = arith.constant 0 : i32
    %dma_start3A_168 = arith.constant 0 : i32
    %dma_start3A_169 = tpu.memref_slice %arg2[%dma_start3A_167, %dma_start3A_168] : memref<10000x128xf32, #tpu.memory_space<hbm>> -> memref<10000x128xf32, #tpu.memory_space<hbm>>
    tpu.enqueue_indirect_dma source(%dma_start3A_169 : memref<10000x128xf32, #tpu.memory_space<hbm>>) target(%arg16 : memref<80x128xf32, #tpu.memory_space<vmem>>) offsets(%arg8 : memref<80xi32, #tpu.memory_space<vmem>>) semaphore(%arg18 : memref<!tpu.dma_semaphore, #tpu.memory_space<semaphore_mem>>)
    %dma_wait3A_170 = arith.constant 0 : i32
    %dma_wait3A_171 = arith.constant 0 : i32
    %dma_wait3A_172 = tpu.memref_slice %arg2[%dma_wait3A_170, %dma_wait3A_171] : memref<10000x128xf32, #tpu.memory_space<hbm>> -> memref<10000x128xf32, #tpu.memory_space<hbm>>
    tpu.wait_indirect_dma semaphore(%arg18 : memref<!tpu.dma_semaphore, #tpu.memory_space<semaphore_mem>>) src(%dma_wait3A_172 : memref<10000x128xf32, #tpu.memory_space<hbm>>) dst(%arg16 : memref<80x128xf32, #tpu.memory_space<vmem>>)
    "tpu.region"() ({
      %run_scoped3A = tpu.sem_alloc : memref<!tpu.dma_semaphore, #tpu.memory_space<semaphore_mem>>
      %dma_start3A_341 = arith.constant 0 : i32
      %dma_start3A_342 = arith.constant 0 : i32
      %dma_start3A_343 = tpu.memref_slice %arg25[%dma_start3A_341, %dma_start3A_342] : memref<10240x128xf32, #tpu.memory_space<vmem_shared>> -> memref<10240x128xf32, #tpu.memory_space<vmem_shared>>
      tpu.enqueue_indirect_dma source(%arg16 : memref<80x128xf32, #tpu.memory_space<vmem>>) target(%dma_start3A_343 : memref<10240x128xf32, #tpu.memory_space<vmem_shared>>) offsets(%arg9 : memref<80xi32, #tpu.memory_space<vmem>>) semaphore(%run_scoped3A : memref<!tpu.dma_semaphore, #tpu.memory_space<semaphore_mem>>) {add = true}
      %dma_wait3A_344 = arith.constant 0 : i32
      %dma_wait3A_345 = arith.constant 0 : i32
      %dma_wait3A_346 = tpu.memref_slice %arg25[%dma_wait3A_344, %dma_wait3A_345] : memref<10240x128xf32, #tpu.memory_space<vmem_shared>> -> memref<10240x128xf32, #tpu.memory_space<vmem_shared>>
      tpu.wait_indirect_dma semaphore(%run_scoped3A : memref<!tpu.dma_semaphore, #tpu.memory_space<semaphore_mem>>) src(%arg16 : memref<80x128xf32, #tpu.memory_space<vmem>>) dst(%dma_wait3A_346 : memref<10240x128xf32, #tpu.memory_space<vmem_shared>>)
      tpu.yield
    }) : () -> ()
    %get3A = arith.constant 0 : index
    %get3A_173 = tpu.vector_load %arg9[%get3A] {strides = array<i32>} : memref<80xi32, #tpu.memory_space<vmem>>, vector<16xi32>,
    tpu.vector_store_idx %arg24[%get3A_173], %broadcast_in_dim3A_106 {add = true} : memref<10240xf32, #tpu.memory_space<vmem>>[vector<16xi32>], vector<16xf32>,
    %get3A_174 = arith.constant 16 : index
    %get3A_175 = tpu.vector_load %arg9[%get3A_174] {strides = array<i32>} : memref<80xi32, #tpu.memory_space<vmem>>, vector<16xi32>,
    tpu.vector_store_idx %arg24[%get3A_175], %broadcast_in_dim3A_106 {add = true} : memref<10240xf32, #tpu.memory_space<vmem>>[vector<16xi32>], vector<16xf32>,
    %get3A_176 = arith.constant 32 : index
    %get3A_177 = tpu.vector_load %arg9[%get3A_176] {strides = array<i32>} : memref<80xi32, #tpu.memory_space<vmem>>, vector<16xi32>,
    tpu.vector_store_idx %arg24[%get3A_177], %broadcast_in_dim3A_106 {add = true} : memref<10240xf32, #tpu.memory_space<vmem>>[vector<16xi32>], vector<16xf32>,
    %get3A_178 = arith.constant 48 : index
    %get3A_179 = tpu.vector_load %arg9[%get3A_178] {strides = array<i32>} : memref<80xi32, #tpu.memory_space<vmem>>, vector<16xi32>,
    tpu.vector_store_idx %arg24[%get3A_179], %broadcast_in_dim3A_106 {add = true} : memref<10240xf32, #tpu.memory_space<vmem>>[vector<16xi32>], vector<16xf32>,
    %get3A_180 = arith.constant 64 : index
    %get3A_181 = tpu.vector_load %arg9[%get3A_180] {strides = array<i32>} : memref<80xi32, #tpu.memory_space<vmem>>, vector<16xi32>,
    tpu.vector_store_idx %arg24[%get3A_181], %broadcast_in_dim3A_106 {add = true} : memref<10240xf32, #tpu.memory_space<vmem>>[vector<16xi32>], vector<16xf32>,
    %min3A_182 = arith.constant 125 : i32
    %min3A_183 = arith.constant 124 : i32
    %min3A_184 = arith.minsi %min3A_182, %min3A_183 : i32
    %mul3A_185 = arith.constant 80 : i32
    %mul3A_186 = arith.muli %min3A_184, %mul3A_185 : i32
    %add3A_187 = arith.addi %mul3A_104, %mul3A_186 : i32
    %multiple_of3A_188 = tpu.assume_multiple %add3A_187, 8 : i32
    %dma_wait3A_189 = tpu.memref_slice %arg3[%multiple_of3A_188] : memref<320000xi32, #tpu.memory_space<hbm>> -> memref<80xi32, #tpu.memory_space<hbm>>
    %dma_wait3A_190 = tpu.memref_slice %arg3[%multiple_of3A_188] : memref<320000xi32, #tpu.memory_space<hbm>> -> memref<80xi32, #tpu.memory_space<hbm>>
    tpu.wait_dma2 semaphore(%arg21 : memref<!tpu.dma_semaphore, #tpu.memory_space<semaphore_mem>>) src(%dma_wait3A_190 : memref<80xi32, #tpu.memory_space<hbm>>) dst(%arg10 : memref<80xi32, #tpu.memory_space<vmem>>)
    %dma_wait3A_191 = tpu.memref_slice %arg4[%multiple_of3A_188] : memref<320000xi32, #tpu.memory_space<hbm>> -> memref<80xi32, #tpu.memory_space<hbm>>
    %dma_wait3A_192 = tpu.memref_slice %arg4[%multiple_of3A_188] : memref<320000xi32, #tpu.memory_space<hbm>> -> memref<80xi32, #tpu.memory_space<hbm>>
    tpu.wait_dma2 semaphore(%arg21 : memref<!tpu.dma_semaphore, #tpu.memory_space<semaphore_mem>>) src(%dma_wait3A_192 : memref<80xi32, #tpu.memory_space<hbm>>) dst(%arg11 : memref<80xi32, #tpu.memory_space<vmem>>)
    %min3A_193 = arith.constant 126 : i32
    %min3A_194 = arith.constant 124 : i32
    %min3A_195 = arith.minsi %min3A_193, %min3A_194 : i32
    %mul3A_196 = arith.constant 80 : i32
    %mul3A_197 = arith.muli %min3A_195, %mul3A_196 : i32
    %add3A_198 = arith.addi %mul3A_104, %mul3A_197 : i32
    %multiple_of3A_199 = tpu.assume_multiple %add3A_198, 8 : i32
    %dma_wait3A_200 = tpu.memref_slice %arg3[%multiple_of3A_199] : memref<320000xi32, #tpu.memory_space<hbm>> -> memref<80xi32, #tpu.memory_space<hbm>>
    %dma_wait3A_201 = tpu.memref_slice %arg3[%multiple_of3A_199] : memref<320000xi32, #tpu.memory_space<hbm>> -> memref<80xi32, #tpu.memory_space<hbm>>
    tpu.wait_dma2 semaphore(%arg22 : memref<!tpu.dma_semaphore, #tpu.memory_space<semaphore_mem>>) src(%dma_wait3A_201 : memref<80xi32, #tpu.memory_space<hbm>>) dst(%arg12 : memref<80xi32, #tpu.memory_space<vmem>>)
    %dma_wait3A_202 = tpu.memref_slice %arg4[%multiple_of3A_199] : memref<320000xi32, #tpu.memory_space<hbm>> -> memref<80xi32, #tpu.memory_space<hbm>>
    %dma_wait3A_203 = tpu.memref_slice %arg4[%multiple_of3A_199] : memref<320000xi32, #tpu.memory_space<hbm>> -> memref<80xi32, #tpu.memory_space<hbm>>
    tpu.wait_dma2 semaphore(%arg22 : memref<!tpu.dma_semaphore, #tpu.memory_space<semaphore_mem>>) src(%dma_wait3A_203 : memref<80xi32, #tpu.memory_space<hbm>>) dst(%arg13 : memref<80xi32, #tpu.memory_space<vmem>>)
    %min3A_204 = arith.constant 127 : i32
    %min3A_205 = arith.constant 124 : i32
    %min3A_206 = arith.minsi %min3A_204, %min3A_205 : i32
    %mul3A_207 = arith.constant 80 : i32
    %mul3A_208 = arith.muli %min3A_206, %mul3A_207 : i32
    %add3A_209 = arith.addi %mul3A_104, %mul3A_208 : i32
    %multiple_of3A_210 = tpu.assume_multiple %add3A_209, 8 : i32
    %dma_wait3A_211 = tpu.memref_slice %arg3[%multiple_of3A_210] : memref<320000xi32, #tpu.memory_space<hbm>> -> memref<80xi32, #tpu.memory_space<hbm>>
    %dma_wait3A_212 = tpu.memref_slice %arg3[%multiple_of3A_210] : memref<320000xi32, #tpu.memory_space<hbm>> -> memref<80xi32, #tpu.memory_space<hbm>>
    tpu.wait_dma2 semaphore(%arg23 : memref<!tpu.dma_semaphore, #tpu.memory_space<semaphore_mem>>) src(%dma_wait3A_212 : memref<80xi32, #tpu.memory_space<hbm>>) dst(%arg14 : memref<80xi32, #tpu.memory_space<vmem>>)
    %dma_wait3A_213 = tpu.memref_slice %arg4[%multiple_of3A_210] : memref<320000xi32, #tpu.memory_space<hbm>> -> memref<80xi32, #tpu.memory_space<hbm>>
    %dma_wait3A_214 = tpu.memref_slice %arg4[%multiple_of3A_210] : memref<320000xi32, #tpu.memory_space<hbm>> -> memref<80xi32, #tpu.memory_space<hbm>>
    tpu.wait_dma2 semaphore(%arg23 : memref<!tpu.dma_semaphore, #tpu.memory_space<semaphore_mem>>) src(%dma_wait3A_214 : memref<80xi32, #tpu.memory_space<hbm>>) dst(%arg15 : memref<80xi32, #tpu.memory_space<vmem>>)
    %barrier3A_215 = arith.constant 0 : index
    tpu.barrier barrier_id(%barrier3A_215)
    %mul3A_216 = arith.constant 10240 : i32
    %mul3A_217 = arith.muli %arg0, %mul3A_216 : i32
    %mul3A_218 = arith.constant 640 : i32
    %mul3A_219 = arith.muli %arg1, %mul3A_218 : i32
    %add3A_220 = arith.addi %mul3A_217, %mul3A_219 : i32
    %multiple_of3A_221 = tpu.assume_multiple %add3A_220, 8 : i32
    %mul3A_222 = arith.constant 10240 : i32
    %mul3A_223 = arith.muli %add3A, %mul3A_222 : i32
    %multiple_of3A_224 = tpu.assume_multiple %mul3A_223, 8 : i32
    %dma_start3A_225 = tpu.memref_slice %arg7[%multiple_of3A_224] : memref<327680xf32, #tpu.memory_space<hbm>> -> memref<10240xf32, #tpu.memory_space<hbm>>
    %dma_start3A_226 = tpu.memref_slice %arg7[%multiple_of3A_224] : memref<327680xf32, #tpu.memory_space<hbm>> -> memref<10240xf32, #tpu.memory_space<hbm>>
    tpu.enqueue_dma source(%arg24 : memref<10240xf32, #tpu.memory_space<vmem>>) target(%dma_start3A_226 : memref<10240xf32, #tpu.memory_space<hbm>>) target_semaphore(%arg20 : memref<!tpu.dma_semaphore, #tpu.memory_space<semaphore_mem>>)
    %add3A_227 = arith.constant 0 : i32
    %add3A_228 = arith.addi %multiple_of3A, %add3A_227 : i32
    "tpu.region"() ({
      %run_scoped3A = tpu.sem_alloc : memref<!tpu.dma_semaphore, #tpu.memory_space<semaphore_mem>>
      %dma_start3A_341 = arith.constant 0 : i32
      %dma_start3A_342 = tpu.memref_slice %arg25[%add3A_228, %dma_start3A_341] : memref<10240x128xf32, #tpu.memory_space<vmem_shared>> -> memref<80x128xf32, #tpu.memory_space<vmem_shared>>
      %dma_start3A_343 = arith.constant 0 : i32
      %dma_start3A_344 = tpu.memref_slice %arg25[%add3A_228, %dma_start3A_343] : memref<10240x128xf32, #tpu.memory_space<vmem_shared>> -> memref<80x128xf32, #tpu.memory_space<vmem_shared>>
      tpu.enqueue_dma source(%dma_start3A_344 : memref<80x128xf32, #tpu.memory_space<vmem_shared>>) target(%arg16 : memref<80x128xf32, #tpu.memory_space<vmem>>) target_semaphore(%run_scoped3A : memref<!tpu.dma_semaphore, #tpu.memory_space<semaphore_mem>>)
      %dma_wait3A_345 = arith.constant 0 : i32
      %dma_wait3A_346 = tpu.memref_slice %arg25[%add3A_228, %dma_wait3A_345] : memref<10240x128xf32, #tpu.memory_space<vmem_shared>> -> memref<80x128xf32, #tpu.memory_space<vmem_shared>>
      %dma_wait3A_347 = arith.constant 0 : i32
      %dma_wait3A_348 = tpu.memref_slice %arg25[%add3A_228, %dma_wait3A_347] : memref<10240x128xf32, #tpu.memory_space<vmem_shared>> -> memref<80x128xf32, #tpu.memory_space<vmem_shared>>
      tpu.wait_dma2 semaphore(%run_scoped3A : memref<!tpu.dma_semaphore, #tpu.memory_space<semaphore_mem>>) src(%dma_wait3A_348 : memref<80x128xf32, #tpu.memory_space<vmem_shared>>) dst(%arg16 : memref<80x128xf32, #tpu.memory_space<vmem>>)
      tpu.yield
    }) : () -> ()
    %add3A_229 = arith.constant 0 : i32
    %add3A_230 = arith.addi %multiple_of3A_221, %add3A_229 : i32
    %dma_start3A_231 = arith.constant 0 : i32
    %dma_start3A_232 = tpu.memref_slice %arg6[%add3A_230, %dma_start3A_231] : memref<20480x128xf32, #tpu.memory_space<hbm>> -> memref<80x128xf32, #tpu.memory_space<hbm>>
    %dma_start3A_233 = arith.constant 0 : i32
    %dma_start3A_234 = tpu.memref_slice %arg6[%add3A_230, %dma_start3A_233] : memref<20480x128xf32, #tpu.memory_space<hbm>> -> memref<80x128xf32, #tpu.memory_space<hbm>>
    tpu.enqueue_dma source(%arg16 : memref<80x128xf32, #tpu.memory_space<vmem>>) target(%dma_start3A_234 : memref<80x128xf32, #tpu.memory_space<hbm>>) target_semaphore(%arg18 : memref<!tpu.dma_semaphore, #tpu.memory_space<semaphore_mem>>)
    %add3A_235 = arith.constant 80 : i32
    %add3A_236 = arith.addi %multiple_of3A, %add3A_235 : i32
    "tpu.region"() ({
      %run_scoped3A = tpu.sem_alloc : memref<!tpu.dma_semaphore, #tpu.memory_space<semaphore_mem>>
      %dma_start3A_341 = arith.constant 0 : i32
      %dma_start3A_342 = tpu.memref_slice %arg25[%add3A_236, %dma_start3A_341] : memref<10240x128xf32, #tpu.memory_space<vmem_shared>> -> memref<80x128xf32, #tpu.memory_space<vmem_shared>>
      %dma_start3A_343 = arith.constant 0 : i32
      %dma_start3A_344 = tpu.memref_slice %arg25[%add3A_236, %dma_start3A_343] : memref<10240x128xf32, #tpu.memory_space<vmem_shared>> -> memref<80x128xf32, #tpu.memory_space<vmem_shared>>
      tpu.enqueue_dma source(%dma_start3A_344 : memref<80x128xf32, #tpu.memory_space<vmem_shared>>) target(%arg17 : memref<80x128xf32, #tpu.memory_space<vmem>>) target_semaphore(%run_scoped3A : memref<!tpu.dma_semaphore, #tpu.memory_space<semaphore_mem>>)
      %dma_wait3A_345 = arith.constant 0 : i32
      %dma_wait3A_346 = tpu.memref_slice %arg25[%add3A_236, %dma_wait3A_345] : memref<10240x128xf32, #tpu.memory_space<vmem_shared>> -> memref<80x128xf32, #tpu.memory_space<vmem_shared>>
      %dma_wait3A_347 = arith.constant 0 : i32
      %dma_wait3A_348 = tpu.memref_slice %arg25[%add3A_236, %dma_wait3A_347] : memref<10240x128xf32, #tpu.memory_space<vmem_shared>> -> memref<80x128xf32, #tpu.memory_space<vmem_shared>>
      tpu.wait_dma2 semaphore(%run_scoped3A : memref<!tpu.dma_semaphore, #tpu.memory_space<semaphore_mem>>) src(%dma_wait3A_348 : memref<80x128xf32, #tpu.memory_space<vmem_shared>>) dst(%arg17 : memref<80x128xf32, #tpu.memory_space<vmem>>)
      tpu.yield
    }) : () -> ()
    %add3A_237 = arith.constant 80 : i32
    %add3A_238 = arith.addi %multiple_of3A_221, %add3A_237 : i32
    %dma_start3A_239 = arith.constant 0 : i32
    %dma_start3A_240 = tpu.memref_slice %arg6[%add3A_238, %dma_start3A_239] : memref<20480x128xf32, #tpu.memory_space<hbm>> -> memref<80x128xf32, #tpu.memory_space<hbm>>
    %dma_start3A_241 = arith.constant 0 : i32
    %dma_start3A_242 = tpu.memref_slice %arg6[%add3A_238, %dma_start3A_241] : memref<20480x128xf32, #tpu.memory_space<hbm>> -> memref<80x128xf32, #tpu.memory_space<hbm>>
    tpu.enqueue_dma source(%arg17 : memref<80x128xf32, #tpu.memory_space<vmem>>) target(%dma_start3A_242 : memref<80x128xf32, #tpu.memory_space<hbm>>) target_semaphore(%arg19 : memref<!tpu.dma_semaphore, #tpu.memory_space<semaphore_mem>>)
    %add3A_243 = arith.constant 0 : i32
    %add3A_244 = arith.addi %multiple_of3A_221, %add3A_243 : i32
    %dma_wait3A_245 = arith.constant 0 : i32
    %dma_wait3A_246 = tpu.memref_slice %arg6[%add3A_244, %dma_wait3A_245] : memref<20480x128xf32, #tpu.memory_space<hbm>> -> memref<80x128xf32, #tpu.memory_space<hbm>>
    %dma_wait3A_247 = arith.constant 0 : i32
    %dma_wait3A_248 = tpu.memref_slice %arg6[%add3A_244, %dma_wait3A_247] : memref<20480x128xf32, #tpu.memory_space<hbm>> -> memref<80x128xf32, #tpu.memory_space<hbm>>
    tpu.wait_dma2 semaphore(%arg18 : memref<!tpu.dma_semaphore, #tpu.memory_space<semaphore_mem>>) src(%arg16 : memref<80x128xf32, #tpu.memory_space<vmem>>) dst(%dma_wait3A_248 : memref<80x128xf32, #tpu.memory_space<hbm>>)
    %add3A_249 = arith.constant 160 : i32
    %add3A_250 = arith.addi %multiple_of3A, %add3A_249 : i32
    "tpu.region"() ({
      %run_scoped3A = tpu.sem_alloc : memref<!tpu.dma_semaphore, #tpu.memory_space<semaphore_mem>>
      %dma_start3A_341 = arith.constant 0 : i32
      %dma_start3A_342 = tpu.memref_slice %arg25[%add3A_250, %dma_start3A_341] : memref<10240x128xf32, #tpu.memory_space<vmem_shared>> -> memref<80x128xf32, #tpu.memory_space<vmem_shared>>
      %dma_start3A_343 = arith.constant 0 : i32
      %dma_start3A_344 = tpu.memref_slice %arg25[%add3A_250, %dma_start3A_343] : memref<10240x128xf32, #tpu.memory_space<vmem_shared>> -> memref<80x128xf32, #tpu.memory_space<vmem_shared>>
      tpu.enqueue_dma source(%dma_start3A_344 : memref<80x128xf32, #tpu.memory_space<vmem_shared>>) target(%arg16 : memref<80x128xf32, #tpu.memory_space<vmem>>) target_semaphore(%run_scoped3A : memref<!tpu.dma_semaphore, #tpu.memory_space<semaphore_mem>>)
      %dma_wait3A_345 = arith.constant 0 : i32
      %dma_wait3A_346 = tpu.memref_slice %arg25[%add3A_250, %dma_wait3A_345] : memref<10240x128xf32, #tpu.memory_space<vmem_shared>> -> memref<80x128xf32, #tpu.memory_space<vmem_shared>>
      %dma_wait3A_347 = arith.constant 0 : i32
      %dma_wait3A_348 = tpu.memref_slice %arg25[%add3A_250, %dma_wait3A_347] : memref<10240x128xf32, #tpu.memory_space<vmem_shared>> -> memref<80x128xf32, #tpu.memory_space<vmem_shared>>
      tpu.wait_dma2 semaphore(%run_scoped3A : memref<!tpu.dma_semaphore, #tpu.memory_space<semaphore_mem>>) src(%dma_wait3A_348 : memref<80x128xf32, #tpu.memory_space<vmem_shared>>) dst(%arg16 : memref<80x128xf32, #tpu.memory_space<vmem>>)
      tpu.yield
    }) : () -> ()
    %add3A_251 = arith.constant 160 : i32
    %add3A_252 = arith.addi %multiple_of3A_221, %add3A_251 : i32
    %dma_start3A_253 = arith.constant 0 : i32
    %dma_start3A_254 = tpu.memref_slice %arg6[%add3A_252, %dma_start3A_253] : memref<20480x128xf32, #tpu.memory_space<hbm>> -> memref<80x128xf32, #tpu.memory_space<hbm>>
    %dma_start3A_255 = arith.constant 0 : i32
    %dma_start3A_256 = tpu.memref_slice %arg6[%add3A_252, %dma_start3A_255] : memref<20480x128xf32, #tpu.memory_space<hbm>> -> memref<80x128xf32, #tpu.memory_space<hbm>>
    tpu.enqueue_dma source(%arg16 : memref<80x128xf32, #tpu.memory_space<vmem>>) target(%dma_start3A_256 : memref<80x128xf32, #tpu.memory_space<hbm>>) target_semaphore(%arg18 : memref<!tpu.dma_semaphore, #tpu.memory_space<semaphore_mem>>)
    %add3A_257 = arith.constant 80 : i32
    %add3A_258 = arith.addi %multiple_of3A_221, %add3A_257 : i32
    %dma_wait3A_259 = arith.constant 0 : i32
    %dma_wait3A_260 = tpu.memref_slice %arg6[%add3A_258, %dma_wait3A_259] : memref<20480x128xf32, #tpu.memory_space<hbm>> -> memref<80x128xf32, #tpu.memory_space<hbm>>
    %dma_wait3A_261 = arith.constant 0 : i32
    %dma_wait3A_262 = tpu.memref_slice %arg6[%add3A_258, %dma_wait3A_261] : memref<20480x128xf32, #tpu.memory_space<hbm>> -> memref<80x128xf32, #tpu.memory_space<hbm>>
    tpu.wait_dma2 semaphore(%arg19 : memref<!tpu.dma_semaphore, #tpu.memory_space<semaphore_mem>>) src(%arg17 : memref<80x128xf32, #tpu.memory_space<vmem>>) dst(%dma_wait3A_262 : memref<80x128xf32, #tpu.memory_space<hbm>>)
    %add3A_263 = arith.constant 240 : i32
    %add3A_264 = arith.addi %multiple_of3A, %add3A_263 : i32
    "tpu.region"() ({
      %run_scoped3A = tpu.sem_alloc : memref<!tpu.dma_semaphore, #tpu.memory_space<semaphore_mem>>
      %dma_start3A_341 = arith.constant 0 : i32
      %dma_start3A_342 = tpu.memref_slice %arg25[%add3A_264, %dma_start3A_341] : memref<10240x128xf32, #tpu.memory_space<vmem_shared>> -> memref<80x128xf32, #tpu.memory_space<vmem_shared>>
      %dma_start3A_343 = arith.constant 0 : i32
      %dma_start3A_344 = tpu.memref_slice %arg25[%add3A_264, %dma_start3A_343] : memref<10240x128xf32, #tpu.memory_space<vmem_shared>> -> memref<80x128xf32, #tpu.memory_space<vmem_shared>>
      tpu.enqueue_dma source(%dma_start3A_344 : memref<80x128xf32, #tpu.memory_space<vmem_shared>>) target(%arg17 : memref<80x128xf32, #tpu.memory_space<vmem>>) target_semaphore(%run_scoped3A : memref<!tpu.dma_semaphore, #tpu.memory_space<semaphore_mem>>)
      %dma_wait3A_345 = arith.constant 0 : i32
      %dma_wait3A_346 = tpu.memref_slice %arg25[%add3A_264, %dma_wait3A_345] : memref<10240x128xf32, #tpu.memory_space<vmem_shared>> -> memref<80x128xf32, #tpu.memory_space<vmem_shared>>
      %dma_wait3A_347 = arith.constant 0 : i32
      %dma_wait3A_348 = tpu.memref_slice %arg25[%add3A_264, %dma_wait3A_347] : memref<10240x128xf32, #tpu.memory_space<vmem_shared>> -> memref<80x128xf32, #tpu.memory_space<vmem_shared>>
      tpu.wait_dma2 semaphore(%run_scoped3A : memref<!tpu.dma_semaphore, #tpu.memory_space<semaphore_mem>>) src(%dma_wait3A_348 : memref<80x128xf32, #tpu.memory_space<vmem_shared>>) dst(%arg17 : memref<80x128xf32, #tpu.memory_space<vmem>>)
      tpu.yield
    }) : () -> ()
    %add3A_265 = arith.constant 240 : i32
    %add3A_266 = arith.addi %multiple_of3A_221, %add3A_265 : i32
    %dma_start3A_267 = arith.constant 0 : i32
    %dma_start3A_268 = tpu.memref_slice %arg6[%add3A_266, %dma_start3A_267] : memref<20480x128xf32, #tpu.memory_space<hbm>> -> memref<80x128xf32, #tpu.memory_space<hbm>>
    %dma_start3A_269 = arith.constant 0 : i32
    %dma_start3A_270 = tpu.memref_slice %arg6[%add3A_266, %dma_start3A_269] : memref<20480x128xf32, #tpu.memory_space<hbm>> -> memref<80x128xf32, #tpu.memory_space<hbm>>
    tpu.enqueue_dma source(%arg17 : memref<80x128xf32, #tpu.memory_space<vmem>>) target(%dma_start3A_270 : memref<80x128xf32, #tpu.memory_space<hbm>>) target_semaphore(%arg19 : memref<!tpu.dma_semaphore, #tpu.memory_space<semaphore_mem>>)
    %add3A_271 = arith.constant 160 : i32
    %add3A_272 = arith.addi %multiple_of3A_221, %add3A_271 : i32
    %dma_wait3A_273 = arith.constant 0 : i32
    %dma_wait3A_274 = tpu.memref_slice %arg6[%add3A_272, %dma_wait3A_273] : memref<20480x128xf32, #tpu.memory_space<hbm>> -> memref<80x128xf32, #tpu.memory_space<hbm>>
    %dma_wait3A_275 = arith.constant 0 : i32
    %dma_wait3A_276 = tpu.memref_slice %arg6[%add3A_272, %dma_wait3A_275] : memref<20480x128xf32, #tpu.memory_space<hbm>> -> memref<80x128xf32, #tpu.memory_space<hbm>>
    tpu.wait_dma2 semaphore(%arg18 : memref<!tpu.dma_semaphore, #tpu.memory_space<semaphore_mem>>) src(%arg16 : memref<80x128xf32, #tpu.memory_space<vmem>>) dst(%dma_wait3A_276 : memref<80x128xf32, #tpu.memory_space<hbm>>)
    %add3A_277 = arith.constant 320 : i32
    %add3A_278 = arith.addi %multiple_of3A, %add3A_277 : i32
    "tpu.region"() ({
      %run_scoped3A = tpu.sem_alloc : memref<!tpu.dma_semaphore, #tpu.memory_space<semaphore_mem>>
      %dma_start3A_341 = arith.constant 0 : i32
      %dma_start3A_342 = tpu.memref_slice %arg25[%add3A_278, %dma_start3A_341] : memref<10240x128xf32, #tpu.memory_space<vmem_shared>> -> memref<80x128xf32, #tpu.memory_space<vmem_shared>>
      %dma_start3A_343 = arith.constant 0 : i32
      %dma_start3A_344 = tpu.memref_slice %arg25[%add3A_278, %dma_start3A_343] : memref<10240x128xf32, #tpu.memory_space<vmem_shared>> -> memref<80x128xf32, #tpu.memory_space<vmem_shared>>
      tpu.enqueue_dma source(%dma_start3A_344 : memref<80x128xf32, #tpu.memory_space<vmem_shared>>) target(%arg16 : memref<80x128xf32, #tpu.memory_space<vmem>>) target_semaphore(%run_scoped3A : memref<!tpu.dma_semaphore, #tpu.memory_space<semaphore_mem>>)
      %dma_wait3A_345 = arith.constant 0 : i32
      %dma_wait3A_346 = tpu.memref_slice %arg25[%add3A_278, %dma_wait3A_345] : memref<10240x128xf32, #tpu.memory_space<vmem_shared>> -> memref<80x128xf32, #tpu.memory_space<vmem_shared>>
      %dma_wait3A_347 = arith.constant 0 : i32
      %dma_wait3A_348 = tpu.memref_slice %arg25[%add3A_278, %dma_wait3A_347] : memref<10240x128xf32, #tpu.memory_space<vmem_shared>> -> memref<80x128xf32, #tpu.memory_space<vmem_shared>>
      tpu.wait_dma2 semaphore(%run_scoped3A : memref<!tpu.dma_semaphore, #tpu.memory_space<semaphore_mem>>) src(%dma_wait3A_348 : memref<80x128xf32, #tpu.memory_space<vmem_shared>>) dst(%arg16 : memref<80x128xf32, #tpu.memory_space<vmem>>)
      tpu.yield
    }) : () -> ()
    %add3A_279 = arith.constant 320 : i32
    %add3A_280 = arith.addi %multiple_of3A_221, %add3A_279 : i32
    %dma_start3A_281 = arith.constant 0 : i32
    %dma_start3A_282 = tpu.memref_slice %arg6[%add3A_280, %dma_start3A_281] : memref<20480x128xf32, #tpu.memory_space<hbm>> -> memref<80x128xf32, #tpu.memory_space<hbm>>
    %dma_start3A_283 = arith.constant 0 : i32
    %dma_start3A_284 = tpu.memref_slice %arg6[%add3A_280, %dma_start3A_283] : memref<20480x128xf32, #tpu.memory_space<hbm>> -> memref<80x128xf32, #tpu.memory_space<hbm>>
    tpu.enqueue_dma source(%arg16 : memref<80x128xf32, #tpu.memory_space<vmem>>) target(%dma_start3A_284 : memref<80x128xf32, #tpu.memory_space<hbm>>) target_semaphore(%arg18 : memref<!tpu.dma_semaphore, #tpu.memory_space<semaphore_mem>>)
    %add3A_285 = arith.constant 240 : i32
    %add3A_286 = arith.addi %multiple_of3A_221, %add3A_285 : i32
    %dma_wait3A_287 = arith.constant 0 : i32
    %dma_wait3A_288 = tpu.memref_slice %arg6[%add3A_286, %dma_wait3A_287] : memref<20480x128xf32, #tpu.memory_space<hbm>> -> memref<80x128xf32, #tpu.memory_space<hbm>>
    %dma_wait3A_289 = arith.constant 0 : i32
    %dma_wait3A_290 = tpu.memref_slice %arg6[%add3A_286, %dma_wait3A_289] : memref<20480x128xf32, #tpu.memory_space<hbm>> -> memref<80x128xf32, #tpu.memory_space<hbm>>
    tpu.wait_dma2 semaphore(%arg19 : memref<!tpu.dma_semaphore, #tpu.memory_space<semaphore_mem>>) src(%arg17 : memref<80x128xf32, #tpu.memory_space<vmem>>) dst(%dma_wait3A_290 : memref<80x128xf32, #tpu.memory_space<hbm>>)
    %add3A_291 = arith.constant 400 : i32
    %add3A_292 = arith.addi %multiple_of3A, %add3A_291 : i32
    "tpu.region"() ({
      %run_scoped3A = tpu.sem_alloc : memref<!tpu.dma_semaphore, #tpu.memory_space<semaphore_mem>>
      %dma_start3A_341 = arith.constant 0 : i32
      %dma_start3A_342 = tpu.memref_slice %arg25[%add3A_292, %dma_start3A_341] : memref<10240x128xf32, #tpu.memory_space<vmem_shared>> -> memref<80x128xf32, #tpu.memory_space<vmem_shared>>
      %dma_start3A_343 = arith.constant 0 : i32
      %dma_start3A_344 = tpu.memref_slice %arg25[%add3A_292, %dma_start3A_343] : memref<10240x128xf32, #tpu.memory_space<vmem_shared>> -> memref<80x128xf32, #tpu.memory_space<vmem_shared>>
      tpu.enqueue_dma source(%dma_start3A_344 : memref<80x128xf32, #tpu.memory_space<vmem_shared>>) target(%arg17 : memref<80x128xf32, #tpu.memory_space<vmem>>) target_semaphore(%run_scoped3A : memref<!tpu.dma_semaphore, #tpu.memory_space<semaphore_mem>>)
      %dma_wait3A_345 = arith.constant 0 : i32
      %dma_wait3A_346 = tpu.memref_slice %arg25[%add3A_292, %dma_wait3A_345] : memref<10240x128xf32, #tpu.memory_space<vmem_shared>> -> memref<80x128xf32, #tpu.memory_space<vmem_shared>>
      %dma_wait3A_347 = arith.constant 0 : i32
      %dma_wait3A_348 = tpu.memref_slice %arg25[%add3A_292, %dma_wait3A_347] : memref<10240x128xf32, #tpu.memory_space<vmem_shared>> -> memref<80x128xf32, #tpu.memory_space<vmem_shared>>
      tpu.wait_dma2 semaphore(%run_scoped3A : memref<!tpu.dma_semaphore, #tpu.memory_space<semaphore_mem>>) src(%dma_wait3A_348 : memref<80x128xf32, #tpu.memory_space<vmem_shared>>) dst(%arg17 : memref<80x128xf32, #tpu.memory_space<vmem>>)
      tpu.yield
    }) : () -> ()
    %add3A_293 = arith.constant 400 : i32
    %add3A_294 = arith.addi %multiple_of3A_221, %add3A_293 : i32
    %dma_start3A_295 = arith.constant 0 : i32
    %dma_start3A_296 = tpu.memref_slice %arg6[%add3A_294, %dma_start3A_295] : memref<20480x128xf32, #tpu.memory_space<hbm>> -> memref<80x128xf32, #tpu.memory_space<hbm>>
    %dma_start3A_297 = arith.constant 0 : i32
    %dma_start3A_298 = tpu.memref_slice %arg6[%add3A_294, %dma_start3A_297] : memref<20480x128xf32, #tpu.memory_space<hbm>> -> memref<80x128xf32, #tpu.memory_space<hbm>>
    tpu.enqueue_dma source(%arg17 : memref<80x128xf32, #tpu.memory_space<vmem>>) target(%dma_start3A_298 : memref<80x128xf32, #tpu.memory_space<hbm>>) target_semaphore(%arg19 : memref<!tpu.dma_semaphore, #tpu.memory_space<semaphore_mem>>)
    %add3A_299 = arith.constant 320 : i32
    %add3A_300 = arith.addi %multiple_of3A_221, %add3A_299 : i32
    %dma_wait3A_301 = arith.constant 0 : i32
    %dma_wait3A_302 = tpu.memref_slice %arg6[%add3A_300, %dma_wait3A_301] : memref<20480x128xf32, #tpu.memory_space<hbm>> -> memref<80x128xf32, #tpu.memory_space<hbm>>
    %dma_wait3A_303 = arith.constant 0 : i32
    %dma_wait3A_304 = tpu.memref_slice %arg6[%add3A_300, %dma_wait3A_303] : memref<20480x128xf32, #tpu.memory_space<hbm>> -> memref<80x128xf32, #tpu.memory_space<hbm>>
    tpu.wait_dma2 semaphore(%arg18 : memref<!tpu.dma_semaphore, #tpu.memory_space<semaphore_mem>>) src(%arg16 : memref<80x128xf32, #tpu.memory_space<vmem>>) dst(%dma_wait3A_304 : memref<80x128xf32, #tpu.memory_space<hbm>>)
    %add3A_305 = arith.constant 480 : i32
    %add3A_306 = arith.addi %multiple_of3A, %add3A_305 : i32
    "tpu.region"() ({
      %run_scoped3A = tpu.sem_alloc : memref<!tpu.dma_semaphore, #tpu.memory_space<semaphore_mem>>
      %dma_start3A_341 = arith.constant 0 : i32
      %dma_start3A_342 = tpu.memref_slice %arg25[%add3A_306, %dma_start3A_341] : memref<10240x128xf32, #tpu.memory_space<vmem_shared>> -> memref<80x128xf32, #tpu.memory_space<vmem_shared>>
      %dma_start3A_343 = arith.constant 0 : i32
      %dma_start3A_344 = tpu.memref_slice %arg25[%add3A_306, %dma_start3A_343] : memref<10240x128xf32, #tpu.memory_space<vmem_shared>> -> memref<80x128xf32, #tpu.memory_space<vmem_shared>>
      tpu.enqueue_dma source(%dma_start3A_344 : memref<80x128xf32, #tpu.memory_space<vmem_shared>>) target(%arg16 : memref<80x128xf32, #tpu.memory_space<vmem>>) target_semaphore(%run_scoped3A : memref<!tpu.dma_semaphore, #tpu.memory_space<semaphore_mem>>)
      %dma_wait3A_345 = arith.constant 0 : i32
      %dma_wait3A_346 = tpu.memref_slice %arg25[%add3A_306, %dma_wait3A_345] : memref<10240x128xf32, #tpu.memory_space<vmem_shared>> -> memref<80x128xf32, #tpu.memory_space<vmem_shared>>
      %dma_wait3A_347 = arith.constant 0 : i32
      %dma_wait3A_348 = tpu.memref_slice %arg25[%add3A_306, %dma_wait3A_347] : memref<10240x128xf32, #tpu.memory_space<vmem_shared>> -> memref<80x128xf32, #tpu.memory_space<vmem_shared>>
      tpu.wait_dma2 semaphore(%run_scoped3A : memref<!tpu.dma_semaphore, #tpu.memory_space<semaphore_mem>>) src(%dma_wait3A_348 : memref<80x128xf32, #tpu.memory_space<vmem_shared>>) dst(%arg16 : memref<80x128xf32, #tpu.memory_space<vmem>>)
      tpu.yield
    }) : () -> ()
    %add3A_307 = arith.constant 480 : i32
    %add3A_308 = arith.addi %multiple_of3A_221, %add3A_307 : i32
    %dma_start3A_309 = arith.constant 0 : i32
    %dma_start3A_310 = tpu.memref_slice %arg6[%add3A_308, %dma_start3A_309] : memref<20480x128xf32, #tpu.memory_space<hbm>> -> memref<80x128xf32, #tpu.memory_space<hbm>>
    %dma_start3A_311 = arith.constant 0 : i32
    %dma_start3A_312 = tpu.memref_slice %arg6[%add3A_308, %dma_start3A_311] : memref<20480x128xf32, #tpu.memory_space<hbm>> -> memref<80x128xf32, #tpu.memory_space<hbm>>
    tpu.enqueue_dma source(%arg16 : memref<80x128xf32, #tpu.memory_space<vmem>>) target(%dma_start3A_312 : memref<80x128xf32, #tpu.memory_space<hbm>>) target_semaphore(%arg18 : memref<!tpu.dma_semaphore, #tpu.memory_space<semaphore_mem>>)
    %add3A_313 = arith.constant 400 : i32
    %add3A_314 = arith.addi %multiple_of3A_221, %add3A_313 : i32
    %dma_wait3A_315 = arith.constant 0 : i32
    %dma_wait3A_316 = tpu.memref_slice %arg6[%add3A_314, %dma_wait3A_315] : memref<20480x128xf32, #tpu.memory_space<hbm>> -> memref<80x128xf32, #tpu.memory_space<hbm>>
    %dma_wait3A_317 = arith.constant 0 : i32
    %dma_wait3A_318 = tpu.memref_slice %arg6[%add3A_314, %dma_wait3A_317] : memref<20480x128xf32, #tpu.memory_space<hbm>> -> memref<80x128xf32, #tpu.memory_space<hbm>>
    tpu.wait_dma2 semaphore(%arg19 : memref<!tpu.dma_semaphore, #tpu.memory_space<semaphore_mem>>) src(%arg17 : memref<80x128xf32, #tpu.memory_space<vmem>>) dst(%dma_wait3A_318 : memref<80x128xf32, #tpu.memory_space<hbm>>)
    %add3A_319 = arith.constant 560 : i32
    %add3A_320 = arith.addi %multiple_of3A, %add3A_319 : i32
    "tpu.region"() ({
      %run_scoped3A = tpu.sem_alloc : memref<!tpu.dma_semaphore, #tpu.memory_space<semaphore_mem>>
      %dma_start3A_341 = arith.constant 0 : i32
      %dma_start3A_342 = tpu.memref_slice %arg25[%add3A_320, %dma_start3A_341] : memref<10240x128xf32, #tpu.memory_space<vmem_shared>> -> memref<80x128xf32, #tpu.memory_space<vmem_shared>>
      %dma_start3A_343 = arith.constant 0 : i32
      %dma_start3A_344 = tpu.memref_slice %arg25[%add3A_320, %dma_start3A_343] : memref<10240x128xf32, #tpu.memory_space<vmem_shared>> -> memref<80x128xf32, #tpu.memory_space<vmem_shared>>
      tpu.enqueue_dma source(%dma_start3A_344 : memref<80x128xf32, #tpu.memory_space<vmem_shared>>) target(%arg17 : memref<80x128xf32, #tpu.memory_space<vmem>>) target_semaphore(%run_scoped3A : memref<!tpu.dma_semaphore, #tpu.memory_space<semaphore_mem>>)
      %dma_wait3A_345 = arith.constant 0 : i32
      %dma_wait3A_346 = tpu.memref_slice %arg25[%add3A_320, %dma_wait3A_345] : memref<10240x128xf32, #tpu.memory_space<vmem_shared>> -> memref<80x128xf32, #tpu.memory_space<vmem_shared>>
      %dma_wait3A_347 = arith.constant 0 : i32
      %dma_wait3A_348 = tpu.memref_slice %arg25[%add3A_320, %dma_wait3A_347] : memref<10240x128xf32, #tpu.memory_space<vmem_shared>> -> memref<80x128xf32, #tpu.memory_space<vmem_shared>>
      tpu.wait_dma2 semaphore(%run_scoped3A : memref<!tpu.dma_semaphore, #tpu.memory_space<semaphore_mem>>) src(%dma_wait3A_348 : memref<80x128xf32, #tpu.memory_space<vmem_shared>>) dst(%arg17 : memref<80x128xf32, #tpu.memory_space<vmem>>)
      tpu.yield
    }) : () -> ()
    %add3A_321 = arith.constant 560 : i32
    %add3A_322 = arith.addi %multiple_of3A_221, %add3A_321 : i32
    %dma_start3A_323 = arith.constant 0 : i32
    %dma_start3A_324 = tpu.memref_slice %arg6[%add3A_322, %dma_start3A_323] : memref<20480x128xf32, #tpu.memory_space<hbm>> -> memref<80x128xf32, #tpu.memory_space<hbm>>
    %dma_start3A_325 = arith.constant 0 : i32
    %dma_start3A_326 = tpu.memref_slice %arg6[%add3A_322, %dma_start3A_325] : memref<20480x128xf32, #tpu.memory_space<hbm>> -> memref<80x128xf32, #tpu.memory_space<hbm>>
    tpu.enqueue_dma source(%arg17 : memref<80x128xf32, #tpu.memory_space<vmem>>) target(%dma_start3A_326 : memref<80x128xf32, #tpu.memory_space<hbm>>) target_semaphore(%arg19 : memref<!tpu.dma_semaphore, #tpu.memory_space<semaphore_mem>>)
    %add3A_327 = arith.constant 480 : i32
    %add3A_328 = arith.addi %multiple_of3A_221, %add3A_327 : i32
    %dma_wait3A_329 = arith.constant 0 : i32
    %dma_wait3A_330 = tpu.memref_slice %arg6[%add3A_328, %dma_wait3A_329] : memref<20480x128xf32, #tpu.memory_space<hbm>> -> memref<80x128xf32, #tpu.memory_space<hbm>>
    %dma_wait3A_331 = arith.constant 0 : i32
    %dma_wait3A_332 = tpu.memref_slice %arg6[%add3A_328, %dma_wait3A_331] : memref<20480x128xf32, #tpu.memory_space<hbm>> -> memref<80x128xf32, #tpu.memory_space<hbm>>
    tpu.wait_dma2 semaphore(%arg18 : memref<!tpu.dma_semaphore, #tpu.memory_space<semaphore_mem>>) src(%arg16 : memref<80x128xf32, #tpu.memory_space<vmem>>) dst(%dma_wait3A_332 : memref<80x128xf32, #tpu.memory_space<hbm>>)
    %add3A_333 = arith.constant 560 : i32
    %add3A_334 = arith.addi %multiple_of3A_221, %add3A_333 : i32
    %dma_wait3A_335 = arith.constant 0 : i32
    %dma_wait3A_336 = tpu.memref_slice %arg6[%add3A_334, %dma_wait3A_335] : memref<20480x128xf32, #tpu.memory_space<hbm>> -> memref<80x128xf32, #tpu.memory_space<hbm>>
    %dma_wait3A_337 = arith.constant 0 : i32
    %dma_wait3A_338 = tpu.memref_slice %arg6[%add3A_334, %dma_wait3A_337] : memref<20480x128xf32, #tpu.memory_space<hbm>> -> memref<80x128xf32, #tpu.memory_space<hbm>>
    tpu.wait_dma2 semaphore(%arg19 : memref<!tpu.dma_semaphore, #tpu.memory_space<semaphore_mem>>) src(%arg17 : memref<80x128xf32, #tpu.memory_space<vmem>>) dst(%dma_wait3A_338 : memref<80x128xf32, #tpu.memory_space<hbm>>)
    %dma_wait3A_339 = tpu.memref_slice %arg7[%multiple_of3A_224] : memref<327680xf32, #tpu.memory_space<hbm>> -> memref<10240xf32, #tpu.memory_space<hbm>>
    %dma_wait3A_340 = tpu.memref_slice %arg7[%multiple_of3A_224] : memref<327680xf32, #tpu.memory_space<hbm>> -> memref<10240xf32, #tpu.memory_space<hbm>>
    tpu.wait_dma2 semaphore(%arg20 : memref<!tpu.dma_semaphore, #tpu.memory_space<semaphore_mem>>) src(%arg24 : memref<10240xf32, #tpu.memory_space<vmem>>) dst(%dma_wait3A_340 : memref<10240xf32, #tpu.memory_space<hbm>>)
    return
  }
}

#map = affine_map<(d0, d1) -> (0, 0)>
#map1 = affine_map<(d0, d1) -> (0)>
module attributes {stable_mosaic.version = 14 : i64} {
  func.func @body(%arg0: i32, %arg1: i32, %arg2: memref<10000x128xf32, #tpu.memory_space<hbm>>, %arg3: memref<320000xi32, #tpu.memory_space<hbm>>, %arg4: memref<320000xi32, #tpu.memory_space<hbm>>, %arg5: memref<80x128xf32, #tpu.memory_space<hbm>>, %arg6: memref<20480x128xf32, #tpu.memory_space<hbm>>, %arg7: memref<80xi32, #tpu.memory_space<vmem>>, %arg8: memref<80xi32, #tpu.memory_space<vmem>>, %arg9: memref<80xi32, #tpu.memory_space<vmem>>, %arg10: memref<80xi32, #tpu.memory_space<vmem>>, %arg11: memref<80xi32, #tpu.memory_space<vmem>>, %arg12: memref<80xi32, #tpu.memory_space<vmem>>, %arg13: memref<80xi32, #tpu.memory_space<vmem>>, %arg14: memref<80xi32, #tpu.memory_space<vmem>>, %arg15: memref<80x128xf32, #tpu.memory_space<vmem>>, %arg16: memref<80x128xf32, #tpu.memory_space<vmem>>, %arg17: memref<!tpu.dma_semaphore, #tpu.memory_space<semaphore_mem>>, %arg18: memref<!tpu.dma_semaphore, #tpu.memory_space<semaphore_mem>>, %arg19: memref<!tpu.dma_semaphore, #tpu.memory_space<semaphore_mem>>, %arg20: memref<!tpu.dma_semaphore, #tpu.memory_space<semaphore_mem>>, %arg21: memref<!tpu.dma_semaphore, #tpu.memory_space<semaphore_mem>>, %arg22: memref<!tpu.dma_semaphore, #tpu.memory_space<semaphore_mem>>, %arg23: memref<10240x128xf32, #tpu.memory_space<vmem_shared>>) attributes {dimension_semantics = [#tpu.dimension_semantics<core_parallel>, #tpu.dimension_semantics<subcore_parallel>], iteration_bounds = array<i64: 2, 16>, scalar_prefetch = 0 : i64, scratch_operands = 17 : i64, tpu.core_type = #tpu.core_type<sc_vector_subcore>, window_params = [{transform_indices = #map}, {transform_indices = #map1}, {transform_indices = #map1}, {transform_indices = #map}, {transform_indices = #map}]} {
    %mul3A = arith.constant 16 : i32
    %mul3A_0 = arith.muli %arg0, %mul3A : i32
    %add3A = arith.addi %mul3A_0, %arg1 : i32
    %mul3A_1 = arith.constant 640 : i32
    %mul3A_2 = arith.muli %arg1, %mul3A_1 : i32
    %multiple_of3A = tpu.assume_multiple %mul3A_2, 8 : i32
    "tpu.region"() ({
      %run_scoped3A = tpu.sem_alloc : memref<!tpu.dma_semaphore, #tpu.memory_space<semaphore_mem>>
      tpu.enqueue_dma source(%arg5 : memref<80x128xf32, #tpu.memory_space<hbm>>) target(%arg15 : memref<80x128xf32, #tpu.memory_space<vmem>>) target_semaphore(%run_scoped3A : memref<!tpu.dma_semaphore, #tpu.memory_space<semaphore_mem>>)
      tpu.wait_dma2 semaphore(%run_scoped3A : memref<!tpu.dma_semaphore, #tpu.memory_space<semaphore_mem>>) src(%arg5 : memref<80x128xf32, #tpu.memory_space<hbm>>) dst(%arg15 : memref<80x128xf32, #tpu.memory_space<vmem>>)
      tpu.yield
    }) : () -> ()
    %add3A_3 = arith.constant 0 : i32
    %add3A_4 = arith.addi %multiple_of3A, %add3A_3 : i32
    %dma_start3A = arith.constant 0 : i32
    %dma_start3A_5 = tpu.memref_slice %arg23[%add3A_4, %dma_start3A] : memref<10240x128xf32, #tpu.memory_space<vmem_shared>> -> memref<80x128xf32, #tpu.memory_space<vmem_shared>>
    %dma_start3A_6 = arith.constant 0 : i32
    %dma_start3A_7 = tpu.memref_slice %arg23[%add3A_4, %dma_start3A_6] : memref<10240x128xf32, #tpu.memory_space<vmem_shared>> -> memref<80x128xf32, #tpu.memory_space<vmem_shared>>
    tpu.enqueue_dma source(%arg15 : memref<80x128xf32, #tpu.memory_space<vmem>>) target(%dma_start3A_7 : memref<80x128xf32, #tpu.memory_space<vmem_shared>>) target_semaphore(%arg17 : memref<!tpu.dma_semaphore, #tpu.memory_space<semaphore_mem>>)
    %add3A_8 = arith.constant 80 : i32
    %add3A_9 = arith.addi %multiple_of3A, %add3A_8 : i32
    %dma_start3A_10 = arith.constant 0 : i32
    %dma_start3A_11 = tpu.memref_slice %arg23[%add3A_9, %dma_start3A_10] : memref<10240x128xf32, #tpu.memory_space<vmem_shared>> -> memref<80x128xf32, #tpu.memory_space<vmem_shared>>
    %dma_start3A_12 = arith.constant 0 : i32
    %dma_start3A_13 = tpu.memref_slice %arg23[%add3A_9, %dma_start3A_12] : memref<10240x128xf32, #tpu.memory_space<vmem_shared>> -> memref<80x128xf32, #tpu.memory_space<vmem_shared>>
    tpu.enqueue_dma source(%arg15 : memref<80x128xf32, #tpu.memory_space<vmem>>) target(%dma_start3A_13 : memref<80x128xf32, #tpu.memory_space<vmem_shared>>) target_semaphore(%arg17 : memref<!tpu.dma_semaphore, #tpu.memory_space<semaphore_mem>>)
    %add3A_14 = arith.constant 160 : i32
    %add3A_15 = arith.addi %multiple_of3A, %add3A_14 : i32
    %dma_start3A_16 = arith.constant 0 : i32
    %dma_start3A_17 = tpu.memref_slice %arg23[%add3A_15, %dma_start3A_16] : memref<10240x128xf32, #tpu.memory_space<vmem_shared>> -> memref<80x128xf32, #tpu.memory_space<vmem_shared>>
    %dma_start3A_18 = arith.constant 0 : i32
    %dma_start3A_19 = tpu.memref_slice %arg23[%add3A_15, %dma_start3A_18] : memref<10240x128xf32, #tpu.memory_space<vmem_shared>> -> memref<80x128xf32, #tpu.memory_space<vmem_shared>>
    tpu.enqueue_dma source(%arg15 : memref<80x128xf32, #tpu.memory_space<vmem>>) target(%dma_start3A_19 : memref<80x128xf32, #tpu.memory_space<vmem_shared>>) target_semaphore(%arg17 : memref<!tpu.dma_semaphore, #tpu.memory_space<semaphore_mem>>)
    %add3A_20 = arith.constant 240 : i32
    %add3A_21 = arith.addi %multiple_of3A, %add3A_20 : i32
    %dma_start3A_22 = arith.constant 0 : i32
    %dma_start3A_23 = tpu.memref_slice %arg23[%add3A_21, %dma_start3A_22] : memref<10240x128xf32, #tpu.memory_space<vmem_shared>> -> memref<80x128xf32, #tpu.memory_space<vmem_shared>>
    %dma_start3A_24 = arith.constant 0 : i32
    %dma_start3A_25 = tpu.memref_slice %arg23[%add3A_21, %dma_start3A_24] : memref<10240x128xf32, #tpu.memory_space<vmem_shared>> -> memref<80x128xf32, #tpu.memory_space<vmem_shared>>
    tpu.enqueue_dma source(%arg15 : memref<80x128xf32, #tpu.memory_space<vmem>>) target(%dma_start3A_25 : memref<80x128xf32, #tpu.memory_space<vmem_shared>>) target_semaphore(%arg17 : memref<!tpu.dma_semaphore, #tpu.memory_space<semaphore_mem>>)
    %add3A_26 = arith.constant 320 : i32
    %add3A_27 = arith.addi %multiple_of3A, %add3A_26 : i32
    %dma_start3A_28 = arith.constant 0 : i32
    %dma_start3A_29 = tpu.memref_slice %arg23[%add3A_27, %dma_start3A_28] : memref<10240x128xf32, #tpu.memory_space<vmem_shared>> -> memref<80x128xf32, #tpu.memory_space<vmem_shared>>
    %dma_start3A_30 = arith.constant 0 : i32
    %dma_start3A_31 = tpu.memref_slice %arg23[%add3A_27, %dma_start3A_30] : memref<10240x128xf32, #tpu.memory_space<vmem_shared>> -> memref<80x128xf32, #tpu.memory_space<vmem_shared>>
    tpu.enqueue_dma source(%arg15 : memref<80x128xf32, #tpu.memory_space<vmem>>) target(%dma_start3A_31 : memref<80x128xf32, #tpu.memory_space<vmem_shared>>) target_semaphore(%arg17 : memref<!tpu.dma_semaphore, #tpu.memory_space<semaphore_mem>>)
    %add3A_32 = arith.constant 400 : i32
    %add3A_33 = arith.addi %multiple_of3A, %add3A_32 : i32
    %dma_start3A_34 = arith.constant 0 : i32
    %dma_start3A_35 = tpu.memref_slice %arg23[%add3A_33, %dma_start3A_34] : memref<10240x128xf32, #tpu.memory_space<vmem_shared>> -> memref<80x128xf32, #tpu.memory_space<vmem_shared>>
    %dma_start3A_36 = arith.constant 0 : i32
    %dma_start3A_37 = tpu.memref_slice %arg23[%add3A_33, %dma_start3A_36] : memref<10240x128xf32, #tpu.memory_space<vmem_shared>> -> memref<80x128xf32, #tpu.memory_space<vmem_shared>>
    tpu.enqueue_dma source(%arg15 : memref<80x128xf32, #tpu.memory_space<vmem>>) target(%dma_start3A_37 : memref<80x128xf32, #tpu.memory_space<vmem_shared>>) target_semaphore(%arg17 : memref<!tpu.dma_semaphore, #tpu.memory_space<semaphore_mem>>)
    %add3A_38 = arith.constant 480 : i32
    %add3A_39 = arith.addi %multiple_of3A, %add3A_38 : i32
    %dma_start3A_40 = arith.constant 0 : i32
    %dma_start3A_41 = tpu.memref_slice %arg23[%add3A_39, %dma_start3A_40] : memref<10240x128xf32, #tpu.memory_space<vmem_shared>> -> memref<80x128xf32, #tpu.memory_space<vmem_shared>>
    %dma_start3A_42 = arith.constant 0 : i32
    %dma_start3A_43 = tpu.memref_slice %arg23[%add3A_39, %dma_start3A_42] : memref<10240x128xf32, #tpu.memory_space<vmem_shared>> -> memref<80x128xf32, #tpu.memory_space<vmem_shared>>
    tpu.enqueue_dma source(%arg15 : memref<80x128xf32, #tpu.memory_space<vmem>>) target(%dma_start3A_43 : memref<80x128xf32, #tpu.memory_space<vmem_shared>>) target_semaphore(%arg17 : memref<!tpu.dma_semaphore, #tpu.memory_space<semaphore_mem>>)
    %add3A_44 = arith.constant 560 : i32
    %add3A_45 = arith.addi %multiple_of3A, %add3A_44 : i32
    %dma_start3A_46 = arith.constant 0 : i32
    %dma_start3A_47 = tpu.memref_slice %arg23[%add3A_45, %dma_start3A_46] : memref<10240x128xf32, #tpu.memory_space<vmem_shared>> -> memref<80x128xf32, #tpu.memory_space<vmem_shared>>
    %dma_start3A_48 = arith.constant 0 : i32
    %dma_start3A_49 = tpu.memref_slice %arg23[%add3A_45, %dma_start3A_48] : memref<10240x128xf32, #tpu.memory_space<vmem_shared>> -> memref<80x128xf32, #tpu.memory_space<vmem_shared>>
    tpu.enqueue_dma source(%arg15 : memref<80x128xf32, #tpu.memory_space<vmem>>) target(%dma_start3A_49 : memref<80x128xf32, #tpu.memory_space<vmem_shared>>) target_semaphore(%arg17 : memref<!tpu.dma_semaphore, #tpu.memory_space<semaphore_mem>>)
    %add3A_50 = arith.constant 0 : i32
    %add3A_51 = arith.addi %multiple_of3A, %add3A_50 : i32
    %dma_wait3A = arith.constant 0 : i32
    %dma_wait3A_52 = tpu.memref_slice %arg23[%add3A_51, %dma_wait3A] : memref<10240x128xf32, #tpu.memory_space<vmem_shared>> -> memref<80x128xf32, #tpu.memory_space<vmem_shared>>
    %dma_wait3A_53 = arith.constant 0 : i32
    %dma_wait3A_54 = tpu.memref_slice %arg23[%add3A_51, %dma_wait3A_53] : memref<10240x128xf32, #tpu.memory_space<vmem_shared>> -> memref<80x128xf32, #tpu.memory_space<vmem_shared>>
    tpu.wait_dma2 semaphore(%arg17 : memref<!tpu.dma_semaphore, #tpu.memory_space<semaphore_mem>>) src(%arg15 : memref<80x128xf32, #tpu.memory_space<vmem>>) dst(%dma_wait3A_54 : memref<80x128xf32, #tpu.memory_space<vmem_shared>>)
    %add3A_55 = arith.constant 80 : i32
    %add3A_56 = arith.addi %multiple_of3A, %add3A_55 : i32
    %dma_wait3A_57 = arith.constant 0 : i32
    %dma_wait3A_58 = tpu.memref_slice %arg23[%add3A_56, %dma_wait3A_57] : memref<10240x128xf32, #tpu.memory_space<vmem_shared>> -> memref<80x128xf32, #tpu.memory_space<vmem_shared>>
    %dma_wait3A_59 = arith.constant 0 : i32
    %dma_wait3A_60 = tpu.memref_slice %arg23[%add3A_56, %dma_wait3A_59] : memref<10240x128xf32, #tpu.memory_space<vmem_shared>> -> memref<80x128xf32, #tpu.memory_space<vmem_shared>>
    tpu.wait_dma2 semaphore(%arg17 : memref<!tpu.dma_semaphore, #tpu.memory_space<semaphore_mem>>) src(%arg15 : memref<80x128xf32, #tpu.memory_space<vmem>>) dst(%dma_wait3A_60 : memref<80x128xf32, #tpu.memory_space<vmem_shared>>)
    %add3A_61 = arith.constant 160 : i32
    %add3A_62 = arith.addi %multiple_of3A, %add3A_61 : i32
    %dma_wait3A_63 = arith.constant 0 : i32
    %dma_wait3A_64 = tpu.memref_slice %arg23[%add3A_62, %dma_wait3A_63] : memref<10240x128xf32, #tpu.memory_space<vmem_shared>> -> memref<80x128xf32, #tpu.memory_space<vmem_shared>>
    %dma_wait3A_65 = arith.constant 0 : i32
    %dma_wait3A_66 = tpu.memref_slice %arg23[%add3A_62, %dma_wait3A_65] : memref<10240x128xf32, #tpu.memory_space<vmem_shared>> -> memref<80x128xf32, #tpu.memory_space<vmem_shared>>
    tpu.wait_dma2 semaphore(%arg17 : memref<!tpu.dma_semaphore, #tpu.memory_space<semaphore_mem>>) src(%arg15 : memref<80x128xf32, #tpu.memory_space<vmem>>) dst(%dma_wait3A_66 : memref<80x128xf32, #tpu.memory_space<vmem_shared>>)
    %add3A_67 = arith.constant 240 : i32
    %add3A_68 = arith.addi %multiple_of3A, %add3A_67 : i32
    %dma_wait3A_69 = arith.constant 0 : i32
    %dma_wait3A_70 = tpu.memref_slice %arg23[%add3A_68, %dma_wait3A_69] : memref<10240x128xf32, #tpu.memory_space<vmem_shared>> -> memref<80x128xf32, #tpu.memory_space<vmem_shared>>
    %dma_wait3A_71 = arith.constant 0 : i32
    %dma_wait3A_72 = tpu.memref_slice %arg23[%add3A_68, %dma_wait3A_71] : memref<10240x128xf32, #tpu.memory_space<vmem_shared>> -> memref<80x128xf32, #tpu.memory_space<vmem_shared>>
    tpu.wait_dma2 semaphore(%arg17 : memref<!tpu.dma_semaphore, #tpu.memory_space<semaphore_mem>>) src(%arg15 : memref<80x128xf32, #tpu.memory_space<vmem>>) dst(%dma_wait3A_72 : memref<80x128xf32, #tpu.memory_space<vmem_shared>>)
    %add3A_73 = arith.constant 320 : i32
    %add3A_74 = arith.addi %multiple_of3A, %add3A_73 : i32
    %dma_wait3A_75 = arith.constant 0 : i32
    %dma_wait3A_76 = tpu.memref_slice %arg23[%add3A_74, %dma_wait3A_75] : memref<10240x128xf32, #tpu.memory_space<vmem_shared>> -> memref<80x128xf32, #tpu.memory_space<vmem_shared>>
    %dma_wait3A_77 = arith.constant 0 : i32
    %dma_wait3A_78 = tpu.memref_slice %arg23[%add3A_74, %dma_wait3A_77] : memref<10240x128xf32, #tpu.memory_space<vmem_shared>> -> memref<80x128xf32, #tpu.memory_space<vmem_shared>>
    tpu.wait_dma2 semaphore(%arg17 : memref<!tpu.dma_semaphore, #tpu.memory_space<semaphore_mem>>) src(%arg15 : memref<80x128xf32, #tpu.memory_space<vmem>>) dst(%dma_wait3A_78 : memref<80x128xf32, #tpu.memory_space<vmem_shared>>)
    %add3A_79 = arith.constant 400 : i32
    %add3A_80 = arith.addi %multiple_of3A, %add3A_79 : i32
    %dma_wait3A_81 = arith.constant 0 : i32
    %dma_wait3A_82 = tpu.memref_slice %arg23[%add3A_80, %dma_wait3A_81] : memref<10240x128xf32, #tpu.memory_space<vmem_shared>> -> memref<80x128xf32, #tpu.memory_space<vmem_shared>>
    %dma_wait3A_83 = arith.constant 0 : i32
    %dma_wait3A_84 = tpu.memref_slice %arg23[%add3A_80, %dma_wait3A_83] : memref<10240x128xf32, #tpu.memory_space<vmem_shared>> -> memref<80x128xf32, #tpu.memory_space<vmem_shared>>
    tpu.wait_dma2 semaphore(%arg17 : memref<!tpu.dma_semaphore, #tpu.memory_space<semaphore_mem>>) src(%arg15 : memref<80x128xf32, #tpu.memory_space<vmem>>) dst(%dma_wait3A_84 : memref<80x128xf32, #tpu.memory_space<vmem_shared>>)
    %add3A_85 = arith.constant 480 : i32
    %add3A_86 = arith.addi %multiple_of3A, %add3A_85 : i32
    %dma_wait3A_87 = arith.constant 0 : i32
    %dma_wait3A_88 = tpu.memref_slice %arg23[%add3A_86, %dma_wait3A_87] : memref<10240x128xf32, #tpu.memory_space<vmem_shared>> -> memref<80x128xf32, #tpu.memory_space<vmem_shared>>
    %dma_wait3A_89 = arith.constant 0 : i32
    %dma_wait3A_90 = tpu.memref_slice %arg23[%add3A_86, %dma_wait3A_89] : memref<10240x128xf32, #tpu.memory_space<vmem_shared>> -> memref<80x128xf32, #tpu.memory_space<vmem_shared>>
    tpu.wait_dma2 semaphore(%arg17 : memref<!tpu.dma_semaphore, #tpu.memory_space<semaphore_mem>>) src(%arg15 : memref<80x128xf32, #tpu.memory_space<vmem>>) dst(%dma_wait3A_90 : memref<80x128xf32, #tpu.memory_space<vmem_shared>>)
    %add3A_91 = arith.constant 560 : i32
    %add3A_92 = arith.addi %multiple_of3A, %add3A_91 : i32
    %dma_wait3A_93 = arith.constant 0 : i32
    %dma_wait3A_94 = tpu.memref_slice %arg23[%add3A_92, %dma_wait3A_93] : memref<10240x128xf32, #tpu.memory_space<vmem_shared>> -> memref<80x128xf32, #tpu.memory_space<vmem_shared>>
    %dma_wait3A_95 = arith.constant 0 : i32
    %dma_wait3A_96 = tpu.memref_slice %arg23[%add3A_92, %dma_wait3A_95] : memref<10240x128xf32, #tpu.memory_space<vmem_shared>> -> memref<80x128xf32, #tpu.memory_space<vmem_shared>>
    tpu.wait_dma2 semaphore(%arg17 : memref<!tpu.dma_semaphore, #tpu.memory_space<semaphore_mem>>) src(%arg15 : memref<80x128xf32, #tpu.memory_space<vmem>>) dst(%dma_wait3A_96 : memref<80x128xf32, #tpu.memory_space<vmem_shared>>)
    %barrier3A = arith.constant 0 : index
    tpu.barrier barrier_id(%barrier3A)
    %mul3A_97 = arith.constant 10000 : i32
    %mul3A_98 = arith.muli %add3A, %mul3A_97 : i32
    %broadcast_in_dim3A = arith.constant 1.000000e+00 : f32
    %broadcast_in_dim3A_99 = vector.broadcast %broadcast_in_dim3A : f32 to vector<16xf32>
    %min3A = arith.constant 0 : i32
    %min3A_100 = arith.constant 124 : i32
    %min3A_101 = arith.minsi %min3A, %min3A_100 : i32
    %mul3A_102 = arith.constant 80 : i32
    %mul3A_103 = arith.muli %min3A_101, %mul3A_102 : i32
    %add3A_104 = arith.addi %mul3A_98, %mul3A_103 : i32
    %multiple_of3A_105 = tpu.assume_multiple %add3A_104, 8 : i32
    %dma_start3A_106 = tpu.memref_slice %arg3[%multiple_of3A_105] : memref<320000xi32, #tpu.memory_space<hbm>> -> memref<80xi32, #tpu.memory_space<hbm>>
    %dma_start3A_107 = tpu.memref_slice %arg3[%multiple_of3A_105] : memref<320000xi32, #tpu.memory_space<hbm>> -> memref<80xi32, #tpu.memory_space<hbm>>
    tpu.enqueue_dma source(%dma_start3A_107 : memref<80xi32, #tpu.memory_space<hbm>>) target(%arg7 : memref<80xi32, #tpu.memory_space<vmem>>) target_semaphore(%arg19 : memref<!tpu.dma_semaphore, #tpu.memory_space<semaphore_mem>>)
    %dma_start3A_108 = tpu.memref_slice %arg4[%multiple_of3A_105] : memref<320000xi32, #tpu.memory_space<hbm>> -> memref<80xi32, #tpu.memory_space<hbm>>
    %dma_start3A_109 = tpu.memref_slice %arg4[%multiple_of3A_105] : memref<320000xi32, #tpu.memory_space<hbm>> -> memref<80xi32, #tpu.memory_space<hbm>>
    tpu.enqueue_dma source(%dma_start3A_109 : memref<80xi32, #tpu.memory_space<hbm>>) target(%arg8 : memref<80xi32, #tpu.memory_space<vmem>>) target_semaphore(%arg19 : memref<!tpu.dma_semaphore, #tpu.memory_space<semaphore_mem>>)
    %min3A_110 = arith.constant 1 : i32
    %min3A_111 = arith.constant 124 : i32
    %min3A_112 = arith.minsi %min3A_110, %min3A_111 : i32
    %mul3A_113 = arith.constant 80 : i32
    %mul3A_114 = arith.muli %min3A_112, %mul3A_113 : i32
    %add3A_115 = arith.addi %mul3A_98, %mul3A_114 : i32
    %multiple_of3A_116 = tpu.assume_multiple %add3A_115, 8 : i32
    %dma_start3A_117 = tpu.memref_slice %arg3[%multiple_of3A_116] : memref<320000xi32, #tpu.memory_space<hbm>> -> memref<80xi32, #tpu.memory_space<hbm>>
    %dma_start3A_118 = tpu.memref_slice %arg3[%multiple_of3A_116] : memref<320000xi32, #tpu.memory_space<hbm>> -> memref<80xi32, #tpu.memory_space<hbm>>
    tpu.enqueue_dma source(%dma_start3A_118 : memref<80xi32, #tpu.memory_space<hbm>>) target(%arg9 : memref<80xi32, #tpu.memory_space<vmem>>) target_semaphore(%arg20 : memref<!tpu.dma_semaphore, #tpu.memory_space<semaphore_mem>>)
    %dma_start3A_119 = tpu.memref_slice %arg4[%multiple_of3A_116] : memref<320000xi32, #tpu.memory_space<hbm>> -> memref<80xi32, #tpu.memory_space<hbm>>
    %dma_start3A_120 = tpu.memref_slice %arg4[%multiple_of3A_116] : memref<320000xi32, #tpu.memory_space<hbm>> -> memref<80xi32, #tpu.memory_space<hbm>>
    tpu.enqueue_dma source(%dma_start3A_120 : memref<80xi32, #tpu.memory_space<hbm>>) target(%arg10 : memref<80xi32, #tpu.memory_space<vmem>>) target_semaphore(%arg20 : memref<!tpu.dma_semaphore, #tpu.memory_space<semaphore_mem>>)
    %min3A_121 = arith.constant 2 : i32
    %min3A_122 = arith.constant 124 : i32
    %min3A_123 = arith.minsi %min3A_121, %min3A_122 : i32
    %mul3A_124 = arith.constant 80 : i32
    %mul3A_125 = arith.muli %min3A_123, %mul3A_124 : i32
    %add3A_126 = arith.addi %mul3A_98, %mul3A_125 : i32
    %multiple_of3A_127 = tpu.assume_multiple %add3A_126, 8 : i32
    %dma_start3A_128 = tpu.memref_slice %arg3[%multiple_of3A_127] : memref<320000xi32, #tpu.memory_space<hbm>> -> memref<80xi32, #tpu.memory_space<hbm>>
    %dma_start3A_129 = tpu.memref_slice %arg3[%multiple_of3A_127] : memref<320000xi32, #tpu.memory_space<hbm>> -> memref<80xi32, #tpu.memory_space<hbm>>
    tpu.enqueue_dma source(%dma_start3A_129 : memref<80xi32, #tpu.memory_space<hbm>>) target(%arg11 : memref<80xi32, #tpu.memory_space<vmem>>) target_semaphore(%arg21 : memref<!tpu.dma_semaphore, #tpu.memory_space<semaphore_mem>>)
    %dma_start3A_130 = tpu.memref_slice %arg4[%multiple_of3A_127] : memref<320000xi32, #tpu.memory_space<hbm>> -> memref<80xi32, #tpu.memory_space<hbm>>
    %dma_start3A_131 = tpu.memref_slice %arg4[%multiple_of3A_127] : memref<320000xi32, #tpu.memory_space<hbm>> -> memref<80xi32, #tpu.memory_space<hbm>>
    tpu.enqueue_dma source(%dma_start3A_131 : memref<80xi32, #tpu.memory_space<hbm>>) target(%arg12 : memref<80xi32, #tpu.memory_space<vmem>>) target_semaphore(%arg21 : memref<!tpu.dma_semaphore, #tpu.memory_space<semaphore_mem>>)
    %min3A_132 = arith.constant 3 : i32
    %min3A_133 = arith.constant 124 : i32
    %min3A_134 = arith.minsi %min3A_132, %min3A_133 : i32
    %mul3A_135 = arith.constant 80 : i32
    %mul3A_136 = arith.muli %min3A_134, %mul3A_135 : i32
    %add3A_137 = arith.addi %mul3A_98, %mul3A_136 : i32
    %multiple_of3A_138 = tpu.assume_multiple %add3A_137, 8 : i32
    %dma_start3A_139 = tpu.memref_slice %arg3[%multiple_of3A_138] : memref<320000xi32, #tpu.memory_space<hbm>> -> memref<80xi32, #tpu.memory_space<hbm>>
    %dma_start3A_140 = tpu.memref_slice %arg3[%multiple_of3A_138] : memref<320000xi32, #tpu.memory_space<hbm>> -> memref<80xi32, #tpu.memory_space<hbm>>
    tpu.enqueue_dma source(%dma_start3A_140 : memref<80xi32, #tpu.memory_space<hbm>>) target(%arg13 : memref<80xi32, #tpu.memory_space<vmem>>) target_semaphore(%arg22 : memref<!tpu.dma_semaphore, #tpu.memory_space<semaphore_mem>>)
    %dma_start3A_141 = tpu.memref_slice %arg4[%multiple_of3A_138] : memref<320000xi32, #tpu.memory_space<hbm>> -> memref<80xi32, #tpu.memory_space<hbm>>
    %dma_start3A_142 = tpu.memref_slice %arg4[%multiple_of3A_138] : memref<320000xi32, #tpu.memory_space<hbm>> -> memref<80xi32, #tpu.memory_space<hbm>>
    tpu.enqueue_dma source(%dma_start3A_142 : memref<80xi32, #tpu.memory_space<hbm>>) target(%arg14 : memref<80xi32, #tpu.memory_space<vmem>>) target_semaphore(%arg22 : memref<!tpu.dma_semaphore, #tpu.memory_space<semaphore_mem>>)
    %scan3A = arith.constant 0 : i32
    %scan3A_143 = arith.constant 0 : i32
    %scan3A_144 = arith.constant 31 : i32
    %scan3A_145 = arith.addi %scan3A_143, %scan3A_144 : i32
    %scan3A_146 = arith.constant 1 : i32
    scf.for %scan3A_317 = %scan3A_143 to %scan3A_145 step %scan3A_146  : i32 {
      %mul3A_318 = arith.constant 4 : i32
      %mul3A_319 = arith.muli %scan3A_317, %mul3A_318 : i32
      %min3A_320 = arith.constant 124 : i32
      %min3A_321 = arith.minsi %mul3A_319, %min3A_320 : i32
      %mul3A_322 = arith.constant 80 : i32
      %mul3A_323 = arith.muli %min3A_321, %mul3A_322 : i32
      %add3A_324 = arith.addi %mul3A_98, %mul3A_323 : i32
      %multiple_of3A_325 = tpu.assume_multiple %add3A_324, 8 : i32
      %dma_wait3A_326 = tpu.memref_slice %arg3[%multiple_of3A_325] : memref<320000xi32, #tpu.memory_space<hbm>> -> memref<80xi32, #tpu.memory_space<hbm>>
      %dma_wait3A_327 = tpu.memref_slice %arg3[%multiple_of3A_325] : memref<320000xi32, #tpu.memory_space<hbm>> -> memref<80xi32, #tpu.memory_space<hbm>>
      tpu.wait_dma2 semaphore(%arg19 : memref<!tpu.dma_semaphore, #tpu.memory_space<semaphore_mem>>) src(%dma_wait3A_327 : memref<80xi32, #tpu.memory_space<hbm>>) dst(%arg7 : memref<80xi32, #tpu.memory_space<vmem>>)
      %dma_wait3A_328 = tpu.memref_slice %arg4[%multiple_of3A_325] : memref<320000xi32, #tpu.memory_space<hbm>> -> memref<80xi32, #tpu.memory_space<hbm>>
      %dma_wait3A_329 = tpu.memref_slice %arg4[%multiple_of3A_325] : memref<320000xi32, #tpu.memory_space<hbm>> -> memref<80xi32, #tpu.memory_space<hbm>>
      tpu.wait_dma2 semaphore(%arg19 : memref<!tpu.dma_semaphore, #tpu.memory_space<semaphore_mem>>) src(%dma_wait3A_329 : memref<80xi32, #tpu.memory_space<hbm>>) dst(%arg8 : memref<80xi32, #tpu.memory_space<vmem>>)
      %dma_start3A_330 = arith.constant 0 : i32
      %dma_start3A_331 = arith.constant 0 : i32
      %dma_start3A_332 = tpu.memref_slice %arg2[%dma_start3A_330, %dma_start3A_331] : memref<10000x128xf32, #tpu.memory_space<hbm>> -> memref<10000x128xf32, #tpu.memory_space<hbm>>
      tpu.enqueue_indirect_dma source(%dma_start3A_332 : memref<10000x128xf32, #tpu.memory_space<hbm>>) target(%arg15 : memref<80x128xf32, #tpu.memory_space<vmem>>) offsets(%arg7 : memref<80xi32, #tpu.memory_space<vmem>>) semaphore(%arg17 : memref<!tpu.dma_semaphore, #tpu.memory_space<semaphore_mem>>)
      %add3A_333 = arith.constant 1 : i32
      %add3A_334 = arith.addi %mul3A_319, %add3A_333 : i32
      %min3A_335 = arith.constant 124 : i32
      %min3A_336 = arith.minsi %add3A_334, %min3A_335 : i32
      %mul3A_337 = arith.constant 80 : i32
      %mul3A_338 = arith.muli %min3A_336, %mul3A_337 : i32
      %add3A_339 = arith.addi %mul3A_98, %mul3A_338 : i32
      %multiple_of3A_340 = tpu.assume_multiple %add3A_339, 8 : i32
      %dma_wait3A_341 = tpu.memref_slice %arg3[%multiple_of3A_340] : memref<320000xi32, #tpu.memory_space<hbm>> -> memref<80xi32, #tpu.memory_space<hbm>>
      %dma_wait3A_342 = tpu.memref_slice %arg3[%multiple_of3A_340] : memref<320000xi32, #tpu.memory_space<hbm>> -> memref<80xi32, #tpu.memory_space<hbm>>
      tpu.wait_dma2 semaphore(%arg20 : memref<!tpu.dma_semaphore, #tpu.memory_space<semaphore_mem>>) src(%dma_wait3A_342 : memref<80xi32, #tpu.memory_space<hbm>>) dst(%arg9 : memref<80xi32, #tpu.memory_space<vmem>>)
      %dma_wait3A_343 = tpu.memref_slice %arg4[%multiple_of3A_340] : memref<320000xi32, #tpu.memory_space<hbm>> -> memref<80xi32, #tpu.memory_space<hbm>>
      %dma_wait3A_344 = tpu.memref_slice %arg4[%multiple_of3A_340] : memref<320000xi32, #tpu.memory_space<hbm>> -> memref<80xi32, #tpu.memory_space<hbm>>
      tpu.wait_dma2 semaphore(%arg20 : memref<!tpu.dma_semaphore, #tpu.memory_space<semaphore_mem>>) src(%dma_wait3A_344 : memref<80xi32, #tpu.memory_space<hbm>>) dst(%arg10 : memref<80xi32, #tpu.memory_space<vmem>>)
      %dma_start3A_345 = arith.constant 0 : i32
      %dma_start3A_346 = arith.constant 0 : i32
      %dma_start3A_347 = tpu.memref_slice %arg2[%dma_start3A_345, %dma_start3A_346] : memref<10000x128xf32, #tpu.memory_space<hbm>> -> memref<10000x128xf32, #tpu.memory_space<hbm>>
      tpu.enqueue_indirect_dma source(%dma_start3A_347 : memref<10000x128xf32, #tpu.memory_space<hbm>>) target(%arg16 : memref<80x128xf32, #tpu.memory_space<vmem>>) offsets(%arg9 : memref<80xi32, #tpu.memory_space<vmem>>) semaphore(%arg18 : memref<!tpu.dma_semaphore, #tpu.memory_space<semaphore_mem>>)
      %dma_wait3A_348 = arith.constant 0 : i32
      %dma_wait3A_349 = arith.constant 0 : i32
      %dma_wait3A_350 = tpu.memref_slice %arg2[%dma_wait3A_348, %dma_wait3A_349] : memref<10000x128xf32, #tpu.memory_space<hbm>> -> memref<10000x128xf32, #tpu.memory_space<hbm>>
      tpu.wait_indirect_dma semaphore(%arg17 : memref<!tpu.dma_semaphore, #tpu.memory_space<semaphore_mem>>) src(%dma_wait3A_350 : memref<10000x128xf32, #tpu.memory_space<hbm>>) dst(%arg15 : memref<80x128xf32, #tpu.memory_space<vmem>>)
      "tpu.region"() ({
        %run_scoped3A = tpu.sem_alloc : memref<!tpu.dma_semaphore, #tpu.memory_space<semaphore_mem>>
        %dma_start3A_438 = arith.constant 0 : i32
        %dma_start3A_439 = arith.constant 0 : i32
        %dma_start3A_440 = tpu.memref_slice %arg23[%dma_start3A_438, %dma_start3A_439] : memref<10240x128xf32, #tpu.memory_space<vmem_shared>> -> memref<10240x128xf32, #tpu.memory_space<vmem_shared>>
        tpu.enqueue_indirect_dma source(%arg15 : memref<80x128xf32, #tpu.memory_space<vmem>>) target(%dma_start3A_440 : memref<10240x128xf32, #tpu.memory_space<vmem_shared>>) offsets(%arg8 : memref<80xi32, #tpu.memory_space<vmem>>) semaphore(%run_scoped3A : memref<!tpu.dma_semaphore, #tpu.memory_space<semaphore_mem>>) {add = true}
        %dma_wait3A_441 = arith.constant 0 : i32
        %dma_wait3A_442 = arith.constant 0 : i32
        %dma_wait3A_443 = tpu.memref_slice %arg23[%dma_wait3A_441, %dma_wait3A_442] : memref<10240x128xf32, #tpu.memory_space<vmem_shared>> -> memref<10240x128xf32, #tpu.memory_space<vmem_shared>>
        tpu.wait_indirect_dma semaphore(%run_scoped3A : memref<!tpu.dma_semaphore, #tpu.memory_space<semaphore_mem>>) src(%arg15 : memref<80x128xf32, #tpu.memory_space<vmem>>) dst(%dma_wait3A_443 : memref<10240x128xf32, #tpu.memory_space<vmem_shared>>)
        tpu.yield
      }) : () -> ()
      %add3A_351 = arith.constant 4 : i32
      %add3A_352 = arith.addi %mul3A_319, %add3A_351 : i32
      %min3A_353 = arith.constant 124 : i32
      %min3A_354 = arith.minsi %add3A_352, %min3A_353 : i32
      %mul3A_355 = arith.constant 80 : i32
      %mul3A_356 = arith.muli %min3A_354, %mul3A_355 : i32
      %add3A_357 = arith.addi %mul3A_98, %mul3A_356 : i32
      %multiple_of3A_358 = tpu.assume_multiple %add3A_357, 8 : i32
      %dma_start3A_359 = tpu.memref_slice %arg3[%multiple_of3A_358] : memref<320000xi32, #tpu.memory_space<hbm>> -> memref<80xi32, #tpu.memory_space<hbm>>
      %dma_start3A_360 = tpu.memref_slice %arg3[%multiple_of3A_358] : memref<320000xi32, #tpu.memory_space<hbm>> -> memref<80xi32, #tpu.memory_space<hbm>>
      tpu.enqueue_dma source(%dma_start3A_360 : memref<80xi32, #tpu.memory_space<hbm>>) target(%arg7 : memref<80xi32, #tpu.memory_space<vmem>>) target_semaphore(%arg19 : memref<!tpu.dma_semaphore, #tpu.memory_space<semaphore_mem>>)
      %dma_start3A_361 = tpu.memref_slice %arg4[%multiple_of3A_358] : memref<320000xi32, #tpu.memory_space<hbm>> -> memref<80xi32, #tpu.memory_space<hbm>>
      %dma_start3A_362 = tpu.memref_slice %arg4[%multiple_of3A_358] : memref<320000xi32, #tpu.memory_space<hbm>> -> memref<80xi32, #tpu.memory_space<hbm>>
      tpu.enqueue_dma source(%dma_start3A_362 : memref<80xi32, #tpu.memory_space<hbm>>) target(%arg8 : memref<80xi32, #tpu.memory_space<vmem>>) target_semaphore(%arg19 : memref<!tpu.dma_semaphore, #tpu.memory_space<semaphore_mem>>)
      %add3A_363 = arith.constant 2 : i32
      %add3A_364 = arith.addi %mul3A_319, %add3A_363 : i32
      %min3A_365 = arith.constant 124 : i32
      %min3A_366 = arith.minsi %add3A_364, %min3A_365 : i32
      %mul3A_367 = arith.constant 80 : i32
      %mul3A_368 = arith.muli %min3A_366, %mul3A_367 : i32
      %add3A_369 = arith.addi %mul3A_98, %mul3A_368 : i32
      %multiple_of3A_370 = tpu.assume_multiple %add3A_369, 8 : i32
      %dma_wait3A_371 = tpu.memref_slice %arg3[%multiple_of3A_370] : memref<320000xi32, #tpu.memory_space<hbm>> -> memref<80xi32, #tpu.memory_space<hbm>>
      %dma_wait3A_372 = tpu.memref_slice %arg3[%multiple_of3A_370] : memref<320000xi32, #tpu.memory_space<hbm>> -> memref<80xi32, #tpu.memory_space<hbm>>
      tpu.wait_dma2 semaphore(%arg21 : memref<!tpu.dma_semaphore, #tpu.memory_space<semaphore_mem>>) src(%dma_wait3A_372 : memref<80xi32, #tpu.memory_space<hbm>>) dst(%arg11 : memref<80xi32, #tpu.memory_space<vmem>>)
      %dma_wait3A_373 = tpu.memref_slice %arg4[%multiple_of3A_370] : memref<320000xi32, #tpu.memory_space<hbm>> -> memref<80xi32, #tpu.memory_space<hbm>>
      %dma_wait3A_374 = tpu.memref_slice %arg4[%multiple_of3A_370] : memref<320000xi32, #tpu.memory_space<hbm>> -> memref<80xi32, #tpu.memory_space<hbm>>
      tpu.wait_dma2 semaphore(%arg21 : memref<!tpu.dma_semaphore, #tpu.memory_space<semaphore_mem>>) src(%dma_wait3A_374 : memref<80xi32, #tpu.memory_space<hbm>>) dst(%arg12 : memref<80xi32, #tpu.memory_space<vmem>>)
      %dma_start3A_375 = arith.constant 0 : i32
      %dma_start3A_376 = arith.constant 0 : i32
      %dma_start3A_377 = tpu.memref_slice %arg2[%dma_start3A_375, %dma_start3A_376] : memref<10000x128xf32, #tpu.memory_space<hbm>> -> memref<10000x128xf32, #tpu.memory_space<hbm>>
      tpu.enqueue_indirect_dma source(%dma_start3A_377 : memref<10000x128xf32, #tpu.memory_space<hbm>>) target(%arg15 : memref<80x128xf32, #tpu.memory_space<vmem>>) offsets(%arg11 : memref<80xi32, #tpu.memory_space<vmem>>) semaphore(%arg17 : memref<!tpu.dma_semaphore, #tpu.memory_space<semaphore_mem>>)
      %dma_wait3A_378 = arith.constant 0 : i32
      %dma_wait3A_379 = arith.constant 0 : i32
      %dma_wait3A_380 = tpu.memref_slice %arg2[%dma_wait3A_378, %dma_wait3A_379] : memref<10000x128xf32, #tpu.memory_space<hbm>> -> memref<10000x128xf32, #tpu.memory_space<hbm>>
      tpu.wait_indirect_dma semaphore(%arg18 : memref<!tpu.dma_semaphore, #tpu.memory_space<semaphore_mem>>) src(%dma_wait3A_380 : memref<10000x128xf32, #tpu.memory_space<hbm>>) dst(%arg16 : memref<80x128xf32, #tpu.memory_space<vmem>>)
      "tpu.region"() ({
        %run_scoped3A = tpu.sem_alloc : memref<!tpu.dma_semaphore, #tpu.memory_space<semaphore_mem>>
        %dma_start3A_438 = arith.constant 0 : i32
        %dma_start3A_439 = arith.constant 0 : i32
        %dma_start3A_440 = tpu.memref_slice %arg23[%dma_start3A_438, %dma_start3A_439] : memref<10240x128xf32, #tpu.memory_space<vmem_shared>> -> memref<10240x128xf32, #tpu.memory_space<vmem_shared>>
        tpu.enqueue_indirect_dma source(%arg16 : memref<80x128xf32, #tpu.memory_space<vmem>>) target(%dma_start3A_440 : memref<10240x128xf32, #tpu.memory_space<vmem_shared>>) offsets(%arg10 : memref<80xi32, #tpu.memory_space<vmem>>) semaphore(%run_scoped3A : memref<!tpu.dma_semaphore, #tpu.memory_space<semaphore_mem>>) {add = true}
        %dma_wait3A_441 = arith.constant 0 : i32
        %dma_wait3A_442 = arith.constant 0 : i32
        %dma_wait3A_443 = tpu.memref_slice %arg23[%dma_wait3A_441, %dma_wait3A_442] : memref<10240x128xf32, #tpu.memory_space<vmem_shared>> -> memref<10240x128xf32, #tpu.memory_space<vmem_shared>>
        tpu.wait_indirect_dma semaphore(%run_scoped3A : memref<!tpu.dma_semaphore, #tpu.memory_space<semaphore_mem>>) src(%arg16 : memref<80x128xf32, #tpu.memory_space<vmem>>) dst(%dma_wait3A_443 : memref<10240x128xf32, #tpu.memory_space<vmem_shared>>)
        tpu.yield
      }) : () -> ()
      %add3A_381 = arith.constant 5 : i32
      %add3A_382 = arith.addi %mul3A_319, %add3A_381 : i32
      %min3A_383 = arith.constant 124 : i32
      %min3A_384 = arith.minsi %add3A_382, %min3A_383 : i32
      %mul3A_385 = arith.constant 80 : i32
      %mul3A_386 = arith.muli %min3A_384, %mul3A_385 : i32
      %add3A_387 = arith.addi %mul3A_98, %mul3A_386 : i32
      %multiple_of3A_388 = tpu.assume_multiple %add3A_387, 8 : i32
      %dma_start3A_389 = tpu.memref_slice %arg3[%multiple_of3A_388] : memref<320000xi32, #tpu.memory_space<hbm>> -> memref<80xi32, #tpu.memory_space<hbm>>
      %dma_start3A_390 = tpu.memref_slice %arg3[%multiple_of3A_388] : memref<320000xi32, #tpu.memory_space<hbm>> -> memref<80xi32, #tpu.memory_space<hbm>>
      tpu.enqueue_dma source(%dma_start3A_390 : memref<80xi32, #tpu.memory_space<hbm>>) target(%arg9 : memref<80xi32, #tpu.memory_space<vmem>>) target_semaphore(%arg20 : memref<!tpu.dma_semaphore, #tpu.memory_space<semaphore_mem>>)
      %dma_start3A_391 = tpu.memref_slice %arg4[%multiple_of3A_388] : memref<320000xi32, #tpu.memory_space<hbm>> -> memref<80xi32, #tpu.memory_space<hbm>>
      %dma_start3A_392 = tpu.memref_slice %arg4[%multiple_of3A_388] : memref<320000xi32, #tpu.memory_space<hbm>> -> memref<80xi32, #tpu.memory_space<hbm>>
      tpu.enqueue_dma source(%dma_start3A_392 : memref<80xi32, #tpu.memory_space<hbm>>) target(%arg10 : memref<80xi32, #tpu.memory_space<vmem>>) target_semaphore(%arg20 : memref<!tpu.dma_semaphore, #tpu.memory_space<semaphore_mem>>)
      %add3A_393 = arith.constant 3 : i32
      %add3A_394 = arith.addi %mul3A_319, %add3A_393 : i32
      %min3A_395 = arith.constant 124 : i32
      %min3A_396 = arith.minsi %add3A_394, %min3A_395 : i32
      %mul3A_397 = arith.constant 80 : i32
      %mul3A_398 = arith.muli %min3A_396, %mul3A_397 : i32
      %add3A_399 = arith.addi %mul3A_98, %mul3A_398 : i32
      %multiple_of3A_400 = tpu.assume_multiple %add3A_399, 8 : i32
      %dma_wait3A_401 = tpu.memref_slice %arg3[%multiple_of3A_400] : memref<320000xi32, #tpu.memory_space<hbm>> -> memref<80xi32, #tpu.memory_space<hbm>>
      %dma_wait3A_402 = tpu.memref_slice %arg3[%multiple_of3A_400] : memref<320000xi32, #tpu.memory_space<hbm>> -> memref<80xi32, #tpu.memory_space<hbm>>
      tpu.wait_dma2 semaphore(%arg22 : memref<!tpu.dma_semaphore, #tpu.memory_space<semaphore_mem>>) src(%dma_wait3A_402 : memref<80xi32, #tpu.memory_space<hbm>>) dst(%arg13 : memref<80xi32, #tpu.memory_space<vmem>>)
      %dma_wait3A_403 = tpu.memref_slice %arg4[%multiple_of3A_400] : memref<320000xi32, #tpu.memory_space<hbm>> -> memref<80xi32, #tpu.memory_space<hbm>>
      %dma_wait3A_404 = tpu.memref_slice %arg4[%multiple_of3A_400] : memref<320000xi32, #tpu.memory_space<hbm>> -> memref<80xi32, #tpu.memory_space<hbm>>
      tpu.wait_dma2 semaphore(%arg22 : memref<!tpu.dma_semaphore, #tpu.memory_space<semaphore_mem>>) src(%dma_wait3A_404 : memref<80xi32, #tpu.memory_space<hbm>>) dst(%arg14 : memref<80xi32, #tpu.memory_space<vmem>>)
      %dma_start3A_405 = arith.constant 0 : i32
      %dma_start3A_406 = arith.constant 0 : i32
      %dma_start3A_407 = tpu.memref_slice %arg2[%dma_start3A_405, %dma_start3A_406] : memref<10000x128xf32, #tpu.memory_space<hbm>> -> memref<10000x128xf32, #tpu.memory_space<hbm>>
      tpu.enqueue_indirect_dma source(%dma_start3A_407 : memref<10000x128xf32, #tpu.memory_space<hbm>>) target(%arg16 : memref<80x128xf32, #tpu.memory_space<vmem>>) offsets(%arg13 : memref<80xi32, #tpu.memory_space<vmem>>) semaphore(%arg18 : memref<!tpu.dma_semaphore, #tpu.memory_space<semaphore_mem>>)
      %dma_wait3A_408 = arith.constant 0 : i32
      %dma_wait3A_409 = arith.constant 0 : i32
      %dma_wait3A_410 = tpu.memref_slice %arg2[%dma_wait3A_408, %dma_wait3A_409] : memref<10000x128xf32, #tpu.memory_space<hbm>> -> memref<10000x128xf32, #tpu.memory_space<hbm>>
      tpu.wait_indirect_dma semaphore(%arg17 : memref<!tpu.dma_semaphore, #tpu.memory_space<semaphore_mem>>) src(%dma_wait3A_410 : memref<10000x128xf32, #tpu.memory_space<hbm>>) dst(%arg15 : memref<80x128xf32, #tpu.memory_space<vmem>>)
      "tpu.region"() ({
        %run_scoped3A = tpu.sem_alloc : memref<!tpu.dma_semaphore, #tpu.memory_space<semaphore_mem>>
        %dma_start3A_438 = arith.constant 0 : i32
        %dma_start3A_439 = arith.constant 0 : i32
        %dma_start3A_440 = tpu.memref_slice %arg23[%dma_start3A_438, %dma_start3A_439] : memref<10240x128xf32, #tpu.memory_space<vmem_shared>> -> memref<10240x128xf32, #tpu.memory_space<vmem_shared>>
        tpu.enqueue_indirect_dma source(%arg15 : memref<80x128xf32, #tpu.memory_space<vmem>>) target(%dma_start3A_440 : memref<10240x128xf32, #tpu.memory_space<vmem_shared>>) offsets(%arg12 : memref<80xi32, #tpu.memory_space<vmem>>) semaphore(%run_scoped3A : memref<!tpu.dma_semaphore, #tpu.memory_space<semaphore_mem>>) {add = true}
        %dma_wait3A_441 = arith.constant 0 : i32
        %dma_wait3A_442 = arith.constant 0 : i32
        %dma_wait3A_443 = tpu.memref_slice %arg23[%dma_wait3A_441, %dma_wait3A_442] : memref<10240x128xf32, #tpu.memory_space<vmem_shared>> -> memref<10240x128xf32, #tpu.memory_space<vmem_shared>>
        tpu.wait_indirect_dma semaphore(%run_scoped3A : memref<!tpu.dma_semaphore, #tpu.memory_space<semaphore_mem>>) src(%arg15 : memref<80x128xf32, #tpu.memory_space<vmem>>) dst(%dma_wait3A_443 : memref<10240x128xf32, #tpu.memory_space<vmem_shared>>)
        tpu.yield
      }) : () -> ()
      %add3A_411 = arith.constant 6 : i32
      %add3A_412 = arith.addi %mul3A_319, %add3A_411 : i32
      %min3A_413 = arith.constant 124 : i32
      %min3A_414 = arith.minsi %add3A_412, %min3A_413 : i32
      %mul3A_415 = arith.constant 80 : i32
      %mul3A_416 = arith.muli %min3A_414, %mul3A_415 : i32
      %add3A_417 = arith.addi %mul3A_98, %mul3A_416 : i32
      %multiple_of3A_418 = tpu.assume_multiple %add3A_417, 8 : i32
      %dma_start3A_419 = tpu.memref_slice %arg3[%multiple_of3A_418] : memref<320000xi32, #tpu.memory_space<hbm>> -> memref<80xi32, #tpu.memory_space<hbm>>
      %dma_start3A_420 = tpu.memref_slice %arg3[%multiple_of3A_418] : memref<320000xi32, #tpu.memory_space<hbm>> -> memref<80xi32, #tpu.memory_space<hbm>>
      tpu.enqueue_dma source(%dma_start3A_420 : memref<80xi32, #tpu.memory_space<hbm>>) target(%arg11 : memref<80xi32, #tpu.memory_space<vmem>>) target_semaphore(%arg21 : memref<!tpu.dma_semaphore, #tpu.memory_space<semaphore_mem>>)
      %dma_start3A_421 = tpu.memref_slice %arg4[%multiple_of3A_418] : memref<320000xi32, #tpu.memory_space<hbm>> -> memref<80xi32, #tpu.memory_space<hbm>>
      %dma_start3A_422 = tpu.memref_slice %arg4[%multiple_of3A_418] : memref<320000xi32, #tpu.memory_space<hbm>> -> memref<80xi32, #tpu.memory_space<hbm>>
      tpu.enqueue_dma source(%dma_start3A_422 : memref<80xi32, #tpu.memory_space<hbm>>) target(%arg12 : memref<80xi32, #tpu.memory_space<vmem>>) target_semaphore(%arg21 : memref<!tpu.dma_semaphore, #tpu.memory_space<semaphore_mem>>)
      %dma_wait3A_423 = arith.constant 0 : i32
      %dma_wait3A_424 = arith.constant 0 : i32
      %dma_wait3A_425 = tpu.memref_slice %arg2[%dma_wait3A_423, %dma_wait3A_424] : memref<10000x128xf32, #tpu.memory_space<hbm>> -> memref<10000x128xf32, #tpu.memory_space<hbm>>
      tpu.wait_indirect_dma semaphore(%arg18 : memref<!tpu.dma_semaphore, #tpu.memory_space<semaphore_mem>>) src(%dma_wait3A_425 : memref<10000x128xf32, #tpu.memory_space<hbm>>) dst(%arg16 : memref<80x128xf32, #tpu.memory_space<vmem>>)
      "tpu.region"() ({
        %run_scoped3A = tpu.sem_alloc : memref<!tpu.dma_semaphore, #tpu.memory_space<semaphore_mem>>
        %dma_start3A_438 = arith.constant 0 : i32
        %dma_start3A_439 = arith.constant 0 : i32
        %dma_start3A_440 = tpu.memref_slice %arg23[%dma_start3A_438, %dma_start3A_439] : memref<10240x128xf32, #tpu.memory_space<vmem_shared>> -> memref<10240x128xf32, #tpu.memory_space<vmem_shared>>
        tpu.enqueue_indirect_dma source(%arg16 : memref<80x128xf32, #tpu.memory_space<vmem>>) target(%dma_start3A_440 : memref<10240x128xf32, #tpu.memory_space<vmem_shared>>) offsets(%arg14 : memref<80xi32, #tpu.memory_space<vmem>>) semaphore(%run_scoped3A : memref<!tpu.dma_semaphore, #tpu.memory_space<semaphore_mem>>) {add = true}
        %dma_wait3A_441 = arith.constant 0 : i32
        %dma_wait3A_442 = arith.constant 0 : i32
        %dma_wait3A_443 = tpu.memref_slice %arg23[%dma_wait3A_441, %dma_wait3A_442] : memref<10240x128xf32, #tpu.memory_space<vmem_shared>> -> memref<10240x128xf32, #tpu.memory_space<vmem_shared>>
        tpu.wait_indirect_dma semaphore(%run_scoped3A : memref<!tpu.dma_semaphore, #tpu.memory_space<semaphore_mem>>) src(%arg16 : memref<80x128xf32, #tpu.memory_space<vmem>>) dst(%dma_wait3A_443 : memref<10240x128xf32, #tpu.memory_space<vmem_shared>>)
        tpu.yield
      }) : () -> ()
      %add3A_426 = arith.constant 7 : i32
      %add3A_427 = arith.addi %mul3A_319, %add3A_426 : i32
      %min3A_428 = arith.constant 124 : i32
      %min3A_429 = arith.minsi %add3A_427, %min3A_428 : i32
      %mul3A_430 = arith.constant 80 : i32
      %mul3A_431 = arith.muli %min3A_429, %mul3A_430 : i32
      %add3A_432 = arith.addi %mul3A_98, %mul3A_431 : i32
      %multiple_of3A_433 = tpu.assume_multiple %add3A_432, 8 : i32
      %dma_start3A_434 = tpu.memref_slice %arg3[%multiple_of3A_433] : memref<320000xi32, #tpu.memory_space<hbm>> -> memref<80xi32, #tpu.memory_space<hbm>>
      %dma_start3A_435 = tpu.memref_slice %arg3[%multiple_of3A_433] : memref<320000xi32, #tpu.memory_space<hbm>> -> memref<80xi32, #tpu.memory_space<hbm>>
      tpu.enqueue_dma source(%dma_start3A_435 : memref<80xi32, #tpu.memory_space<hbm>>) target(%arg13 : memref<80xi32, #tpu.memory_space<vmem>>) target_semaphore(%arg22 : memref<!tpu.dma_semaphore, #tpu.memory_space<semaphore_mem>>)
      %dma_start3A_436 = tpu.memref_slice %arg4[%multiple_of3A_433] : memref<320000xi32, #tpu.memory_space<hbm>> -> memref<80xi32, #tpu.memory_space<hbm>>
      %dma_start3A_437 = tpu.memref_slice %arg4[%multiple_of3A_433] : memref<320000xi32, #tpu.memory_space<hbm>> -> memref<80xi32, #tpu.memory_space<hbm>>
      tpu.enqueue_dma source(%dma_start3A_437 : memref<80xi32, #tpu.memory_space<hbm>>) target(%arg14 : memref<80xi32, #tpu.memory_space<vmem>>) target_semaphore(%arg22 : memref<!tpu.dma_semaphore, #tpu.memory_space<semaphore_mem>>)
    }
    %scan3A_147 = arith.constant 31 : i32
    %min3A_148 = arith.constant 124 : i32
    %min3A_149 = arith.constant 124 : i32
    %min3A_150 = arith.minsi %min3A_148, %min3A_149 : i32
    %mul3A_151 = arith.constant 80 : i32
    %mul3A_152 = arith.muli %min3A_150, %mul3A_151 : i32
    %add3A_153 = arith.addi %mul3A_98, %mul3A_152 : i32
    %multiple_of3A_154 = tpu.assume_multiple %add3A_153, 8 : i32
    %dma_wait3A_155 = tpu.memref_slice %arg3[%multiple_of3A_154] : memref<320000xi32, #tpu.memory_space<hbm>> -> memref<80xi32, #tpu.memory_space<hbm>>
    %dma_wait3A_156 = tpu.memref_slice %arg3[%multiple_of3A_154] : memref<320000xi32, #tpu.memory_space<hbm>> -> memref<80xi32, #tpu.memory_space<hbm>>
    tpu.wait_dma2 semaphore(%arg19 : memref<!tpu.dma_semaphore, #tpu.memory_space<semaphore_mem>>) src(%dma_wait3A_156 : memref<80xi32, #tpu.memory_space<hbm>>) dst(%arg7 : memref<80xi32, #tpu.memory_space<vmem>>)
    %dma_wait3A_157 = tpu.memref_slice %arg4[%multiple_of3A_154] : memref<320000xi32, #tpu.memory_space<hbm>> -> memref<80xi32, #tpu.memory_space<hbm>>
    %dma_wait3A_158 = tpu.memref_slice %arg4[%multiple_of3A_154] : memref<320000xi32, #tpu.memory_space<hbm>> -> memref<80xi32, #tpu.memory_space<hbm>>
    tpu.wait_dma2 semaphore(%arg19 : memref<!tpu.dma_semaphore, #tpu.memory_space<semaphore_mem>>) src(%dma_wait3A_158 : memref<80xi32, #tpu.memory_space<hbm>>) dst(%arg8 : memref<80xi32, #tpu.memory_space<vmem>>)
    %dma_start3A_159 = arith.constant 0 : i32
    %dma_start3A_160 = arith.constant 0 : i32
    %dma_start3A_161 = tpu.memref_slice %arg2[%dma_start3A_159, %dma_start3A_160] : memref<10000x128xf32, #tpu.memory_space<hbm>> -> memref<10000x128xf32, #tpu.memory_space<hbm>>
    tpu.enqueue_indirect_dma source(%dma_start3A_161 : memref<10000x128xf32, #tpu.memory_space<hbm>>) target(%arg15 : memref<80x128xf32, #tpu.memory_space<vmem>>) offsets(%arg7 : memref<80xi32, #tpu.memory_space<vmem>>) semaphore(%arg17 : memref<!tpu.dma_semaphore, #tpu.memory_space<semaphore_mem>>)
    %dma_wait3A_162 = arith.constant 0 : i32
    %dma_wait3A_163 = arith.constant 0 : i32
    %dma_wait3A_164 = tpu.memref_slice %arg2[%dma_wait3A_162, %dma_wait3A_163] : memref<10000x128xf32, #tpu.memory_space<hbm>> -> memref<10000x128xf32, #tpu.memory_space<hbm>>
    tpu.wait_indirect_dma semaphore(%arg17 : memref<!tpu.dma_semaphore, #tpu.memory_space<semaphore_mem>>) src(%dma_wait3A_164 : memref<10000x128xf32, #tpu.memory_space<hbm>>) dst(%arg15 : memref<80x128xf32, #tpu.memory_space<vmem>>)
    "tpu.region"() ({
      %run_scoped3A = tpu.sem_alloc : memref<!tpu.dma_semaphore, #tpu.memory_space<semaphore_mem>>
      %dma_start3A_317 = arith.constant 0 : i32
      %dma_start3A_318 = arith.constant 0 : i32
      %dma_start3A_319 = tpu.memref_slice %arg23[%dma_start3A_317, %dma_start3A_318] : memref<10240x128xf32, #tpu.memory_space<vmem_shared>> -> memref<10240x128xf32, #tpu.memory_space<vmem_shared>>
      tpu.enqueue_indirect_dma source(%arg15 : memref<80x128xf32, #tpu.memory_space<vmem>>) target(%dma_start3A_319 : memref<10240x128xf32, #tpu.memory_space<vmem_shared>>) offsets(%arg8 : memref<80xi32, #tpu.memory_space<vmem>>) semaphore(%run_scoped3A : memref<!tpu.dma_semaphore, #tpu.memory_space<semaphore_mem>>) {add = true}
      %dma_wait3A_320 = arith.constant 0 : i32
      %dma_wait3A_321 = arith.constant 0 : i32
      %dma_wait3A_322 = tpu.memref_slice %arg23[%dma_wait3A_320, %dma_wait3A_321] : memref<10240x128xf32, #tpu.memory_space<vmem_shared>> -> memref<10240x128xf32, #tpu.memory_space<vmem_shared>>
      tpu.wait_indirect_dma semaphore(%run_scoped3A : memref<!tpu.dma_semaphore, #tpu.memory_space<semaphore_mem>>) src(%arg15 : memref<80x128xf32, #tpu.memory_space<vmem>>) dst(%dma_wait3A_322 : memref<10240x128xf32, #tpu.memory_space<vmem_shared>>)
      tpu.yield
    }) : () -> ()
    %min3A_165 = arith.constant 125 : i32
    %min3A_166 = arith.constant 124 : i32
    %min3A_167 = arith.minsi %min3A_165, %min3A_166 : i32
    %mul3A_168 = arith.constant 80 : i32
    %mul3A_169 = arith.muli %min3A_167, %mul3A_168 : i32
    %add3A_170 = arith.addi %mul3A_98, %mul3A_169 : i32
    %multiple_of3A_171 = tpu.assume_multiple %add3A_170, 8 : i32
    %dma_wait3A_172 = tpu.memref_slice %arg3[%multiple_of3A_171] : memref<320000xi32, #tpu.memory_space<hbm>> -> memref<80xi32, #tpu.memory_space<hbm>>
    %dma_wait3A_173 = tpu.memref_slice %arg3[%multiple_of3A_171] : memref<320000xi32, #tpu.memory_space<hbm>> -> memref<80xi32, #tpu.memory_space<hbm>>
    tpu.wait_dma2 semaphore(%arg20 : memref<!tpu.dma_semaphore, #tpu.memory_space<semaphore_mem>>) src(%dma_wait3A_173 : memref<80xi32, #tpu.memory_space<hbm>>) dst(%arg9 : memref<80xi32, #tpu.memory_space<vmem>>)
    %dma_wait3A_174 = tpu.memref_slice %arg4[%multiple_of3A_171] : memref<320000xi32, #tpu.memory_space<hbm>> -> memref<80xi32, #tpu.memory_space<hbm>>
    %dma_wait3A_175 = tpu.memref_slice %arg4[%multiple_of3A_171] : memref<320000xi32, #tpu.memory_space<hbm>> -> memref<80xi32, #tpu.memory_space<hbm>>
    tpu.wait_dma2 semaphore(%arg20 : memref<!tpu.dma_semaphore, #tpu.memory_space<semaphore_mem>>) src(%dma_wait3A_175 : memref<80xi32, #tpu.memory_space<hbm>>) dst(%arg10 : memref<80xi32, #tpu.memory_space<vmem>>)
    %min3A_176 = arith.constant 126 : i32
    %min3A_177 = arith.constant 124 : i32
    %min3A_178 = arith.minsi %min3A_176, %min3A_177 : i32
    %mul3A_179 = arith.constant 80 : i32
    %mul3A_180 = arith.muli %min3A_178, %mul3A_179 : i32
    %add3A_181 = arith.addi %mul3A_98, %mul3A_180 : i32
    %multiple_of3A_182 = tpu.assume_multiple %add3A_181, 8 : i32
    %dma_wait3A_183 = tpu.memref_slice %arg3[%multiple_of3A_182] : memref<320000xi32, #tpu.memory_space<hbm>> -> memref<80xi32, #tpu.memory_space<hbm>>
    %dma_wait3A_184 = tpu.memref_slice %arg3[%multiple_of3A_182] : memref<320000xi32, #tpu.memory_space<hbm>> -> memref<80xi32, #tpu.memory_space<hbm>>
    tpu.wait_dma2 semaphore(%arg21 : memref<!tpu.dma_semaphore, #tpu.memory_space<semaphore_mem>>) src(%dma_wait3A_184 : memref<80xi32, #tpu.memory_space<hbm>>) dst(%arg11 : memref<80xi32, #tpu.memory_space<vmem>>)
    %dma_wait3A_185 = tpu.memref_slice %arg4[%multiple_of3A_182] : memref<320000xi32, #tpu.memory_space<hbm>> -> memref<80xi32, #tpu.memory_space<hbm>>
    %dma_wait3A_186 = tpu.memref_slice %arg4[%multiple_of3A_182] : memref<320000xi32, #tpu.memory_space<hbm>> -> memref<80xi32, #tpu.memory_space<hbm>>
    tpu.wait_dma2 semaphore(%arg21 : memref<!tpu.dma_semaphore, #tpu.memory_space<semaphore_mem>>) src(%dma_wait3A_186 : memref<80xi32, #tpu.memory_space<hbm>>) dst(%arg12 : memref<80xi32, #tpu.memory_space<vmem>>)
    %min3A_187 = arith.constant 127 : i32
    %min3A_188 = arith.constant 124 : i32
    %min3A_189 = arith.minsi %min3A_187, %min3A_188 : i32
    %mul3A_190 = arith.constant 80 : i32
    %mul3A_191 = arith.muli %min3A_189, %mul3A_190 : i32
    %add3A_192 = arith.addi %mul3A_98, %mul3A_191 : i32
    %multiple_of3A_193 = tpu.assume_multiple %add3A_192, 8 : i32
    %dma_wait3A_194 = tpu.memref_slice %arg3[%multiple_of3A_193] : memref<320000xi32, #tpu.memory_space<hbm>> -> memref<80xi32, #tpu.memory_space<hbm>>
    %dma_wait3A_195 = tpu.memref_slice %arg3[%multiple_of3A_193] : memref<320000xi32, #tpu.memory_space<hbm>> -> memref<80xi32, #tpu.memory_space<hbm>>
    tpu.wait_dma2 semaphore(%arg22 : memref<!tpu.dma_semaphore, #tpu.memory_space<semaphore_mem>>) src(%dma_wait3A_195 : memref<80xi32, #tpu.memory_space<hbm>>) dst(%arg13 : memref<80xi32, #tpu.memory_space<vmem>>)
    %dma_wait3A_196 = tpu.memref_slice %arg4[%multiple_of3A_193] : memref<320000xi32, #tpu.memory_space<hbm>> -> memref<80xi32, #tpu.memory_space<hbm>>
    %dma_wait3A_197 = tpu.memref_slice %arg4[%multiple_of3A_193] : memref<320000xi32, #tpu.memory_space<hbm>> -> memref<80xi32, #tpu.memory_space<hbm>>
    tpu.wait_dma2 semaphore(%arg22 : memref<!tpu.dma_semaphore, #tpu.memory_space<semaphore_mem>>) src(%dma_wait3A_197 : memref<80xi32, #tpu.memory_space<hbm>>) dst(%arg14 : memref<80xi32, #tpu.memory_space<vmem>>)
    %barrier3A_198 = arith.constant 0 : index
    tpu.barrier barrier_id(%barrier3A_198)
    %mul3A_199 = arith.constant 10240 : i32
    %mul3A_200 = arith.muli %arg0, %mul3A_199 : i32
    %mul3A_201 = arith.constant 640 : i32
    %mul3A_202 = arith.muli %arg1, %mul3A_201 : i32
    %add3A_203 = arith.addi %mul3A_200, %mul3A_202 : i32
    %multiple_of3A_204 = tpu.assume_multiple %add3A_203, 8 : i32
    %add3A_205 = arith.constant 0 : i32
    %add3A_206 = arith.addi %multiple_of3A, %add3A_205 : i32
    "tpu.region"() ({
      %run_scoped3A = tpu.sem_alloc : memref<!tpu.dma_semaphore, #tpu.memory_space<semaphore_mem>>
      %dma_start3A_317 = arith.constant 0 : i32
      %dma_start3A_318 = tpu.memref_slice %arg23[%add3A_206, %dma_start3A_317] : memref<10240x128xf32, #tpu.memory_space<vmem_shared>> -> memref<80x128xf32, #tpu.memory_space<vmem_shared>>
      %dma_start3A_319 = arith.constant 0 : i32
      %dma_start3A_320 = tpu.memref_slice %arg23[%add3A_206, %dma_start3A_319] : memref<10240x128xf32, #tpu.memory_space<vmem_shared>> -> memref<80x128xf32, #tpu.memory_space<vmem_shared>>
      tpu.enqueue_dma source(%dma_start3A_320 : memref<80x128xf32, #tpu.memory_space<vmem_shared>>) target(%arg15 : memref<80x128xf32, #tpu.memory_space<vmem>>) target_semaphore(%run_scoped3A : memref<!tpu.dma_semaphore, #tpu.memory_space<semaphore_mem>>)
      %dma_wait3A_321 = arith.constant 0 : i32
      %dma_wait3A_322 = tpu.memref_slice %arg23[%add3A_206, %dma_wait3A_321] : memref<10240x128xf32, #tpu.memory_space<vmem_shared>> -> memref<80x128xf32, #tpu.memory_space<vmem_shared>>
      %dma_wait3A_323 = arith.constant 0 : i32
      %dma_wait3A_324 = tpu.memref_slice %arg23[%add3A_206, %dma_wait3A_323] : memref<10240x128xf32, #tpu.memory_space<vmem_shared>> -> memref<80x128xf32, #tpu.memory_space<vmem_shared>>
      tpu.wait_dma2 semaphore(%run_scoped3A : memref<!tpu.dma_semaphore, #tpu.memory_space<semaphore_mem>>) src(%dma_wait3A_324 : memref<80x128xf32, #tpu.memory_space<vmem_shared>>) dst(%arg15 : memref<80x128xf32, #tpu.memory_space<vmem>>)
      tpu.yield
    }) : () -> ()
    %add3A_207 = arith.constant 0 : i32
    %add3A_208 = arith.addi %multiple_of3A_204, %add3A_207 : i32
    %dma_start3A_209 = arith.constant 0 : i32
    %dma_start3A_210 = tpu.memref_slice %arg6[%add3A_208, %dma_start3A_209] : memref<20480x128xf32, #tpu.memory_space<hbm>> -> memref<80x128xf32, #tpu.memory_space<hbm>>
    %dma_start3A_211 = arith.constant 0 : i32
    %dma_start3A_212 = tpu.memref_slice %arg6[%add3A_208, %dma_start3A_211] : memref<20480x128xf32, #tpu.memory_space<hbm>> -> memref<80x128xf32, #tpu.memory_space<hbm>>
    tpu.enqueue_dma source(%arg15 : memref<80x128xf32, #tpu.memory_space<vmem>>) target(%dma_start3A_212 : memref<80x128xf32, #tpu.memory_space<hbm>>) target_semaphore(%arg17 : memref<!tpu.dma_semaphore, #tpu.memory_space<semaphore_mem>>)
    %add3A_213 = arith.constant 80 : i32
    %add3A_214 = arith.addi %multiple_of3A, %add3A_213 : i32
    "tpu.region"() ({
      %run_scoped3A = tpu.sem_alloc : memref<!tpu.dma_semaphore, #tpu.memory_space<semaphore_mem>>
      %dma_start3A_317 = arith.constant 0 : i32
      %dma_start3A_318 = tpu.memref_slice %arg23[%add3A_214, %dma_start3A_317] : memref<10240x128xf32, #tpu.memory_space<vmem_shared>> -> memref<80x128xf32, #tpu.memory_space<vmem_shared>>
      %dma_start3A_319 = arith.constant 0 : i32
      %dma_start3A_320 = tpu.memref_slice %arg23[%add3A_214, %dma_start3A_319] : memref<10240x128xf32, #tpu.memory_space<vmem_shared>> -> memref<80x128xf32, #tpu.memory_space<vmem_shared>>
      tpu.enqueue_dma source(%dma_start3A_320 : memref<80x128xf32, #tpu.memory_space<vmem_shared>>) target(%arg16 : memref<80x128xf32, #tpu.memory_space<vmem>>) target_semaphore(%run_scoped3A : memref<!tpu.dma_semaphore, #tpu.memory_space<semaphore_mem>>)
      %dma_wait3A_321 = arith.constant 0 : i32
      %dma_wait3A_322 = tpu.memref_slice %arg23[%add3A_214, %dma_wait3A_321] : memref<10240x128xf32, #tpu.memory_space<vmem_shared>> -> memref<80x128xf32, #tpu.memory_space<vmem_shared>>
      %dma_wait3A_323 = arith.constant 0 : i32
      %dma_wait3A_324 = tpu.memref_slice %arg23[%add3A_214, %dma_wait3A_323] : memref<10240x128xf32, #tpu.memory_space<vmem_shared>> -> memref<80x128xf32, #tpu.memory_space<vmem_shared>>
      tpu.wait_dma2 semaphore(%run_scoped3A : memref<!tpu.dma_semaphore, #tpu.memory_space<semaphore_mem>>) src(%dma_wait3A_324 : memref<80x128xf32, #tpu.memory_space<vmem_shared>>) dst(%arg16 : memref<80x128xf32, #tpu.memory_space<vmem>>)
      tpu.yield
    }) : () -> ()
    %add3A_215 = arith.constant 80 : i32
    %add3A_216 = arith.addi %multiple_of3A_204, %add3A_215 : i32
    %dma_start3A_217 = arith.constant 0 : i32
    %dma_start3A_218 = tpu.memref_slice %arg6[%add3A_216, %dma_start3A_217] : memref<20480x128xf32, #tpu.memory_space<hbm>> -> memref<80x128xf32, #tpu.memory_space<hbm>>
    %dma_start3A_219 = arith.constant 0 : i32
    %dma_start3A_220 = tpu.memref_slice %arg6[%add3A_216, %dma_start3A_219] : memref<20480x128xf32, #tpu.memory_space<hbm>> -> memref<80x128xf32, #tpu.memory_space<hbm>>
    tpu.enqueue_dma source(%arg16 : memref<80x128xf32, #tpu.memory_space<vmem>>) target(%dma_start3A_220 : memref<80x128xf32, #tpu.memory_space<hbm>>) target_semaphore(%arg18 : memref<!tpu.dma_semaphore, #tpu.memory_space<semaphore_mem>>)
    %add3A_221 = arith.constant 0 : i32
    %add3A_222 = arith.addi %multiple_of3A_204, %add3A_221 : i32
    %dma_wait3A_223 = arith.constant 0 : i32
    %dma_wait3A_224 = tpu.memref_slice %arg6[%add3A_222, %dma_wait3A_223] : memref<20480x128xf32, #tpu.memory_space<hbm>> -> memref<80x128xf32, #tpu.memory_space<hbm>>
    %dma_wait3A_225 = arith.constant 0 : i32
    %dma_wait3A_226 = tpu.memref_slice %arg6[%add3A_222, %dma_wait3A_225] : memref<20480x128xf32, #tpu.memory_space<hbm>> -> memref<80x128xf32, #tpu.memory_space<hbm>>
    tpu.wait_dma2 semaphore(%arg17 : memref<!tpu.dma_semaphore, #tpu.memory_space<semaphore_mem>>) src(%arg15 : memref<80x128xf32, #tpu.memory_space<vmem>>) dst(%dma_wait3A_226 : memref<80x128xf32, #tpu.memory_space<hbm>>)
    %add3A_227 = arith.constant 160 : i32
    %add3A_228 = arith.addi %multiple_of3A, %add3A_227 : i32
    "tpu.region"() ({
      %run_scoped3A = tpu.sem_alloc : memref<!tpu.dma_semaphore, #tpu.memory_space<semaphore_mem>>
      %dma_start3A_317 = arith.constant 0 : i32
      %dma_start3A_318 = tpu.memref_slice %arg23[%add3A_228, %dma_start3A_317] : memref<10240x128xf32, #tpu.memory_space<vmem_shared>> -> memref<80x128xf32, #tpu.memory_space<vmem_shared>>
      %dma_start3A_319 = arith.constant 0 : i32
      %dma_start3A_320 = tpu.memref_slice %arg23[%add3A_228, %dma_start3A_319] : memref<10240x128xf32, #tpu.memory_space<vmem_shared>> -> memref<80x128xf32, #tpu.memory_space<vmem_shared>>
      tpu.enqueue_dma source(%dma_start3A_320 : memref<80x128xf32, #tpu.memory_space<vmem_shared>>) target(%arg15 : memref<80x128xf32, #tpu.memory_space<vmem>>) target_semaphore(%run_scoped3A : memref<!tpu.dma_semaphore, #tpu.memory_space<semaphore_mem>>)
      %dma_wait3A_321 = arith.constant 0 : i32
      %dma_wait3A_322 = tpu.memref_slice %arg23[%add3A_228, %dma_wait3A_321] : memref<10240x128xf32, #tpu.memory_space<vmem_shared>> -> memref<80x128xf32, #tpu.memory_space<vmem_shared>>
      %dma_wait3A_323 = arith.constant 0 : i32
      %dma_wait3A_324 = tpu.memref_slice %arg23[%add3A_228, %dma_wait3A_323] : memref<10240x128xf32, #tpu.memory_space<vmem_shared>> -> memref<80x128xf32, #tpu.memory_space<vmem_shared>>
      tpu.wait_dma2 semaphore(%run_scoped3A : memref<!tpu.dma_semaphore, #tpu.memory_space<semaphore_mem>>) src(%dma_wait3A_324 : memref<80x128xf32, #tpu.memory_space<vmem_shared>>) dst(%arg15 : memref<80x128xf32, #tpu.memory_space<vmem>>)
      tpu.yield
    }) : () -> ()
    %add3A_229 = arith.constant 160 : i32
    %add3A_230 = arith.addi %multiple_of3A_204, %add3A_229 : i32
    %dma_start3A_231 = arith.constant 0 : i32
    %dma_start3A_232 = tpu.memref_slice %arg6[%add3A_230, %dma_start3A_231] : memref<20480x128xf32, #tpu.memory_space<hbm>> -> memref<80x128xf32, #tpu.memory_space<hbm>>
    %dma_start3A_233 = arith.constant 0 : i32
    %dma_start3A_234 = tpu.memref_slice %arg6[%add3A_230, %dma_start3A_233] : memref<20480x128xf32, #tpu.memory_space<hbm>> -> memref<80x128xf32, #tpu.memory_space<hbm>>
    tpu.enqueue_dma source(%arg15 : memref<80x128xf32, #tpu.memory_space<vmem>>) target(%dma_start3A_234 : memref<80x128xf32, #tpu.memory_space<hbm>>) target_semaphore(%arg17 : memref<!tpu.dma_semaphore, #tpu.memory_space<semaphore_mem>>)
    %add3A_235 = arith.constant 80 : i32
    %add3A_236 = arith.addi %multiple_of3A_204, %add3A_235 : i32
    %dma_wait3A_237 = arith.constant 0 : i32
    %dma_wait3A_238 = tpu.memref_slice %arg6[%add3A_236, %dma_wait3A_237] : memref<20480x128xf32, #tpu.memory_space<hbm>> -> memref<80x128xf32, #tpu.memory_space<hbm>>
    %dma_wait3A_239 = arith.constant 0 : i32
    %dma_wait3A_240 = tpu.memref_slice %arg6[%add3A_236, %dma_wait3A_239] : memref<20480x128xf32, #tpu.memory_space<hbm>> -> memref<80x128xf32, #tpu.memory_space<hbm>>
    tpu.wait_dma2 semaphore(%arg18 : memref<!tpu.dma_semaphore, #tpu.memory_space<semaphore_mem>>) src(%arg16 : memref<80x128xf32, #tpu.memory_space<vmem>>) dst(%dma_wait3A_240 : memref<80x128xf32, #tpu.memory_space<hbm>>)
    %add3A_241 = arith.constant 240 : i32
    %add3A_242 = arith.addi %multiple_of3A, %add3A_241 : i32
    "tpu.region"() ({
      %run_scoped3A = tpu.sem_alloc : memref<!tpu.dma_semaphore, #tpu.memory_space<semaphore_mem>>
      %dma_start3A_317 = arith.constant 0 : i32
      %dma_start3A_318 = tpu.memref_slice %arg23[%add3A_242, %dma_start3A_317] : memref<10240x128xf32, #tpu.memory_space<vmem_shared>> -> memref<80x128xf32, #tpu.memory_space<vmem_shared>>
      %dma_start3A_319 = arith.constant 0 : i32
      %dma_start3A_320 = tpu.memref_slice %arg23[%add3A_242, %dma_start3A_319] : memref<10240x128xf32, #tpu.memory_space<vmem_shared>> -> memref<80x128xf32, #tpu.memory_space<vmem_shared>>
      tpu.enqueue_dma source(%dma_start3A_320 : memref<80x128xf32, #tpu.memory_space<vmem_shared>>) target(%arg16 : memref<80x128xf32, #tpu.memory_space<vmem>>) target_semaphore(%run_scoped3A : memref<!tpu.dma_semaphore, #tpu.memory_space<semaphore_mem>>)
      %dma_wait3A_321 = arith.constant 0 : i32
      %dma_wait3A_322 = tpu.memref_slice %arg23[%add3A_242, %dma_wait3A_321] : memref<10240x128xf32, #tpu.memory_space<vmem_shared>> -> memref<80x128xf32, #tpu.memory_space<vmem_shared>>
      %dma_wait3A_323 = arith.constant 0 : i32
      %dma_wait3A_324 = tpu.memref_slice %arg23[%add3A_242, %dma_wait3A_323] : memref<10240x128xf32, #tpu.memory_space<vmem_shared>> -> memref<80x128xf32, #tpu.memory_space<vmem_shared>>
      tpu.wait_dma2 semaphore(%run_scoped3A : memref<!tpu.dma_semaphore, #tpu.memory_space<semaphore_mem>>) src(%dma_wait3A_324 : memref<80x128xf32, #tpu.memory_space<vmem_shared>>) dst(%arg16 : memref<80x128xf32, #tpu.memory_space<vmem>>)
      tpu.yield
    }) : () -> ()
    %add3A_243 = arith.constant 240 : i32
    %add3A_244 = arith.addi %multiple_of3A_204, %add3A_243 : i32
    %dma_start3A_245 = arith.constant 0 : i32
    %dma_start3A_246 = tpu.memref_slice %arg6[%add3A_244, %dma_start3A_245] : memref<20480x128xf32, #tpu.memory_space<hbm>> -> memref<80x128xf32, #tpu.memory_space<hbm>>
    %dma_start3A_247 = arith.constant 0 : i32
    %dma_start3A_248 = tpu.memref_slice %arg6[%add3A_244, %dma_start3A_247] : memref<20480x128xf32, #tpu.memory_space<hbm>> -> memref<80x128xf32, #tpu.memory_space<hbm>>
    tpu.enqueue_dma source(%arg16 : memref<80x128xf32, #tpu.memory_space<vmem>>) target(%dma_start3A_248 : memref<80x128xf32, #tpu.memory_space<hbm>>) target_semaphore(%arg18 : memref<!tpu.dma_semaphore, #tpu.memory_space<semaphore_mem>>)
    %add3A_249 = arith.constant 160 : i32
    %add3A_250 = arith.addi %multiple_of3A_204, %add3A_249 : i32
    %dma_wait3A_251 = arith.constant 0 : i32
    %dma_wait3A_252 = tpu.memref_slice %arg6[%add3A_250, %dma_wait3A_251] : memref<20480x128xf32, #tpu.memory_space<hbm>> -> memref<80x128xf32, #tpu.memory_space<hbm>>
    %dma_wait3A_253 = arith.constant 0 : i32
    %dma_wait3A_254 = tpu.memref_slice %arg6[%add3A_250, %dma_wait3A_253] : memref<20480x128xf32, #tpu.memory_space<hbm>> -> memref<80x128xf32, #tpu.memory_space<hbm>>
    tpu.wait_dma2 semaphore(%arg17 : memref<!tpu.dma_semaphore, #tpu.memory_space<semaphore_mem>>) src(%arg15 : memref<80x128xf32, #tpu.memory_space<vmem>>) dst(%dma_wait3A_254 : memref<80x128xf32, #tpu.memory_space<hbm>>)
    %add3A_255 = arith.constant 320 : i32
    %add3A_256 = arith.addi %multiple_of3A, %add3A_255 : i32
    "tpu.region"() ({
      %run_scoped3A = tpu.sem_alloc : memref<!tpu.dma_semaphore, #tpu.memory_space<semaphore_mem>>
      %dma_start3A_317 = arith.constant 0 : i32
      %dma_start3A_318 = tpu.memref_slice %arg23[%add3A_256, %dma_start3A_317] : memref<10240x128xf32, #tpu.memory_space<vmem_shared>> -> memref<80x128xf32, #tpu.memory_space<vmem_shared>>
      %dma_start3A_319 = arith.constant 0 : i32
      %dma_start3A_320 = tpu.memref_slice %arg23[%add3A_256, %dma_start3A_319] : memref<10240x128xf32, #tpu.memory_space<vmem_shared>> -> memref<80x128xf32, #tpu.memory_space<vmem_shared>>
      tpu.enqueue_dma source(%dma_start3A_320 : memref<80x128xf32, #tpu.memory_space<vmem_shared>>) target(%arg15 : memref<80x128xf32, #tpu.memory_space<vmem>>) target_semaphore(%run_scoped3A : memref<!tpu.dma_semaphore, #tpu.memory_space<semaphore_mem>>)
      %dma_wait3A_321 = arith.constant 0 : i32
      %dma_wait3A_322 = tpu.memref_slice %arg23[%add3A_256, %dma_wait3A_321] : memref<10240x128xf32, #tpu.memory_space<vmem_shared>> -> memref<80x128xf32, #tpu.memory_space<vmem_shared>>
      %dma_wait3A_323 = arith.constant 0 : i32
      %dma_wait3A_324 = tpu.memref_slice %arg23[%add3A_256, %dma_wait3A_323] : memref<10240x128xf32, #tpu.memory_space<vmem_shared>> -> memref<80x128xf32, #tpu.memory_space<vmem_shared>>
      tpu.wait_dma2 semaphore(%run_scoped3A : memref<!tpu.dma_semaphore, #tpu.memory_space<semaphore_mem>>) src(%dma_wait3A_324 : memref<80x128xf32, #tpu.memory_space<vmem_shared>>) dst(%arg15 : memref<80x128xf32, #tpu.memory_space<vmem>>)
      tpu.yield
    }) : () -> ()
    %add3A_257 = arith.constant 320 : i32
    %add3A_258 = arith.addi %multiple_of3A_204, %add3A_257 : i32
    %dma_start3A_259 = arith.constant 0 : i32
    %dma_start3A_260 = tpu.memref_slice %arg6[%add3A_258, %dma_start3A_259] : memref<20480x128xf32, #tpu.memory_space<hbm>> -> memref<80x128xf32, #tpu.memory_space<hbm>>
    %dma_start3A_261 = arith.constant 0 : i32
    %dma_start3A_262 = tpu.memref_slice %arg6[%add3A_258, %dma_start3A_261] : memref<20480x128xf32, #tpu.memory_space<hbm>> -> memref<80x128xf32, #tpu.memory_space<hbm>>
    tpu.enqueue_dma source(%arg15 : memref<80x128xf32, #tpu.memory_space<vmem>>) target(%dma_start3A_262 : memref<80x128xf32, #tpu.memory_space<hbm>>) target_semaphore(%arg17 : memref<!tpu.dma_semaphore, #tpu.memory_space<semaphore_mem>>)
    %add3A_263 = arith.constant 240 : i32
    %add3A_264 = arith.addi %multiple_of3A_204, %add3A_263 : i32
    %dma_wait3A_265 = arith.constant 0 : i32
    %dma_wait3A_266 = tpu.memref_slice %arg6[%add3A_264, %dma_wait3A_265] : memref<20480x128xf32, #tpu.memory_space<hbm>> -> memref<80x128xf32, #tpu.memory_space<hbm>>
    %dma_wait3A_267 = arith.constant 0 : i32
    %dma_wait3A_268 = tpu.memref_slice %arg6[%add3A_264, %dma_wait3A_267] : memref<20480x128xf32, #tpu.memory_space<hbm>> -> memref<80x128xf32, #tpu.memory_space<hbm>>
    tpu.wait_dma2 semaphore(%arg18 : memref<!tpu.dma_semaphore, #tpu.memory_space<semaphore_mem>>) src(%arg16 : memref<80x128xf32, #tpu.memory_space<vmem>>) dst(%dma_wait3A_268 : memref<80x128xf32, #tpu.memory_space<hbm>>)
    %add3A_269 = arith.constant 400 : i32
    %add3A_270 = arith.addi %multiple_of3A, %add3A_269 : i32
    "tpu.region"() ({
      %run_scoped3A = tpu.sem_alloc : memref<!tpu.dma_semaphore, #tpu.memory_space<semaphore_mem>>
      %dma_start3A_317 = arith.constant 0 : i32
      %dma_start3A_318 = tpu.memref_slice %arg23[%add3A_270, %dma_start3A_317] : memref<10240x128xf32, #tpu.memory_space<vmem_shared>> -> memref<80x128xf32, #tpu.memory_space<vmem_shared>>
      %dma_start3A_319 = arith.constant 0 : i32
      %dma_start3A_320 = tpu.memref_slice %arg23[%add3A_270, %dma_start3A_319] : memref<10240x128xf32, #tpu.memory_space<vmem_shared>> -> memref<80x128xf32, #tpu.memory_space<vmem_shared>>
      tpu.enqueue_dma source(%dma_start3A_320 : memref<80x128xf32, #tpu.memory_space<vmem_shared>>) target(%arg16 : memref<80x128xf32, #tpu.memory_space<vmem>>) target_semaphore(%run_scoped3A : memref<!tpu.dma_semaphore, #tpu.memory_space<semaphore_mem>>)
      %dma_wait3A_321 = arith.constant 0 : i32
      %dma_wait3A_322 = tpu.memref_slice %arg23[%add3A_270, %dma_wait3A_321] : memref<10240x128xf32, #tpu.memory_space<vmem_shared>> -> memref<80x128xf32, #tpu.memory_space<vmem_shared>>
      %dma_wait3A_323 = arith.constant 0 : i32
      %dma_wait3A_324 = tpu.memref_slice %arg23[%add3A_270, %dma_wait3A_323] : memref<10240x128xf32, #tpu.memory_space<vmem_shared>> -> memref<80x128xf32, #tpu.memory_space<vmem_shared>>
      tpu.wait_dma2 semaphore(%run_scoped3A : memref<!tpu.dma_semaphore, #tpu.memory_space<semaphore_mem>>) src(%dma_wait3A_324 : memref<80x128xf32, #tpu.memory_space<vmem_shared>>) dst(%arg16 : memref<80x128xf32, #tpu.memory_space<vmem>>)
      tpu.yield
    }) : () -> ()
    %add3A_271 = arith.constant 400 : i32
    %add3A_272 = arith.addi %multiple_of3A_204, %add3A_271 : i32
    %dma_start3A_273 = arith.constant 0 : i32
    %dma_start3A_274 = tpu.memref_slice %arg6[%add3A_272, %dma_start3A_273] : memref<20480x128xf32, #tpu.memory_space<hbm>> -> memref<80x128xf32, #tpu.memory_space<hbm>>
    %dma_start3A_275 = arith.constant 0 : i32
    %dma_start3A_276 = tpu.memref_slice %arg6[%add3A_272, %dma_start3A_275] : memref<20480x128xf32, #tpu.memory_space<hbm>> -> memref<80x128xf32, #tpu.memory_space<hbm>>
    tpu.enqueue_dma source(%arg16 : memref<80x128xf32, #tpu.memory_space<vmem>>) target(%dma_start3A_276 : memref<80x128xf32, #tpu.memory_space<hbm>>) target_semaphore(%arg18 : memref<!tpu.dma_semaphore, #tpu.memory_space<semaphore_mem>>)
    %add3A_277 = arith.constant 320 : i32
    %add3A_278 = arith.addi %multiple_of3A_204, %add3A_277 : i32
    %dma_wait3A_279 = arith.constant 0 : i32
    %dma_wait3A_280 = tpu.memref_slice %arg6[%add3A_278, %dma_wait3A_279] : memref<20480x128xf32, #tpu.memory_space<hbm>> -> memref<80x128xf32, #tpu.memory_space<hbm>>
    %dma_wait3A_281 = arith.constant 0 : i32
    %dma_wait3A_282 = tpu.memref_slice %arg6[%add3A_278, %dma_wait3A_281] : memref<20480x128xf32, #tpu.memory_space<hbm>> -> memref<80x128xf32, #tpu.memory_space<hbm>>
    tpu.wait_dma2 semaphore(%arg17 : memref<!tpu.dma_semaphore, #tpu.memory_space<semaphore_mem>>) src(%arg15 : memref<80x128xf32, #tpu.memory_space<vmem>>) dst(%dma_wait3A_282 : memref<80x128xf32, #tpu.memory_space<hbm>>)
    %add3A_283 = arith.constant 480 : i32
    %add3A_284 = arith.addi %multiple_of3A, %add3A_283 : i32
    "tpu.region"() ({
      %run_scoped3A = tpu.sem_alloc : memref<!tpu.dma_semaphore, #tpu.memory_space<semaphore_mem>>
      %dma_start3A_317 = arith.constant 0 : i32
      %dma_start3A_318 = tpu.memref_slice %arg23[%add3A_284, %dma_start3A_317] : memref<10240x128xf32, #tpu.memory_space<vmem_shared>> -> memref<80x128xf32, #tpu.memory_space<vmem_shared>>
      %dma_start3A_319 = arith.constant 0 : i32
      %dma_start3A_320 = tpu.memref_slice %arg23[%add3A_284, %dma_start3A_319] : memref<10240x128xf32, #tpu.memory_space<vmem_shared>> -> memref<80x128xf32, #tpu.memory_space<vmem_shared>>
      tpu.enqueue_dma source(%dma_start3A_320 : memref<80x128xf32, #tpu.memory_space<vmem_shared>>) target(%arg15 : memref<80x128xf32, #tpu.memory_space<vmem>>) target_semaphore(%run_scoped3A : memref<!tpu.dma_semaphore, #tpu.memory_space<semaphore_mem>>)
      %dma_wait3A_321 = arith.constant 0 : i32
      %dma_wait3A_322 = tpu.memref_slice %arg23[%add3A_284, %dma_wait3A_321] : memref<10240x128xf32, #tpu.memory_space<vmem_shared>> -> memref<80x128xf32, #tpu.memory_space<vmem_shared>>
      %dma_wait3A_323 = arith.constant 0 : i32
      %dma_wait3A_324 = tpu.memref_slice %arg23[%add3A_284, %dma_wait3A_323] : memref<10240x128xf32, #tpu.memory_space<vmem_shared>> -> memref<80x128xf32, #tpu.memory_space<vmem_shared>>
      tpu.wait_dma2 semaphore(%run_scoped3A : memref<!tpu.dma_semaphore, #tpu.memory_space<semaphore_mem>>) src(%dma_wait3A_324 : memref<80x128xf32, #tpu.memory_space<vmem_shared>>) dst(%arg15 : memref<80x128xf32, #tpu.memory_space<vmem>>)
      tpu.yield
    }) : () -> ()
    %add3A_285 = arith.constant 480 : i32
    %add3A_286 = arith.addi %multiple_of3A_204, %add3A_285 : i32
    %dma_start3A_287 = arith.constant 0 : i32
    %dma_start3A_288 = tpu.memref_slice %arg6[%add3A_286, %dma_start3A_287] : memref<20480x128xf32, #tpu.memory_space<hbm>> -> memref<80x128xf32, #tpu.memory_space<hbm>>
    %dma_start3A_289 = arith.constant 0 : i32
    %dma_start3A_290 = tpu.memref_slice %arg6[%add3A_286, %dma_start3A_289] : memref<20480x128xf32, #tpu.memory_space<hbm>> -> memref<80x128xf32, #tpu.memory_space<hbm>>
    tpu.enqueue_dma source(%arg15 : memref<80x128xf32, #tpu.memory_space<vmem>>) target(%dma_start3A_290 : memref<80x128xf32, #tpu.memory_space<hbm>>) target_semaphore(%arg17 : memref<!tpu.dma_semaphore, #tpu.memory_space<semaphore_mem>>)
    %add3A_291 = arith.constant 400 : i32
    %add3A_292 = arith.addi %multiple_of3A_204, %add3A_291 : i32
    %dma_wait3A_293 = arith.constant 0 : i32
    %dma_wait3A_294 = tpu.memref_slice %arg6[%add3A_292, %dma_wait3A_293] : memref<20480x128xf32, #tpu.memory_space<hbm>> -> memref<80x128xf32, #tpu.memory_space<hbm>>
    %dma_wait3A_295 = arith.constant 0 : i32
    %dma_wait3A_296 = tpu.memref_slice %arg6[%add3A_292, %dma_wait3A_295] : memref<20480x128xf32, #tpu.memory_space<hbm>> -> memref<80x128xf32, #tpu.memory_space<hbm>>
    tpu.wait_dma2 semaphore(%arg18 : memref<!tpu.dma_semaphore, #tpu.memory_space<semaphore_mem>>) src(%arg16 : memref<80x128xf32, #tpu.memory_space<vmem>>) dst(%dma_wait3A_296 : memref<80x128xf32, #tpu.memory_space<hbm>>)
    %add3A_297 = arith.constant 560 : i32
    %add3A_298 = arith.addi %multiple_of3A, %add3A_297 : i32
    "tpu.region"() ({
      %run_scoped3A = tpu.sem_alloc : memref<!tpu.dma_semaphore, #tpu.memory_space<semaphore_mem>>
      %dma_start3A_317 = arith.constant 0 : i32
      %dma_start3A_318 = tpu.memref_slice %arg23[%add3A_298, %dma_start3A_317] : memref<10240x128xf32, #tpu.memory_space<vmem_shared>> -> memref<80x128xf32, #tpu.memory_space<vmem_shared>>
      %dma_start3A_319 = arith.constant 0 : i32
      %dma_start3A_320 = tpu.memref_slice %arg23[%add3A_298, %dma_start3A_319] : memref<10240x128xf32, #tpu.memory_space<vmem_shared>> -> memref<80x128xf32, #tpu.memory_space<vmem_shared>>
      tpu.enqueue_dma source(%dma_start3A_320 : memref<80x128xf32, #tpu.memory_space<vmem_shared>>) target(%arg16 : memref<80x128xf32, #tpu.memory_space<vmem>>) target_semaphore(%run_scoped3A : memref<!tpu.dma_semaphore, #tpu.memory_space<semaphore_mem>>)
      %dma_wait3A_321 = arith.constant 0 : i32
      %dma_wait3A_322 = tpu.memref_slice %arg23[%add3A_298, %dma_wait3A_321] : memref<10240x128xf32, #tpu.memory_space<vmem_shared>> -> memref<80x128xf32, #tpu.memory_space<vmem_shared>>
      %dma_wait3A_323 = arith.constant 0 : i32
      %dma_wait3A_324 = tpu.memref_slice %arg23[%add3A_298, %dma_wait3A_323] : memref<10240x128xf32, #tpu.memory_space<vmem_shared>> -> memref<80x128xf32, #tpu.memory_space<vmem_shared>>
      tpu.wait_dma2 semaphore(%run_scoped3A : memref<!tpu.dma_semaphore, #tpu.memory_space<semaphore_mem>>) src(%dma_wait3A_324 : memref<80x128xf32, #tpu.memory_space<vmem_shared>>) dst(%arg16 : memref<80x128xf32, #tpu.memory_space<vmem>>)
      tpu.yield
    }) : () -> ()
    %add3A_299 = arith.constant 560 : i32
    %add3A_300 = arith.addi %multiple_of3A_204, %add3A_299 : i32
    %dma_start3A_301 = arith.constant 0 : i32
    %dma_start3A_302 = tpu.memref_slice %arg6[%add3A_300, %dma_start3A_301] : memref<20480x128xf32, #tpu.memory_space<hbm>> -> memref<80x128xf32, #tpu.memory_space<hbm>>
    %dma_start3A_303 = arith.constant 0 : i32
    %dma_start3A_304 = tpu.memref_slice %arg6[%add3A_300, %dma_start3A_303] : memref<20480x128xf32, #tpu.memory_space<hbm>> -> memref<80x128xf32, #tpu.memory_space<hbm>>
    tpu.enqueue_dma source(%arg16 : memref<80x128xf32, #tpu.memory_space<vmem>>) target(%dma_start3A_304 : memref<80x128xf32, #tpu.memory_space<hbm>>) target_semaphore(%arg18 : memref<!tpu.dma_semaphore, #tpu.memory_space<semaphore_mem>>)
    %add3A_305 = arith.constant 480 : i32
    %add3A_306 = arith.addi %multiple_of3A_204, %add3A_305 : i32
    %dma_wait3A_307 = arith.constant 0 : i32
    %dma_wait3A_308 = tpu.memref_slice %arg6[%add3A_306, %dma_wait3A_307] : memref<20480x128xf32, #tpu.memory_space<hbm>> -> memref<80x128xf32, #tpu.memory_space<hbm>>
    %dma_wait3A_309 = arith.constant 0 : i32
    %dma_wait3A_310 = tpu.memref_slice %arg6[%add3A_306, %dma_wait3A_309] : memref<20480x128xf32, #tpu.memory_space<hbm>> -> memref<80x128xf32, #tpu.memory_space<hbm>>
    tpu.wait_dma2 semaphore(%arg17 : memref<!tpu.dma_semaphore, #tpu.memory_space<semaphore_mem>>) src(%arg15 : memref<80x128xf32, #tpu.memory_space<vmem>>) dst(%dma_wait3A_310 : memref<80x128xf32, #tpu.memory_space<hbm>>)
    %add3A_311 = arith.constant 560 : i32
    %add3A_312 = arith.addi %multiple_of3A_204, %add3A_311 : i32
    %dma_wait3A_313 = arith.constant 0 : i32
    %dma_wait3A_314 = tpu.memref_slice %arg6[%add3A_312, %dma_wait3A_313] : memref<20480x128xf32, #tpu.memory_space<hbm>> -> memref<80x128xf32, #tpu.memory_space<hbm>>
    %dma_wait3A_315 = arith.constant 0 : i32
    %dma_wait3A_316 = tpu.memref_slice %arg6[%add3A_312, %dma_wait3A_315] : memref<20480x128xf32, #tpu.memory_space<hbm>> -> memref<80x128xf32, #tpu.memory_space<hbm>>
    tpu.wait_dma2 semaphore(%arg18 : memref<!tpu.dma_semaphore, #tpu.memory_space<semaphore_mem>>) src(%arg16 : memref<80x128xf32, #tpu.memory_space<vmem>>) dst(%dma_wait3A_316 : memref<80x128xf32, #tpu.memory_space<hbm>>)
    return
  }
}

module attributes {stable_mosaic.version = 14 : i64} {
  func.func @_tc_layer1_body(%arg0: memref<10000x128xf32, #tpu.memory_space<vmem>>, %arg1: memref<20480x128xf32, #tpu.memory_space<vmem>>, %arg2: memref<32x10240xf32, #tpu.memory_space<vmem>>, %arg3: memref<128x128xf32, #tpu.memory_space<vmem>>, %arg4: memref<128x128xf32, #tpu.memory_space<vmem>>, %arg5: memref<1x128xf32, #tpu.memory_space<vmem>>, %arg6: memref<1x128xf32, #tpu.memory_space<vmem>>, %arg7: memref<1x128xf32, #tpu.memory_space<vmem>>, %arg8: memref<10000x128xf32, #tpu.memory_space<vmem>>) attributes {dimension_semantics = [], scalar_prefetch = 0 : i64, scratch_operands = 0 : i64, tpu.core_type = #tpu.core_type<tc>} {
    %get3A = arith.constant 0 : index
    %get3A_0 = arith.constant 0 : index
    %get3A_1 = vector.load %arg2[%get3A, %get3A_0] : memref<32x10240xf32, #tpu.memory_space<vmem>>, vector<32x10240xf32>
    %broadcast_in_dim3A = arith.constant 1.000000e+00 : f32
    %broadcast_in_dim3A_2 = vector.broadcast %broadcast_in_dim3A : f32 to vector<32x1xf32>
    %dot_general3A = arith.constant dense<0.000000e+00> : vector<10240x1xf32>
    %dot_general3A_3 = tpu.matmul %get3A_1, %broadcast_in_dim3A_2, %dot_general3A {dimension_numbers = #tpu.dot_dimension_numbers<[0], [0], [1], [1], [0, 1, 1, 1], [], []>, transpose_lhs_hint = false} : vector<32x10240xf32>, vector<32x1xf32>, vector<10240x1xf32> -> vector<10240x1xf32>
    %slice3A = vector.extract_strided_slice %dot_general3A_3 {offsets = [0, 0], sizes = [10000, 1], strides = [1, 1]} : vector<10240x1xf32> to vector<10000x1xf32>
    %max3A = arith.constant 1.000000e+00 : f32
    %max3A_4 = vector.broadcast %max3A : f32 to vector<10000x1xf32>
    %max3A_5 = arith.maximumf %slice3A, %max3A_4 : vector<10000x1xf32>
    %get3A_6 = arith.constant 0 : index
    %get3A_7 = arith.constant 0 : index
    %get3A_8 = vector.load %arg1[%get3A_6, %get3A_7] : memref<20480x128xf32, #tpu.memory_space<vmem>>, vector<10000x128xf32>
    %get3A_9 = arith.constant 10240 : index
    %get3A_10 = arith.constant 0 : index
    %get3A_11 = vector.load %arg1[%get3A_9, %get3A_10] : memref<20480x128xf32, #tpu.memory_space<vmem>>, vector<10000x128xf32>
    %add3A = arith.addf %get3A_8, %get3A_11 : vector<10000x128xf32>
    %div3A = vector.broadcast %max3A_5 : vector<10000x1xf32> to vector<10000x128xf32>
    %div3A_12 = arith.divf %add3A, %div3A : vector<10000x128xf32>
    %get3A_13 = arith.constant 0 : index
    %get3A_14 = arith.constant 0 : index
    %get3A_15 = vector.load %arg3[%get3A_13, %get3A_14] : memref<128x128xf32, #tpu.memory_space<vmem>>, vector<128x128xf32>
    %dot_general3A_16 = arith.constant dense<0.000000e+00> : vector<10000x128xf32>
    %dot_general3A_17 = tpu.matmul %div3A_12, %get3A_15, %dot_general3A_16 {dimension_numbers = #tpu.dot_dimension_numbers<[1], [1], [0], [0], [0, 0, 1, 0], [], []>, transpose_lhs_hint = false} : vector<10000x128xf32>, vector<128x128xf32>, vector<10000x128xf32> -> vector<10000x128xf32>
    %get3A_18 = arith.constant 0 : index
    %get3A_19 = arith.constant 0 : index
    %get3A_20 = vector.load %arg0[%get3A_18, %get3A_19] : memref<10000x128xf32, #tpu.memory_space<vmem>>, vector<10000x128xf32>
    %get3A_21 = arith.constant 0 : index
    %get3A_22 = arith.constant 0 : index
    %get3A_23 = vector.load %arg4[%get3A_21, %get3A_22] : memref<128x128xf32, #tpu.memory_space<vmem>>, vector<128x128xf32>
    %dot_general3A_24 = arith.constant dense<0.000000e+00> : vector<10000x128xf32>
    %dot_general3A_25 = tpu.matmul %get3A_20, %get3A_23, %dot_general3A_24 {dimension_numbers = #tpu.dot_dimension_numbers<[1], [1], [0], [0], [0, 0, 1, 0], [], []>, transpose_lhs_hint = false} : vector<10000x128xf32>, vector<128x128xf32>, vector<10000x128xf32> -> vector<10000x128xf32>
    %add3A_26 = arith.addf %dot_general3A_17, %dot_general3A_25 : vector<10000x128xf32>
    %get3A_27 = arith.constant 0 : index
    %get3A_28 = arith.constant 0 : index
    %get3A_29 = vector.load %arg5[%get3A_27, %get3A_28] : memref<1x128xf32, #tpu.memory_space<vmem>>, vector<1x128xf32>
    %add3A_30 = vector.broadcast %get3A_29 : vector<1x128xf32> to vector<10000x128xf32>
    %add3A_31 = arith.addf %add3A_26, %add3A_30 : vector<10000x128xf32>
    %reduce_sum3A = arith.constant dense<0.000000e+00> : vector<128xf32>
    %reduce_sum3A_32 = vector.multi_reduction <add>, %add3A_31, %reduce_sum3A [0] : vector<10000x128xf32> to vector<128xf32>
    %broadcast_in_dim3A_33 = vector.shape_cast %reduce_sum3A_32 : vector<128xf32> to vector<1x128xf32>
    %div3A_34 = arith.constant 1.000000e+04 : f32
    %div3A_35 = vector.broadcast %div3A_34 : f32 to vector<1x128xf32>
    %div3A_36 = arith.divf %broadcast_in_dim3A_33, %div3A_35 : vector<1x128xf32>
    %sub3A = vector.broadcast %div3A_36 : vector<1x128xf32> to vector<10000x128xf32>
    %sub3A_37 = arith.subf %add3A_31, %sub3A : vector<10000x128xf32>
    %sub3A_38 = vector.broadcast %div3A_36 : vector<1x128xf32> to vector<10000x128xf32>
    %sub3A_39 = arith.subf %add3A_31, %sub3A_38 : vector<10000x128xf32>
    %mul3A = arith.mulf %sub3A_37, %sub3A_39 : vector<10000x128xf32>
    %reduce_sum3A_40 = arith.constant dense<0.000000e+00> : vector<128xf32>
    %reduce_sum3A_41 = vector.multi_reduction <add>, %mul3A, %reduce_sum3A_40 [0] : vector<10000x128xf32> to vector<128xf32>
    %broadcast_in_dim3A_42 = vector.shape_cast %reduce_sum3A_41 : vector<128xf32> to vector<1x128xf32>
    %div3A_43 = arith.constant 1.000000e+04 : f32
    %div3A_44 = vector.broadcast %div3A_43 : f32 to vector<1x128xf32>
    %div3A_45 = arith.divf %broadcast_in_dim3A_42, %div3A_44 : vector<1x128xf32>
    %get3A_46 = arith.constant 0 : index
    %get3A_47 = arith.constant 0 : index
    %get3A_48 = vector.load %arg6[%get3A_46, %get3A_47] : memref<1x128xf32, #tpu.memory_space<vmem>>, vector<1x128xf32>
    %sub3A_49 = vector.broadcast %div3A_36 : vector<1x128xf32> to vector<10000x128xf32>
    %sub3A_50 = arith.subf %add3A_31, %sub3A_49 : vector<10000x128xf32>
    %mul3A_51 = vector.broadcast %get3A_48 : vector<1x128xf32> to vector<10000x128xf32>
    %mul3A_52 = arith.mulf %mul3A_51, %sub3A_50 : vector<10000x128xf32>
    %add3A_53 = arith.constant 9.99999974E-6 : f32
    %add3A_54 = vector.broadcast %add3A_53 : f32 to vector<1x128xf32>
    %add3A_55 = arith.addf %div3A_45, %add3A_54 : vector<1x128xf32>
    %rsqrt3A = math.rsqrt %add3A_55 : vector<1x128xf32>
    %mul3A_56 = vector.broadcast %rsqrt3A : vector<1x128xf32> to vector<10000x128xf32>
    %mul3A_57 = arith.mulf %mul3A_52, %mul3A_56 : vector<10000x128xf32>
    %get3A_58 = arith.constant 0 : index
    %get3A_59 = arith.constant 0 : index
    %get3A_60 = vector.load %arg7[%get3A_58, %get3A_59] : memref<1x128xf32, #tpu.memory_space<vmem>>, vector<1x128xf32>
    %add3A_61 = vector.broadcast %get3A_60 : vector<1x128xf32> to vector<10000x128xf32>
    %add3A_62 = arith.addf %mul3A_57, %add3A_61 : vector<10000x128xf32>
    %max3A_63 = arith.constant 0.000000e+00 : f32
    %max3A_64 = vector.broadcast %max3A_63 : f32 to vector<10000x128xf32>
    %max3A_65 = arith.maximumf %add3A_62, %max3A_64 : vector<10000x128xf32>
    %swap3A = arith.constant 0 : index
    %swap3A_66 = arith.constant 0 : index
    %swap3A_67 = vector.load %arg8[%swap3A, %swap3A_66] : memref<10000x128xf32, #tpu.memory_space<vmem>>, vector<10000x128xf32>
    tpu.vector_store %arg8[%swap3A, %swap3A_66], %max3A_65 {strides = array<i32>} : memref<10000x128xf32, #tpu.memory_space<vmem>>, vector<10000x128xf32>,
    return
  }
}

module attributes {stable_mosaic.version = 14 : i64} {
  func.func @_tc_layer2_body(%arg0: memref<10000x128xf32, #tpu.memory_space<vmem>>, %arg1: memref<20480x128xf32, #tpu.memory_space<vmem>>, %arg2: memref<32x10240xf32, #tpu.memory_space<vmem>>, %arg3: memref<128x128xf32, #tpu.memory_space<vmem>>, %arg4: memref<128x128xf32, #tpu.memory_space<vmem>>, %arg5: memref<1x128xf32, #tpu.memory_space<vmem>>, %arg6: memref<10000x128xf32, #tpu.memory_space<vmem>>) attributes {dimension_semantics = [], scalar_prefetch = 0 : i64, scratch_operands = 0 : i64, tpu.core_type = #tpu.core_type<tc>} {
    %get3A = arith.constant 0 : index
    %get3A_0 = arith.constant 0 : index
    %get3A_1 = vector.load %arg2[%get3A, %get3A_0] : memref<32x10240xf32, #tpu.memory_space<vmem>>, vector<32x10240xf32>
    %broadcast_in_dim3A = arith.constant 1.000000e+00 : f32
    %broadcast_in_dim3A_2 = vector.broadcast %broadcast_in_dim3A : f32 to vector<32x1xf32>
    %dot_general3A = arith.constant dense<0.000000e+00> : vector<10240x1xf32>
    %dot_general3A_3 = tpu.matmul %get3A_1, %broadcast_in_dim3A_2, %dot_general3A {dimension_numbers = #tpu.dot_dimension_numbers<[0], [0], [1], [1], [0, 1, 1, 1], [], []>, transpose_lhs_hint = false} : vector<32x10240xf32>, vector<32x1xf32>, vector<10240x1xf32> -> vector<10240x1xf32>
    %slice3A = vector.extract_strided_slice %dot_general3A_3 {offsets = [0, 0], sizes = [10000, 1], strides = [1, 1]} : vector<10240x1xf32> to vector<10000x1xf32>
    %max3A = arith.constant 1.000000e+00 : f32
    %max3A_4 = vector.broadcast %max3A : f32 to vector<10000x1xf32>
    %max3A_5 = arith.maximumf %slice3A, %max3A_4 : vector<10000x1xf32>
    %get3A_6 = arith.constant 0 : index
    %get3A_7 = arith.constant 0 : index
    %get3A_8 = vector.load %arg1[%get3A_6, %get3A_7] : memref<20480x128xf32, #tpu.memory_space<vmem>>, vector<10000x128xf32>
    %get3A_9 = arith.constant 10240 : index
    %get3A_10 = arith.constant 0 : index
    %get3A_11 = vector.load %arg1[%get3A_9, %get3A_10] : memref<20480x128xf32, #tpu.memory_space<vmem>>, vector<10000x128xf32>
    %add3A = arith.addf %get3A_8, %get3A_11 : vector<10000x128xf32>
    %div3A = vector.broadcast %max3A_5 : vector<10000x1xf32> to vector<10000x128xf32>
    %div3A_12 = arith.divf %add3A, %div3A : vector<10000x128xf32>
    %get3A_13 = arith.constant 0 : index
    %get3A_14 = arith.constant 0 : index
    %get3A_15 = vector.load %arg3[%get3A_13, %get3A_14] : memref<128x128xf32, #tpu.memory_space<vmem>>, vector<128x128xf32>
    %dot_general3A_16 = arith.constant dense<0.000000e+00> : vector<10000x128xf32>
    %dot_general3A_17 = tpu.matmul %div3A_12, %get3A_15, %dot_general3A_16 {dimension_numbers = #tpu.dot_dimension_numbers<[1], [1], [0], [0], [0, 0, 1, 0], [], []>, transpose_lhs_hint = false} : vector<10000x128xf32>, vector<128x128xf32>, vector<10000x128xf32> -> vector<10000x128xf32>
    %get3A_18 = arith.constant 0 : index
    %get3A_19 = arith.constant 0 : index
    %get3A_20 = vector.load %arg0[%get3A_18, %get3A_19] : memref<10000x128xf32, #tpu.memory_space<vmem>>, vector<10000x128xf32>
    %get3A_21 = arith.constant 0 : index
    %get3A_22 = arith.constant 0 : index
    %get3A_23 = vector.load %arg4[%get3A_21, %get3A_22] : memref<128x128xf32, #tpu.memory_space<vmem>>, vector<128x128xf32>
    %dot_general3A_24 = arith.constant dense<0.000000e+00> : vector<10000x128xf32>
    %dot_general3A_25 = tpu.matmul %get3A_20, %get3A_23, %dot_general3A_24 {dimension_numbers = #tpu.dot_dimension_numbers<[1], [1], [0], [0], [0, 0, 1, 0], [], []>, transpose_lhs_hint = false} : vector<10000x128xf32>, vector<128x128xf32>, vector<10000x128xf32> -> vector<10000x128xf32>
    %add3A_26 = arith.addf %dot_general3A_17, %dot_general3A_25 : vector<10000x128xf32>
    %get3A_27 = arith.constant 0 : index
    %get3A_28 = arith.constant 0 : index
    %get3A_29 = vector.load %arg5[%get3A_27, %get3A_28] : memref<1x128xf32, #tpu.memory_space<vmem>>, vector<1x128xf32>
    %add3A_30 = vector.broadcast %get3A_29 : vector<1x128xf32> to vector<10000x128xf32>
    %add3A_31 = arith.addf %add3A_26, %add3A_30 : vector<10000x128xf32>
    %swap3A = arith.constant 0 : index
    %swap3A_32 = arith.constant 0 : index
    %swap3A_33 = vector.load %arg6[%swap3A, %swap3A_32] : memref<10000x128xf32, #tpu.memory_space<vmem>>, vector<10000x128xf32>
    tpu.vector_store %arg6[%swap3A, %swap3A_32], %add3A_31 {strides = array<i32>} : memref<10000x128xf32, #tpu.memory_space<vmem>>, vector<10000x128xf32>,
    return
  }
}

</mosaic_0001>

<sc_bundles>
// kernel: kernel.6.cloned.1.call-start
scs
__scs_entry_jumppad:
0x0: {  	(pc) =	sbr.rel $0x88, $3  }
0x1: {  	(tag) =	ssettag $0x0;
	lr =	simm.s32 $0x1  }
0x2: {  	[smem:$0x3F97] =	sst lr;
	_ =	strace $0xD0000000  }
0x3: {  	_ = 	snop  }
0x4: {  	_ = 	snop  }
0x5: {  	_ = 	snop  }
0x6: {  	_ = 	snop  }
0x7: {  	_ = 	snop  }
__scs_overlays_trampoline_lowered:
0x8: {  	[smem:$0x3FA6] =	sst s0  }
0x9: {  	[smem:$0x3FA7] =	sst s1  }
0xa: {  	[smem:$0x3FA8] =	sst s2  }
0xb: {  	[smem:$0x3FA9] =	sst s3  }
0xc: {  	[smem:$0x3FAA] =	sst s4  }
0xd: {  	[smem:$0x3FAB] =	sst s5  }
0xe: {  	[smem:$0x3FAC] =	sst s6  }
0xf: {  	[smem:$0x3FAD] =	sst s7  }
0x10: {  	[smem:$0x3FAE] =	sst s8  }
0x11: {  	[smem:$0x3FAF] =	sst s9;
	s0 =	simm.s32 @!p0 $0x0  }
0x12: {  	s1 =	sld [smem:$0x3F95];
	s0 =	simm.s32 @p0 $0x1  }
0x13: {  	[smem:$0x3FB0] =	sst s0;
	s0 =	simm.s32 @!p1 $0x0  }
0x14: {  	s2 =	sld [smem:$0x3F94];
	s0 =	simm.s32 @p1 $0x1  }
0x15: {  	[smem:$0x3FB1] =	sst s0;
	s0 =	simm.s32 @!p2 $0x0  }
0x16: {  	s3 =	sld [smem:$0x3FDB];
	s0 =	simm.s32 @p2 $0x1  }
0x17: {  	s4 =	simm.s32 $0x1BF5;
	[smem:$0x3FB3] =	sst s0  }
0x18: {  	s0 =	sld [smem:$0x3F96];
	_ =	swait.ge [sflag:s4], $0x0  }
0x19: {  	s7 =	sld [smem:$0x3F97]  }
0x1a: {  	s8 =	sadd.s32 $0xFFFFE003, lr  }
0x1b: {  	s9 =	sadd.s32 $0xFFFFFEF7, lr;
	s5 =	simm.s32 $0xFFFFFFFF;
	p2 =	slt.u32 s8, $0xFFFFF086  }
0x1c: {  	p1 =	slt.u32 s9, $0xF7A;
	s5 =	simm.s32 @!p2 $0x0  }
0x1d: {  	s5 =	simm.s32 @p1 $0x1;
	p0 =	seq.s32 s7, s2  }
0x1e: {  	s7 =	smul.u32 @!p0 $0xF7A, s2;
	p2 =	seq.s32 @!p0 s5, $0x0  }
0x1f: {  	s9 =	smul.u32 $0xF7A, s1;
	s8 =	simm.s32 @!p0 $0x1BF5;
	p2 =	por !p2, p0  }
0x20: {  	[sflag:s8] =	ssyncset.s32 @!p0 $0xFFFFF086;
	s6 =	sadd.s32 @!p0 s3, s7;
	s7 =	simm.s32 @!p0 $0x108  }
0x21: {  	s3 =	sadd.s32 s3, s9;
	s6 =	sadd.s32 @!p0 $0x88, s6;
	s7 =	simm.s32 @p2 $0x1082  }
0x22: {  	[simem:s7], [sflag:s8] =	dma.local @!p0 [hbm:s6], $0xF7A  }
0x23: {  	s9 =	sor.u32 $0xD0000000, s2;
	s6 =	simm.s32 $0x108;
	_ =	swait.ge @!p0 [sflag:s8], $0x0  }
0x24: {  	s3 =	sadd.s32 $0x88, s3;
	s6 =	simm.s32 @!p1 $0x1082;
	[sflag:s4] =	ssyncset.s32 $0xFFFFF086  }
0x25: {  	[simem:s6], [sflag:s4] =	dma.local [hbm:s3], $0xF7A  }
0x26: {  	[smem:$0x3F97] =	sst s1;
	(tag) =	ssettag s2;
	_ =	strace s9  }
0x27: {  	s1 =	sld [smem:$0x3FA7]  }
0x28: {  	s2 =	sld [smem:$0x3FA8]  }
0x29: {  	s4 =	sld [smem:$0x3FAA]  }
0x2a: {  	p0 =	seq.s32 s5, $0x0;
	s5 =	sld [smem:$0x3FAB]  }
0x2b: {  	s6 =	sld [smem:$0x3FAC]  }
0x2c: {  	s7 =	sld [smem:$0x3FAD]  }
0x2d: {  	s3 =	simm.s32 $0x108;
	s8 =	sld [smem:$0x3FAE]  }
0x2e: {  	s3 =	simm.s32 @!p0 $0x1082;
	s9 =	sld [smem:$0x3FAF]  }
0x2f: {  	lr =	sadd.s32 s0, s3;
	s0 =	sld [smem:$0x3FA6]  }
0x30: {  	s3 =	sld [smem:$0x3FA9]  }
0x31: {  	[smem:$0x3FB2] =	sst s10  }
0x32: {  	s10 =	sld [smem:$0x3FB0];
	_ =	sdelay $0x3  }
0x33: {  	p0 =	seq.s32 s10, $0x1;
	s10 =	sld [smem:$0x3FB2];
	_ =	sdelay $0x3  }
0x34: {  	[smem:$0x3FB2] =	sst s10  }
0x35: {  	s10 =	sld [smem:$0x3FB1];
	_ =	sdelay $0x3  }
0x36: {  	p1 =	seq.s32 s10, $0x1;
	s10 =	sld [smem:$0x3FB2];
	_ =	sdelay $0x3  }
0x37: {  	[smem:$0x3FB2] =	sst s10  }
0x38: {  	s10 =	sld [smem:$0x3FB3]  }
0x39: {  	_ = 	snop;
	(pc) =	sbr.ind lr, $3  }
0x3a: {  	_ = 	snop  }
0x3b: {  	_ = 	snop  }
0x3c: {  	p2 =	seq.s32 s10, $0x1;
	s10 =	sld [smem:$0x3FB2]  }
0x3d: {  	_ =	shalt  }
0x3e: {  	_ =	shalt  }
0x3f: {  	_ =	shalt  }
0x40: {  	_ =	shalt  }
0x41: {  	_ =	shalt  }
0x42: {  	_ =	shalt  }
0x43: {  	_ =	shalt  }
0x44: {  	_ =	shalt  }
0x45: {  	_ =	shalt  }
0x46: {  	_ =	shalt  }
0x47: {  	_ =	shalt  }
0x48: {  	_ =	shalt  }
0x49: {  	_ =	shalt  }
0x4a: {  	_ =	shalt  }
0x4b: {  	_ =	shalt  }
0x4c: {  	_ =	shalt  }
0x4d: {  	_ =	shalt  }
0x4e: {  	_ =	shalt  }
0x4f: {  	_ =	shalt  }
0x50: {  	_ =	shalt  }
0x51: {  	_ =	shalt  }
0x52: {  	_ =	shalt  }
0x53: {  	_ =	shalt  }
0x54: {  	_ =	shalt  }
0x55: {  	_ =	shalt  }
0x56: {  	_ =	shalt  }
0x57: {  	_ =	shalt  }
0x58: {  	_ =	shalt  }
0x59: {  	_ =	shalt  }
0x5a: {  	_ =	shalt  }
0x5b: {  	_ =	shalt  }
0x5c: {  	_ =	shalt  }
0x5d: {  	_ =	shalt  }
0x5e: {  	_ =	shalt  }
0x5f: {  	_ =	shalt  }
0x60: {  	_ =	shalt  }
0x61: {  	_ =	shalt  }
0x62: {  	_ =	shalt  }
0x63: {  	_ =	shalt  }
0x64: {  	_ =	shalt  }
0x65: {  	_ =	shalt  }
0x66: {  	_ =	shalt  }
0x67: {  	_ =	shalt  }
0x68: {  	_ =	shalt  }
0x69: {  	_ =	shalt  }
0x6a: {  	_ =	shalt  }
0x6b: {  	_ =	shalt  }
0x6c: {  	_ =	shalt  }
0x6d: {  	_ =	shalt  }
0x6e: {  	_ =	shalt  }
0x6f: {  	_ =	shalt  }
0x70: {  	_ =	shalt  }
0x71: {  	_ =	shalt  }
0x72: {  	_ =	shalt  }
0x73: {  	_ =	shalt  }
0x74: {  	_ =	shalt  }
0x75: {  	_ =	shalt  }
0x76: {  	_ =	shalt  }
0x77: {  	_ =	shalt  }
0x78: {  	_ =	shalt  }
0x79: {  	_ =	shalt  }
0x7a: {  	_ =	shalt  }
0x7b: {  	_ =	shalt  }
0x7c: {  	_ =	shalt  }
0x7d: {  	_ =	shalt  }
0x7e: {  	_ =	shalt  }
0x7f: {  	_ =	shalt  }
0x80: {  	_ =	shalt  }
0x81: {  	_ =	shalt  }
0x82: {  	_ =	shalt  }
0x83: {  	_ =	shalt  }
0x84: {  	_ =	shalt  }
0x85: {  	_ =	shalt  }
0x86: {  	_ =	shalt  }
0x87: {  	_ =	shalt  }
.Lfunc_end0:
.L_simem_size_0:
called_computation_lowered:
.L_overlay_start_0:
0x88: {  	s2 =	sld [smem:$0x3FD9]  }
0x89: {  	s3 =	sld [smem:$0x3FFE];
	_ =	sdelay $0x1  }
0x8a: {  	s1 =	srdreg.scid  }
0x8b: {  	s0 =	sand.u32 $0x1, s1  }
0x8c: {  	s17 =	sshll.u32 s0, $0xA;
	s2 =	sadd.s32 s3, s2  }
0x8d: {  	s2 =	sadd.s32 s2, s17  }
0x8e: {  	[smem:$0x3FBE] =	sst s2  }
0x8f: {  	_ = 	snop  }
0x90: {  	s2 =	sld [smem:$0x3FC9]  }
0x91: {  	s18 =	sld [smem:$0x3FD0];
	(tm) =	ssettm $0x1  }
0x92: {  	s4 =	sld [smem:$0x3FFB];
	_ =	sdelay $0x3  }
0x93: {  	_ =	strace s4  }
0x94: {  	s4 =	sld [smem:$0x3FFC];
	_ =	sdelay $0x3  }
0x95: {  	_ =	strace s4  }
0x96: {  	s4 =	sld [smem:$0x3FFD];
	_ =	sdelay $0x3  }
0x97: {  	_ =	strace s4  }
0x98: {  	_ =	strace $0x8FFFFFFF  }
0x99: {  	s19 =	sld [smem:$0x3FDB];
	_ =	sdelay $0x1  }
0x9a: {  	s5 =	simm.s32 $_scs_section_size  }
0x9b: {  	s6 =	simm.s32 $_size__tile_overlayer_lowered;
	s7 =	simm.s32 $_tile_overlayer_lowered  }
0x9c: {  	s22 =	simm.s32 $0x1BFF;
	s21 =	sshll.u32 s7, $0x1;
	s4 =	sadd.s32 s5, s19  }
0x9d: {  	s8 =	simm.s32 $0x0;
	s20 =	sshll.u32 s6, $0x1;
	s6 =	sadd.s32 s21, s4  }
0x9e: {  	[timem:s8], [sflag:s22] =	dma.local [hbm:s6], s20  }
0x9f: {  	_ =	swait.ge [sflag:s22], s20  }
0xa0: {  	s5 =	ssub.s32 $0x0, s20;
	[sflag:s22] =	ssyncset.done $0x0  }
0xa1: {  	[sflag:s22] =	ssyncadd.s32 s5;
	_ =	sdelay $0x1  }
0xa2: {  	s23 =	simm.s32 $0x1B8B  }
0xa3: {  	_ =	swait.ge [sflag:s23], $0x1  }
0xa4: {  	[sflag:s23] =	ssyncset.done $0x0  }
0xa5: {  	s25 =	simm.s32 $0x1B8E;
	s24 =	sld [smem:$0x3FFE];
	[sflag:s23] =	ssyncadd.s32 $0xFFFFFFFF  }
0xa6: {  	s26 =	simm.s32 $execute0_lowered;
	[smem:$0x3FD2] =	sst s25  }
0xa7: {  	s6 =	sshll.u32 s26, $0x1;
	_ =	strace $0x80000046;
	[dreg:$0x1] =	wrdreg $0xFFFFFFFF  }
0xa8: {  	s28 =	simm.s32 $_size_execute0_lowered;
	s4 =	sadd.s32 s4, s6;
	[dreg:$0x0] =	wrdreg $0x0  }
0xa9: {  	s6 =	sshll.u32 s28, $0x1;
	[dreg:$0x2] =	wrdreg s4  }
0xaa: {  	[dreg:$0x3] =	wrdreg s6  }
0xab: {  	[dreg:$0x4] =	wrdreg $0xC0  }
0xac: {  	_ =	task [dreg:s8], $0x5FFFF  }
0xad: {  	[dreg:$0x1] =	wrdreg $0xFFFFFFFF  }
0xae: {  	[dreg:$0x0] =	wrdreg $0x60  }
0xaf: {  	[dreg:$0x2] =	wrdreg s2  }
0xb0: {  	[dreg:$0x3] =	wrdreg s24  }
0xb1: {  	[dreg:$0x4] =	wrdreg s18  }
0xb2: {  	[dreg:$0x5] =	wrdreg $0x7C000  }
0xb3: {  	[dreg:$0x6] =	wrdreg $0x9  }
0xb4: {  	_ =	task.clear_ibuf [dreg:s8], $0x7FFFF;
	_ =	strace $0x90000046  }
0xb5: {  	s29 =	simm.s32 $0x9;
	_ =	strace $0x80000048  }
0xb6: {  	_ =	swait.ge [sflag:s29], $0x1  }
0xb7: {  	[sflag:s29] =	ssyncadd.s32 $0xFFFFFFFF  }
0xb8: {  	_ =	strace $0x90000048  }
0xb9: {  	_ =	sfence  }
0xba: {  	s30 =	sld [smem:$0x0];
	_ =	sdelay $0x2  }
0xbb: {  	s31 =	sshll.u32 s1, $0xD;
	s1 =	sshrl.u32 s1, $0x2  }
0xbc: {  	s3 =	sand.u32 $0x4000, s31;
	s1 =	sadd.s32 s1, s30  }
0xbd: {  	s0 =	sor.u32 s3, s0;
	s1 =	sshll.u32 s1, $0x11  }
0xbe: {  	s0 =	sor.u32 s1, s0  }
0xbf: {  	s0 =	sadd.s32 $0x8F2B, s0  }
0xc0: {  	[sflag:s0] =	ssyncadd.remote.s32 $0x1  }
0xc1: {  	_ =	sfence.sel $0xFFFF  }
0xc2: {  	[dreg:$0x0] =	wrdreg $0xFFFFFFFF;
	(pc) =	sbr.abs _section_cstart, $3  }
0xc3: {  	[dreg:$0x1] =	wrdreg $0xFFFFFFFF  }
0xc4: {  	_ =	task.clear_ibuf [dreg:s8], $0x2FFFF;
	_ =	strace $0x9FFFFFFF  }
0xc5: {  	(tm) =	ssettm $0x7FFFFFFF  }
tec
execute0_lowered:
.L_overlay_start_1:
0x0: {  	(tag) =	ssettag $0x1  }
0x1: {  	s1 =	rddreg [dreg:$0x0]  }
0x2: {  	s0 =	rddreg [dreg:$0x1]  }
0x3: {  	s2 =	rddreg [dreg:$0x2]  }
0x4: {  	s3 =	rddreg [dreg:$0x3];
	s5 =	srdreg.scid  }
0x5: {  	s15 =	stileid.u32;
	s4 =	simm.s32 $0x0;
	s7 =	sand.u32 $0x1, s5  }
0x6: {  	s6 =	smul.u32 $0x280, s15;
	[smem:$0x7FF] =	sst s4;
	s5 =	sadd.s32 $0xC200, s0  }
0x7: {  	s10 =	smul.u32 $0x50000, s15;
	s12 =	sadd.s32 $0x16000, s0;
	s9 =	sshll.u32 s7, $0x4  }
0x8: {  	s8 =	smul.u32 $0x2800, s7;
	_ =	strace $0x80000047;
	s9 =	sor.u32 s15, s9  }
0x9: {  	[dreg:$0x8] =	wrdreg s12;
	s17 =	ssub.s32 $0x2, s7;
	s11 =	smul.u32 $0x2710, s9  }
0xa: {  	s10 =	sshrl.u32 s10, $0x2;
	s8 =	sadd.s32 s6, s8;
	s9 =	smul.u32 $0x500, s9  }
0xb: {  	s6 =	sadd.s32 $0x2400, s0;
	s8 =	sshll.u32 s8, $0x4;
	s25 =	sadd.s32 $0x190, s11  }
0xc: {  	s0 =	sadd.s32 s8, s0;
	s2 =	sadd.s32 s2, s9;
	[dreg:$0x5] =	wrdreg s25  }
0xd: {  	s13 =	sshrl.u32 s11, $0x3;
	s8 =	sadd.s32 s10, s3;
	[dreg:$0x11] =	wrdreg s2  }
0xe: {  	s7 =	smul.u32 $0x27100, s7;
	s19 =	sadd.s32 s5, s13;
	[dreg:$0x1f] =	wrdreg s8  }
0xf: {  	s18 =	sshrl.u32 s17, $0x1;
	s20 =	sadd.s32 s6, s13;
	[dreg:$0x9] =	wrdreg s19  }
0x10: {  	s12 =	ssub.s32 s17, s18;
	s17 =	sadd.s32 $0x16600, s0;
	[dreg:$0xa] =	wrdreg s20  }
0x11: {  	s18 =	smul.u32 $0x2710, s15;
	s25 =	smax.u32 s12, $0x1;
	[dreg:$0x12] =	wrdreg s17  }
0x12: {  	s31 =	sadd.s32 $0x7800, s8;
	[dreg:$0x1a] =	wrdreg s25  }
0x13: {  	s2 =	sadd.s32 s18, s7;
	s7 =	sadd.s32 $0xA000, s8;
	[dreg:$0x1c] =	wrdreg s31  }
0x14: {  	s9 =	sadd.s32 $0xC800, s8;
	[dreg:$0x1d] =	wrdreg s7  }
0x15: {  	s29 =	sadd.s32 $0xF000, s8;
	[dreg:$0x1e] =	wrdreg s9  }
0x16: {  	s21 =	sadd.s32 $0xA, s13;
	s30 =	sadd.s32 $0x5000, s8;
	[smem:$0x7FA] =	sst s29  }
0x17: {  	s16 =	sadd.s32 s5, s21;
	[smem:$0x7FC] =	sst s30  }
0x18: {  	s14 =	sadd.s32 $0x14, s13;
	s10 =	sadd.s32 s6, s21;
	[dreg:$0xb] =	wrdreg s16  }
0x19: {  	s28 =	simm.s32 $0x6;
	s22 =	sadd.s32 s5, s14;
	[dreg:$0xc] =	wrdreg s10  }
0x1a: {  	s24 =	sadd.s32 $0x1E, s13;
	s23 =	sadd.s32 s6, s14;
	[dreg:$0xd] =	wrdreg s22  }
0x1b: {  	s15 =	simm.s32 $0x180;
	s26 =	sadd.s32 s5, s24;
	[dreg:$0xe] =	wrdreg s23  }
0x1c: {  	s12 =	simm.s32 $0x1;
	s19 =	sadd.s32 $0x16B00, s0;
	[dreg:$0xf] =	wrdreg s26  }
0x1d: {  	s13 =	simm.s32 $0x80;
	s20 =	sadd.s32 $0x17000, s0;
	[dreg:$0x13] =	wrdreg s19  }
0x1e: {  	s18 =	simm.s32 $0x300;
	s21 =	sadd.s32 $0x17500, s0;
	[dreg:$0x14] =	wrdreg s20  }
0x1f: {  	s14 =	simm.s32 $0x100;
	s16 =	sadd.s32 $0x1E0, s11;
	[dreg:$0x15] =	wrdreg s21  }
0x20: {  	s17 =	simm.s32 $0x280;
	s10 =	sadd.s32 s6, s24;
	[dreg:$0x6] =	wrdreg s16  }
0x21: {  	s25 =	simm.s32 $0x5;
	s11 =	sadd.s32 $0x230, s11;
	[dreg:$0x10] =	wrdreg s10  }
0x22: {  	s22 =	sadd.s32 $0x17A00, s0;
	s23 =	sadd.s32 $0x17F00, s0;
	[dreg:$0x7] =	wrdreg s11  }
0x23: {  	s24 =	sadd.s32 $0x18400, s0;
	s0 =	sadd.s32 $0x18900, s0;
	[dreg:$0x16] =	wrdreg s22  }
0x24: {  	s26 =	sadd.s32 $0x140, s2;
	s2 =	sadd.s32 $0x2800, s8;
	[dreg:$0x17] =	wrdreg s23  }
0x25: {  	s8 =	sadd.s32 $0x11800, s8;
	s19 =	simm.s32 $0x380;
	[dreg:$0x18] =	wrdreg s24  }
0x26: {  	s20 =	simm.s32 $0x3;
	s21 =	simm.s32 $0x50;
	[dreg:$0x19] =	wrdreg s0  }
0x27: {  	[dreg:$0x1b] =	wrdreg s26;
	s10 =	simm.s32 $0x400;
	s11 =	simm.s32 $0x7  }
0x28: {  	s16 =	simm.s32 $0x200;
	s22 =	simm.s32 $0x4;
	[smem:$0x7FB] =	sst s8  }
0x29: {  	s23 =	simm.s32 $0x2C00;
	s0 =	simm.s32 $0x0;
	[smem:$0x7FD] =	sst s2  }
0x2a: {  	v0 =	vimm.f32 $0.0e+00;
	v1 =	vimm.f32 $1.000000000e+00;
	s24 =	simm.s32 $0x5400;
	s26 =	simm.s32 $0x2;
	[smem:$0x7F9] =	sst s0  }
.LBB2_1:
0x2b: {  	s0 =	rddreg [dreg:$0x8]  }
0x2c: {  	[tilespmem:s10], [sflag:$0x7] =	stream.linear.gather [hbm4b:s0+s4], $0x2800, $0x38;
	[tilespmem:$0x1BC00] =	vst v63  }
0x2d: {  	_ =	swait.ge [sflag:s11], $0x2800  }
0x2e: {  	[sflag:s11] =	ssyncset.done $0x0  }
0x2f: {  	s0 =	rddreg [dreg:$0x1f];
	[sflag:s11] =	ssyncadd.s32 $0xFFFFD800  }
0x30: {  	[spmem:s0] =	stream.linear.scatter [tilespmem:s10], [sflag:$0x1], $0x2800, $0x38;
	[tilespmem:$0x1BC00] =	vst v63  }
0x31: {  	_ = 	snop  }
0x32: {  	[spmem:s2] =	stream.linear.scatter [tilespmem:s10], [sflag:$0x1], $0x2800, $0x38;
	[tilespmem:$0x1BC00] =	vst v63  }
0x33: {  	_ = 	snop  }
0x34: {  	[spmem:s30] =	stream.linear.scatter [tilespmem:s10], [sflag:$0x1], $0x2800, $0x38;
	[tilespmem:$0x1BC00] =	vst v63  }
0x35: {  	_ = 	snop  }
0x36: {  	[spmem:s31] =	stream.linear.scatter [tilespmem:s10], [sflag:$0x1], $0x2800, $0x38;
	[tilespmem:$0x1BC00] =	vst v63  }
0x37: {  	s0 =	smov.u32 s7  }
0x38: {  	[spmem:s0] =	stream.linear.scatter [tilespmem:s10], [sflag:$0x1], $0x2800, $0x38;
	[tilespmem:$0x1BC00] =	vst v63  }
0x39: {  	_ = 	snop  }
0x3a: {  	[spmem:s9] =	stream.linear.scatter [tilespmem:s10], [sflag:$0x1], $0x2800, $0x38;
	[tilespmem:$0x1BC00] =	vst v63  }
0x3b: {  	_ = 	snop  }
0x3c: {  	[spmem:s29] =	stream.linear.scatter [tilespmem:s10], [sflag:$0x1], $0x2800, $0x38;
	[tilespmem:$0x1BC00] =	vst v63  }
0x3d: {  	s7 =	smov.u32 s2;
	s30 =	simm.s32 $0x40;
	s31 =	simm.s32 $0x0  }
0x3e: {  	[spmem:s8] =	stream.linear.scatter [tilespmem:s10], [sflag:$0x1], $0x2800, $0x38;
	[tilespmem:$0x1BC00] =	vst v63  }
.LBB2_2:
0x3f: {  	p0 =	sne.s32 s30, $0x9FC0;
	[tilespmem:s31+$0x5400] =	vst v0;
	s31 =	smov.u32 s30;
	s30 =	sadd.s32 $0x40, s30  }
.Ltmp0:
0x40: {  	(pc) =	sbr.rel @p0 .LBB2_2-.Ltmp0, $2  }
0x41: {  	_ =	sdelay $0x2  }
0x42: {  	s31 =	sshra.s32 s31, $0x2  }
0x43: {  	[tilespmem:s31+$0x5400] =	vst v0  }
0x44: {  	_ =	swait.ge [sflag:s12], $0x2800  }
0x45: {  	[sflag:s12] =	ssyncset.done $0x0  }
0x46: {  	[sflag:s12] =	ssyncadd.s32 $0xFFFFD800  }
0x47: {  	_ =	swait.ge [sflag:s12], $0x2800  }
0x48: {  	[sflag:s12] =	ssyncset.done $0x0  }
0x49: {  	[sflag:s12] =	ssyncadd.s32 $0xFFFFD800  }
0x4a: {  	_ =	swait.ge [sflag:s12], $0x2800  }
0x4b: {  	[sflag:s12] =	ssyncset.done $0x0  }
0x4c: {  	[sflag:s12] =	ssyncadd.s32 $0xFFFFD800  }
0x4d: {  	_ =	swait.ge [sflag:s12], $0x2800  }
0x4e: {  	[sflag:s12] =	ssyncset.done $0x0  }
0x4f: {  	[sflag:s12] =	ssyncadd.s32 $0xFFFFD800  }
0x50: {  	_ =	swait.ge [sflag:s12], $0x2800  }
0x51: {  	[sflag:s12] =	ssyncset.done $0x0  }
0x52: {  	[sflag:s12] =	ssyncadd.s32 $0xFFFFD800  }
0x53: {  	_ =	swait.ge [sflag:s12], $0x2800  }
0x54: {  	[sflag:s12] =	ssyncset.done $0x0  }
0x55: {  	[sflag:s12] =	ssyncadd.s32 $0xFFFFD800  }
0x56: {  	_ =	swait.ge [sflag:s12], $0x2800  }
0x57: {  	[sflag:s12] =	ssyncset.done $0x0  }
0x58: {  	[sflag:s12] =	ssyncadd.s32 $0xFFFFD800  }
0x59: {  	_ =	swait.ge [sflag:s12], $0x2800  }
0x5a: {  	[sflag:s12] =	ssyncset.done $0x0  }
0x5b: {  	[sflag:s12] =	ssyncadd.s32 $0xFFFFD800  }
0x5c: {  	[bflag:$0x0] =	sbarrier.arrive $0xFFFF  }
0x5d: {  	s0 =	rddreg [dreg:$0x9]  }
0x5e: {  	s30 =	simm.s32 $0x0;
	s8 =	rddreg [dreg:$0xa]  }
0x5f: {  	[tilespmem:s30], [sflag:$0x3] =	stream.linear.gather [hbm4b:s0+s30], $0x50, $0x38;
	[tilespmem:$0x1BC00] =	vst v63  }
0x60: {  	s9 =	rddreg [dreg:$0xb]  }
0x61: {  	[tilespmem:s13], [sflag:$0x3] =	stream.linear.gather [hbm4b:s8+s30], $0x50, $0x38;
	[tilespmem:$0x1BC00] =	vst v63  }
0x62: {  	s29 =	rddreg [dreg:$0xc]  }
0x63: {  	[tilespmem:s14], [sflag:$0x4] =	stream.linear.gather [hbm4b:s9+s30], $0x50, $0x38;
	[tilespmem:$0x1BC00] =	vst v63  }
0x64: {  	s2 =	rddreg [dreg:$0xd]  }
0x65: {  	[tilespmem:s15], [sflag:$0x4] =	stream.linear.gather [hbm4b:s29+s30], $0x50, $0x38;
	[tilespmem:$0x1BC00] =	vst v63  }
0x66: {  	s31 =	rddreg [dreg:$0x1b]  }
0x67: {  	[tilespmem:s16], [sflag:$0x5] =	stream.linear.gather [hbm4b:s2+s30], $0x50, $0x38;
	[tilespmem:$0x1BC00] =	vst v63  }
0x68: {  	s8 =	rddreg [dreg:$0xe]  }
0x69: {  	[tilespmem:s17], [sflag:$0x5] =	stream.linear.gather [hbm4b:s8+s30], $0x50, $0x38;
	[tilespmem:$0x1BC00] =	vst v63  }
0x6a: {  	s9 =	rddreg [dreg:$0xf]  }
0x6b: {  	[tilespmem:s18], [sflag:$0x6] =	stream.linear.gather [hbm4b:s9+s30], $0x50, $0x38;
	[tilespmem:$0x1BC00] =	vst v63  }
0x6c: {  	s29 =	rddreg [dreg:$0x10]  }
0x6d: {  	[tilespmem:s19], [sflag:$0x6] =	stream.linear.gather [hbm4b:s29+s30], $0x50, $0x38;
	[tilespmem:$0x1BC00] =	vst v63  }
.LBB2_4:
0x6e: {  	_ =	swait.ge [sflag:s20], $0x50  }
0x6f: {  	[sflag:s20] =	ssyncset.done $0x0  }
0x70: {  	[sflag:s20] =	ssyncadd.s32 $0xFFFFFFB0  }
0x71: {  	_ =	swait.ge [sflag:s20], $0x50  }
0x72: {  	[sflag:s20] =	ssyncset.done $0x0  }
0x73: {  	[sflag:s20] =	ssyncadd.s32 $0xFFFFFFB0  }
0x74: {  	[tilespmem:s10], [sflag:$0x1] =	stream.indirect.gather [hbm4b:s1+s21], $0x80, s4, s21, $0xb8;
	[tilespmem:$0x1BC00] =	vst v63  }
0x75: {  	_ =	swait.ge [sflag:s22], $0x50  }
0x76: {  	[sflag:s22] =	ssyncset.done $0x0  }
0x77: {  	[sflag:s22] =	ssyncadd.s32 $0xFFFFFFB0  }
0x78: {  	_ =	swait.ge [sflag:s22], $0x50  }
0x79: {  	[sflag:s22] =	ssyncset.done $0x0  }
0x7a: {  	[sflag:s22] =	ssyncadd.s32 $0xFFFFFFB0  }
0x7b: {  	[tilespmem:s23], [sflag:$0x2] =	stream.indirect.gather [hbm4b:s1+s21], $0x80, s14, s21, $0xb8;
	[tilespmem:$0x1BC00] =	vst v63  }
0x7c: {  	_ =	swait.ge [sflag:s12], $0x2800  }
0x7d: {  	[sflag:s12] =	ssyncset.done $0x0  }
0x7e: {  	[sflag:s12] =	ssyncadd.s32 $0xFFFFD800  }
0x7f: {  	[spmem:s3] =	stream.indirect.scatter.add.f32 [tilespmem:s10], [sflag:$0x7], $0x80, s13, s21, $0xb8;
	[tilespmem:$0x1BC00] =	vst v63  }
0x80: {  	_ =	swait.ge [sflag:s11], $0x2800  }
0x81: {  	[sflag:s11] =	ssyncset.done $0x0  }
0x82: {  	[sflag:s11] =	ssyncadd.s32 $0xFFFFD800  }
0x83: {  	v2 =	vld [tilespmem:$0x80];
	_ =	sdelay $0x7  }
0x84: {  	[tilespmem:v2+s24+$0x0] =	vst.idx.add.f32.msk $0xffff, v1  }
0x85: {  	v2 =	vld [tilespmem:$0x90];
	_ =	sdelay $0x7  }
0x86: {  	[tilespmem:v2+s24+$0x0] =	vst.idx.add.f32.msk $0xffff, v1  }
0x87: {  	v2 =	vld [tilespmem:$0xA0];
	_ =	sdelay $0x7  }
0x88: {  	[tilespmem:v2+s24+$0x0] =	vst.idx.add.f32.msk $0xffff, v1  }
0x89: {  	v2 =	vld [tilespmem:$0xB0];
	_ =	sdelay $0x7  }
0x8a: {  	[tilespmem:v2+s24+$0x0] =	vst.idx.add.f32.msk $0xffff, v1  }
0x8b: {  	v2 =	vld [tilespmem:$0xC0];
	_ =	sdelay $0x6  }
0x8c: {  	s0 =	sshrl.u32 s31, $0x3  }
0x8d: {  	s2 =	sadd.s32 s5, s0;
	[tilespmem:v2+s24+$0x0] =	vst.idx.add.f32.msk $0xffff, v1  }
0x8e: {  	[tilespmem:s4], [sflag:$0x3] =	stream.linear.gather [hbm4b:s2+s4], $0x50, $0x38;
	[tilespmem:$0x1BC00] =	vst v63  }
0x8f: {  	s0 =	sadd.s32 s6, s0  }
0x90: {  	[tilespmem:s13], [sflag:$0x3] =	stream.linear.gather [hbm4b:s0+s4], $0x50, $0x38;
	[tilespmem:$0x1BC00] =	vst v63  }
0x91: {  	_ =	swait.ge [sflag:s25], $0x50  }
0x92: {  	[sflag:s25] =	ssyncset.done $0x0  }
0x93: {  	[sflag:s25] =	ssyncadd.s32 $0xFFFFFFB0  }
0x94: {  	_ =	swait.ge [sflag:s25], $0x50  }
0x95: {  	[sflag:s25] =	ssyncset.done $0x0  }
0x96: {  	[sflag:s25] =	ssyncadd.s32 $0xFFFFFFB0  }
0x97: {  	[tilespmem:s10], [sflag:$0x1] =	stream.indirect.gather [hbm4b:s1+s21], $0x80, s16, s21, $0xb8;
	[tilespmem:$0x1BC00] =	vst v63  }
0x98: {  	_ =	swait.ge [sflag:s26], $0x2800  }
0x99: {  	[sflag:s26] =	ssyncset.done $0x0  }
0x9a: {  	[sflag:s26] =	ssyncadd.s32 $0xFFFFD800  }
0x9b: {  	[spmem:s3] =	stream.indirect.scatter.add.f32 [tilespmem:s23], [sflag:$0x7], $0x80, s15, s21, $0xb8;
	[tilespmem:$0x1BC00] =	vst v63  }
0x9c: {  	_ =	swait.ge [sflag:s11], $0x2800  }
0x9d: {  	[sflag:s11] =	ssyncset.done $0x0  }
0x9e: {  	[sflag:s11] =	ssyncadd.s32 $0xFFFFD800  }
0x9f: {  	v2 =	vld [tilespmem:$0x180];
	_ =	sdelay $0x7  }
0xa0: {  	[tilespmem:v2+s24+$0x0] =	vst.idx.add.f32.msk $0xffff, v1  }
0xa1: {  	v2 =	vld [tilespmem:$0x190];
	_ =	sdelay $0x7  }
0xa2: {  	[tilespmem:v2+s24+$0x0] =	vst.idx.add.f32.msk $0xffff, v1  }
0xa3: {  	v2 =	vld [tilespmem:$0x1A0];
	_ =	sdelay $0x7  }
0xa4: {  	[tilespmem:v2+s24+$0x0] =	vst.idx.add.f32.msk $0xffff, v1  }
0xa5: {  	v2 =	vld [tilespmem:$0x1B0];
	_ =	sdelay $0x7  }
0xa6: {  	[tilespmem:v2+s24+$0x0] =	vst.idx.add.f32.msk $0xffff, v1  }
0xa7: {  	v2 =	vld [tilespmem:$0x1C0];
	_ =	sdelay $0x2  }
0xa8: {  	s8 =	smin.u32 s30, $0x77  }
0xa9: {  	s0 =	smul.u32 $0x50, s8  }
0xaa: {  	s9 =	rddreg [dreg:$0x5]  }
0xab: {  	s0 =	sadd.s32 s0, s9  }
0xac: {  	s0 =	sshrl.u32 s0, $0x3  }
0xad: {  	s29 =	sadd.s32 s5, s0;
	[tilespmem:v2+s24+$0x0] =	vst.idx.add.f32.msk $0xffff, v1  }
0xae: {  	[tilespmem:s14], [sflag:$0x4] =	stream.linear.gather [hbm4b:s29+s4], $0x50, $0x38;
	[tilespmem:$0x1BC00] =	vst v63  }
0xaf: {  	s0 =	sadd.s32 s6, s0  }
0xb0: {  	[tilespmem:s15], [sflag:$0x4] =	stream.linear.gather [hbm4b:s0+s4], $0x50, $0x38;
	[tilespmem:$0x1BC00] =	vst v63  }
0xb1: {  	_ =	swait.ge [sflag:s28], $0x50  }
0xb2: {  	[sflag:s28] =	ssyncset.done $0x0  }
0xb3: {  	[sflag:s28] =	ssyncadd.s32 $0xFFFFFFB0  }
0xb4: {  	_ =	swait.ge [sflag:s28], $0x50  }
0xb5: {  	[sflag:s28] =	ssyncset.done $0x0  }
0xb6: {  	[sflag:s28] =	ssyncadd.s32 $0xFFFFFFB0  }
0xb7: {  	[tilespmem:s23], [sflag:$0x2] =	stream.indirect.gather [hbm4b:s1+s21], $0x80, s18, s21, $0xb8;
	[tilespmem:$0x1BC00] =	vst v63  }
0xb8: {  	_ =	swait.ge [sflag:s12], $0x2800  }
0xb9: {  	[sflag:s12] =	ssyncset.done $0x0  }
0xba: {  	[sflag:s12] =	ssyncadd.s32 $0xFFFFD800  }
0xbb: {  	[spmem:s3] =	stream.indirect.scatter.add.f32 [tilespmem:s10], [sflag:$0x7], $0x80, s17, s21, $0xb8;
	[tilespmem:$0x1BC00] =	vst v63  }
0xbc: {  	_ =	swait.ge [sflag:s11], $0x2800  }
0xbd: {  	[sflag:s11] =	ssyncset.done $0x0  }
0xbe: {  	[sflag:s11] =	ssyncadd.s32 $0xFFFFD800  }
0xbf: {  	v2 =	vld [tilespmem:$0x280];
	_ =	sdelay $0x7  }
0xc0: {  	[tilespmem:v2+s24+$0x0] =	vst.idx.add.f32.msk $0xffff, v1  }
0xc1: {  	v2 =	vld [tilespmem:$0x290];
	_ =	sdelay $0x7  }
0xc2: {  	[tilespmem:v2+s24+$0x0] =	vst.idx.add.f32.msk $0xffff, v1  }
0xc3: {  	v2 =	vld [tilespmem:$0x2A0];
	_ =	sdelay $0x7  }
0xc4: {  	[tilespmem:v2+s24+$0x0] =	vst.idx.add.f32.msk $0xffff, v1  }
0xc5: {  	v2 =	vld [tilespmem:$0x2B0];
	_ =	sdelay $0x7  }
0xc6: {  	[tilespmem:v2+s24+$0x0] =	vst.idx.add.f32.msk $0xffff, v1  }
0xc7: {  	v2 =	vld [tilespmem:$0x2C0];
	_ =	sdelay $0x2  }
0xc8: {  	s8 =	smin.u32 s30, $0x76  }
0xc9: {  	s0 =	smul.u32 $0x50, s8  }
0xca: {  	s9 =	rddreg [dreg:$0x6]  }
0xcb: {  	s0 =	sadd.s32 s0, s9  }
0xcc: {  	s0 =	sshrl.u32 s0, $0x3  }
0xcd: {  	s29 =	sadd.s32 s5, s0;
	[tilespmem:v2+s24+$0x0] =	vst.idx.add.f32.msk $0xffff, v1  }
0xce: {  	[tilespmem:s16], [sflag:$0x5] =	stream.linear.gather [hbm4b:s29+s4], $0x50, $0x38;
	[tilespmem:$0x1BC00] =	vst v63  }
0xcf: {  	s0 =	sadd.s32 s6, s0  }
0xd0: {  	[tilespmem:s17], [sflag:$0x5] =	stream.linear.gather [hbm4b:s0+s4], $0x50, $0x38;
	[tilespmem:$0x1BC00] =	vst v63  }
0xd1: {  	_ =	swait.ge [sflag:s26], $0x2800  }
0xd2: {  	[sflag:s26] =	ssyncset.done $0x0  }
0xd3: {  	[sflag:s26] =	ssyncadd.s32 $0xFFFFD800  }
0xd4: {  	[spmem:s3] =	stream.indirect.scatter.add.f32 [tilespmem:s23], [sflag:$0x7], $0x80, s19, s21, $0xb8;
	[tilespmem:$0x1BC00] =	vst v63  }
0xd5: {  	_ =	swait.ge [sflag:s11], $0x2800  }
0xd6: {  	[sflag:s11] =	ssyncset.done $0x0  }
0xd7: {  	[sflag:s11] =	ssyncadd.s32 $0xFFFFD800  }
0xd8: {  	v2 =	vld [tilespmem:$0x380];
	_ =	sdelay $0x7  }
0xd9: {  	[tilespmem:v2+s24+$0x0] =	vst.idx.add.f32.msk $0xffff, v1  }
0xda: {  	v2 =	vld [tilespmem:$0x390];
	_ =	sdelay $0x7  }
0xdb: {  	[tilespmem:v2+s24+$0x0] =	vst.idx.add.f32.msk $0xffff, v1  }
0xdc: {  	v2 =	vld [tilespmem:$0x3A0];
	_ =	sdelay $0x7  }
0xdd: {  	[tilespmem:v2+s24+$0x0] =	vst.idx.add.f32.msk $0xffff, v1  }
0xde: {  	v2 =	vld [tilespmem:$0x3B0];
	_ =	sdelay $0x7  }
0xdf: {  	[tilespmem:v2+s24+$0x0] =	vst.idx.add.f32.msk $0xffff, v1  }
0xe0: {  	v2 =	vld [tilespmem:$0x3C0];
	_ =	sdelay $0x2  }
0xe1: {  	s8 =	smin.u32 s30, $0x75  }
0xe2: {  	s0 =	smul.u32 $0x50, s8  }
0xe3: {  	s9 =	rddreg [dreg:$0x7]  }
0xe4: {  	p0 =	sne.s32 s30, $0x78;
	s0 =	sadd.s32 s0, s9  }
.Ltmp1:
0xe5: {  	s0 =	sshrl.u32 s0, $0x3;
	(pc) =	sbr.rel @p0 .LBB2_4-.Ltmp1, $4  }
0xe6: {  	s29 =	sadd.s32 s5, s0;
	[tilespmem:v2+s24+$0x0] =	vst.idx.add.f32.msk $0xffff, v1  }
0xe7: {  	[tilespmem:s18], [sflag:$0x6] =	stream.linear.gather [hbm4b:s29+s4], $0x50, $0x38;
	[tilespmem:$0x1BC00] =	vst v63  }
0xe8: {  	s31 =	sadd.s32 $0x140, s31;
	s30 =	sadd.s32 $0x4, s30;
	s0 =	sadd.s32 s6, s0  }
0xe9: {  	[tilespmem:s19], [sflag:$0x6] =	stream.linear.gather [hbm4b:s0+s4], $0x50, $0x38;
	[tilespmem:$0x1BC00] =	vst v63  }
0xea: {  	_ =	swait.ge [sflag:s20], $0x50  }
0xeb: {  	[sflag:s20] =	ssyncset.done $0x0  }
0xec: {  	[sflag:s20] =	ssyncadd.s32 $0xFFFFFFB0  }
0xed: {  	_ =	swait.ge [sflag:s20], $0x50  }
0xee: {  	[sflag:s20] =	ssyncset.done $0x0  }
0xef: {  	[sflag:s20] =	ssyncadd.s32 $0xFFFFFFB0  }
0xf0: {  	[tilespmem:s10], [sflag:$0x1] =	stream.indirect.gather [hbm4b:s1+s21], $0x80, s4, s21, $0xb8;
	[tilespmem:$0x1BC00] =	vst v63  }
0xf1: {  	_ =	swait.ge [sflag:s12], $0x2800  }
0xf2: {  	[sflag:s12] =	ssyncset.done $0x0  }
0xf3: {  	[sflag:s12] =	ssyncadd.s32 $0xFFFFD800  }
0xf4: {  	[spmem:s3] =	stream.indirect.scatter.add.f32 [tilespmem:s10], [sflag:$0x7], $0x80, s13, s21, $0xb8;
	[tilespmem:$0x1BC00] =	vst v63  }
0xf5: {  	_ =	swait.ge [sflag:s11], $0x2800  }
0xf6: {  	[sflag:s11] =	ssyncset.done $0x0  }
0xf7: {  	[sflag:s11] =	ssyncadd.s32 $0xFFFFD800  }
0xf8: {  	v2 =	vld [tilespmem:$0x80];
	_ =	sdelay $0x7  }
0xf9: {  	[tilespmem:v2+s24+$0x0] =	vst.idx.add.f32.msk $0xffff, v1  }
0xfa: {  	v2 =	vld [tilespmem:$0x90];
	_ =	sdelay $0x7  }
0xfb: {  	[tilespmem:v2+s24+$0x0] =	vst.idx.add.f32.msk $0xffff, v1  }
0xfc: {  	v2 =	vld [tilespmem:$0xA0];
	_ =	sdelay $0x7  }
0xfd: {  	[tilespmem:v2+s24+$0x0] =	vst.idx.add.f32.msk $0xffff, v1  }
0xfe: {  	v2 =	vld [tilespmem:$0xB0];
	_ =	sdelay $0x7  }
0xff: {  	[tilespmem:v2+s24+$0x0] =	vst.idx.add.f32.msk $0xffff, v1  }
0x100: {  	v2 =	vld [tilespmem:$0xC0];
	_ =	sdelay $0x7  }
0x101: {  	[tilespmem:v2+s24+$0x0] =	vst.idx.add.f32.msk $0xffff, v1  }
0x102: {  	_ =	swait.ge [sflag:s22], $0x50  }
0x103: {  	[sflag:s22] =	ssyncset.done $0x0  }
0x104: {  	[sflag:s22] =	ssyncadd.s32 $0xFFFFFFB0  }
0x105: {  	_ =	swait.ge [sflag:s22], $0x50  }
0x106: {  	[sflag:s22] =	ssyncset.done $0x0  }
0x107: {  	[sflag:s22] =	ssyncadd.s32 $0xFFFFFFB0  }
0x108: {  	_ =	swait.ge [sflag:s25], $0x50  }
0x109: {  	[sflag:s25] =	ssyncset.done $0x0  }
0x10a: {  	[sflag:s25] =	ssyncadd.s32 $0xFFFFFFB0  }
0x10b: {  	_ =	swait.ge [sflag:s25], $0x50  }
0x10c: {  	[sflag:s25] =	ssyncset.done $0x0  }
0x10d: {  	[sflag:s25] =	ssyncadd.s32 $0xFFFFFFB0  }
0x10e: {  	_ =	swait.ge [sflag:s28], $0x50  }
0x10f: {  	[sflag:s28] =	ssyncset.done $0x0  }
0x110: {  	[sflag:s28] =	ssyncadd.s32 $0xFFFFFFB0  }
0x111: {  	_ =	swait.ge [sflag:s28], $0x50  }
0x112: {  	[sflag:s28] =	ssyncset.done $0x0  }
0x113: {  	[sflag:s28] =	ssyncadd.s32 $0xFFFFFFB0  }
0x114: {  	[bflag:$0x0] =	sbarrier.arrive $0xFFFF  }
0x115: {  	s0 =	rddreg [dreg:$0x11]  }
0x116: {  	[hbm4b:s0+s4] =	stream.linear.scatter [tilespmem:s24], [sflag:$0x3], $0x2800, $0x38;
	[tilespmem:$0x1BC00] =	vst v63  }
0x117: {  	s8 =	rddreg [dreg:$0x1f]  }
0x118: {  	[tilespmem:s10], [sflag:$0x7] =	stream.linear.gather [spmem:s8], $0x2800, $0x38;
	[tilespmem:$0x1BC00] =	vst v63  }
0x119: {  	_ =	swait.ge [sflag:s11], $0x2800  }
0x11a: {  	[sflag:s11] =	ssyncset.done $0x0  }
0x11b: {  	s9 =	rddreg [dreg:$0x12];
	[sflag:s11] =	ssyncadd.s32 $0xFFFFD800  }
0x11c: {  	[hbm4b:s9+s4] =	stream.linear.scatter [tilespmem:s10], [sflag:$0x1], $0x2800, $0x38;
	[tilespmem:$0x1BC00] =	vst v63  }
0x11d: {  	_ = 	snop  }
0x11e: {  	[tilespmem:s23], [sflag:$0x7] =	stream.linear.gather [spmem:s7], $0x2800, $0x38;
	[tilespmem:$0x1BC00] =	vst v63  }
0x11f: {  	_ =	swait.ge [sflag:s11], $0x2800  }
0x120: {  	[sflag:s11] =	ssyncset.done $0x0  }
0x121: {  	s2 =	rddreg [dreg:$0x13];
	[sflag:s11] =	ssyncadd.s32 $0xFFFFD800  }
0x122: {  	[hbm4b:s2+s4] =	stream.linear.scatter [tilespmem:s23], [sflag:$0x2], $0x2800, $0x38;
	[tilespmem:$0x1BC00] =	vst v63  }
0x123: {  	_ =	swait.ge [sflag:s12], $0x2800  }
0x124: {  	s30 =	sld [smem:$0x7FC]  }
0x125: {  	[sflag:s12] =	ssyncset.done $0x0  }
0x126: {  	[sflag:s12] =	ssyncadd.s32 $0xFFFFD800  }
0x127: {  	[tilespmem:s10], [sflag:$0x7] =	stream.linear.gather [spmem:s30], $0x2800, $0x38;
	[tilespmem:$0x1BC00] =	vst v63  }
0x128: {  	_ =	swait.ge [sflag:s11], $0x2800  }
0x129: {  	[sflag:s11] =	ssyncset.done $0x0  }
0x12a: {  	s7 =	rddreg [dreg:$0x14];
	[sflag:s11] =	ssyncadd.s32 $0xFFFFD800  }
0x12b: {  	[hbm4b:s7+s4] =	stream.linear.scatter [tilespmem:s10], [sflag:$0x1], $0x2800, $0x38;
	[tilespmem:$0x1BC00] =	vst v63  }
0x12c: {  	_ =	swait.ge [sflag:s26], $0x2800  }
0x12d: {  	[sflag:s26] =	ssyncset.done $0x0  }
0x12e: {  	s31 =	rddreg [dreg:$0x1c];
	[sflag:s26] =	ssyncadd.s32 $0xFFFFD800  }
0x12f: {  	[tilespmem:s23], [sflag:$0x7] =	stream.linear.gather [spmem:s31], $0x2800, $0x38;
	[tilespmem:$0x1BC00] =	vst v63  }
0x130: {  	_ =	swait.ge [sflag:s11], $0x2800  }
0x131: {  	[sflag:s11] =	ssyncset.done $0x0  }
0x132: {  	s8 =	rddreg [dreg:$0x15];
	[sflag:s11] =	ssyncadd.s32 $0xFFFFD800  }
0x133: {  	[hbm4b:s8+s4] =	stream.linear.scatter [tilespmem:s23], [sflag:$0x2], $0x2800, $0x38;
	[tilespmem:$0x1BC00] =	vst v63  }
0x134: {  	_ =	swait.ge [sflag:s12], $0x2800  }
0x135: {  	[sflag:s12] =	ssyncset.done $0x0  }
0x136: {  	s7 =	rddreg [dreg:$0x1d];
	[sflag:s12] =	ssyncadd.s32 $0xFFFFD800  }
0x137: {  	[tilespmem:s10], [sflag:$0x7] =	stream.linear.gather [spmem:s7], $0x2800, $0x38;
	[tilespmem:$0x1BC00] =	vst v63  }
0x138: {  	_ =	swait.ge [sflag:s11], $0x2800  }
0x139: {  	[sflag:s11] =	ssyncset.done $0x0  }
0x13a: {  	s9 =	rddreg [dreg:$0x16];
	[sflag:s11] =	ssyncadd.s32 $0xFFFFD800  }
0x13b: {  	[hbm4b:s9+s4] =	stream.linear.scatter [tilespmem:s10], [sflag:$0x1], $0x2800, $0x38;
	[tilespmem:$0x1BC00] =	vst v63  }
0x13c: {  	_ =	swait.ge [sflag:s26], $0x2800  }
0x13d: {  	[sflag:s26] =	ssyncset.done $0x0  }
0x13e: {  	s9 =	rddreg [dreg:$0x1e];
	[sflag:s26] =	ssyncadd.s32 $0xFFFFD800  }
0x13f: {  	[tilespmem:s23], [sflag:$0x7] =	stream.linear.gather [spmem:s9], $0x2800, $0x38;
	[tilespmem:$0x1BC00] =	vst v63  }
0x140: {  	_ =	swait.ge [sflag:s11], $0x2800  }
0x141: {  	[sflag:s11] =	ssyncset.done $0x0  }
0x142: {  	s2 =	rddreg [dreg:$0x17];
	[sflag:s11] =	ssyncadd.s32 $0xFFFFD800  }
0x143: {  	[hbm4b:s2+s4] =	stream.linear.scatter [tilespmem:s23], [sflag:$0x2], $0x2800, $0x38;
	[tilespmem:$0x1BC00] =	vst v63  }
0x144: {  	_ =	swait.ge [sflag:s12], $0x2800  }
0x145: {  	s29 =	sld [smem:$0x7FA]  }
0x146: {  	[sflag:s12] =	ssyncset.done $0x0  }
0x147: {  	[sflag:s12] =	ssyncadd.s32 $0xFFFFD800  }
0x148: {  	[tilespmem:s10], [sflag:$0x7] =	stream.linear.gather [spmem:s29], $0x2800, $0x38;
	[tilespmem:$0x1BC00] =	vst v63  }
0x149: {  	_ =	swait.ge [sflag:s11], $0x2800  }
0x14a: {  	[sflag:s11] =	ssyncset.done $0x0  }
0x14b: {  	s8 =	rddreg [dreg:$0x18];
	[sflag:s11] =	ssyncadd.s32 $0xFFFFD800  }
0x14c: {  	[hbm4b:s8+s4] =	stream.linear.scatter [tilespmem:s10], [sflag:$0x1], $0x2800, $0x38;
	[tilespmem:$0x1BC00] =	vst v63  }
0x14d: {  	_ =	swait.ge [sflag:s26], $0x2800  }
0x14e: {  	s8 =	sld [smem:$0x7FB]  }
0x14f: {  	[sflag:s26] =	ssyncset.done $0x0  }
0x150: {  	[sflag:s26] =	ssyncadd.s32 $0xFFFFD800  }
0x151: {  	[tilespmem:s23], [sflag:$0x7] =	stream.linear.gather [spmem:s8], $0x2800, $0x38;
	[tilespmem:$0x1BC00] =	vst v63  }
0x152: {  	_ =	swait.ge [sflag:s11], $0x2800  }
0x153: {  	[sflag:s11] =	ssyncset.done $0x0  }
0x154: {  	s2 =	rddreg [dreg:$0x19];
	[sflag:s11] =	ssyncadd.s32 $0xFFFFD800  }
0x155: {  	[hbm4b:s2+s4] =	stream.linear.scatter [tilespmem:s23], [sflag:$0x2], $0x2800, $0x38;
	[tilespmem:$0x1BC00] =	vst v63  }
0x156: {  	_ =	swait.ge [sflag:s12], $0x2800  }
0x157: {  	[sflag:s12] =	ssyncset.done $0x0  }
0x158: {  	[sflag:s12] =	ssyncadd.s32 $0xFFFFD800  }
0x159: {  	_ =	swait.ge [sflag:s26], $0x2800  }
0x15a: {  	[sflag:s26] =	ssyncset.done $0x0  }
0x15b: {  	[sflag:s26] =	ssyncadd.s32 $0xFFFFD800  }
0x15c: {  	_ =	swait.ge [sflag:s20], $0x2800  }
0x15d: {  	s2 =	sld [smem:$0x7F9];
	_ =	sdelay $0x2  }
0x15e: {  	s0 =	rddreg [dreg:$0x1a];
	s2 =	sadd.s32 $0x1, s2  }
0x15f: {  	p0 =	sne.s32 s2, s0  }
.Ltmp2:
0x160: {  	_ = 	snop;
	(pc) =	sbr.rel @p0 .LBB2_1-.Ltmp2, $3  }
0x161: {  	_ =	sdelay $0x1  }
0x162: {  	[sflag:s20] =	ssyncset.done $0x0;
	[smem:$0x7F9] =	sst s2  }
0x163: {  	[sflag:s20] =	ssyncadd.s32 $0xFFFFD800;
	s2 =	sld [smem:$0x7FD]  }
0x164: {  	_ =	sfence.sel $0x180000  }
0x165: {  	[bflag:$0x0] =	sbarrier.arrive $0xFFFF  }
0x166: {  	_ =	strace $0x90000047  }
0x167: {  	s0 =	stileid.u32;
	[bflag:$0x2] =	sbarrier.arrive $0xFFFF  }
0x168: {  	p0 =	sne.s32 s0, $0x0;
	s0 =	rddreg [dreg:$0x4]  }
0x169: {  	s0 =	sadd.s32 @!p0 $0x100000, s0  }
0x16a: {  	[sflag:s0] =	ssyncadd.tile.s32 @!p0 $0x1;
	_ =	shalt  }
.Lfunc_end2:
_tile_overlayer_lowered:
.L_overlay_start_2:
0x16b: {  	(tag) =	ssettag $0x2  }
0x16c: {  	s0 =	rddreg [dreg:$0x0];
	s2 =	stileid.u32  }
0x16d: {  	s1 =	rddreg [dreg:$0x1];
	p0 =	sne.s32 s2, $0x0  }
0x16e: {  	s3 =	rddreg [dreg:$0x2];
	[bflag:$0x3] =	sbarrier.arrive $0xFFFF;
	s2 =	simm.s32 @!p0 $0x1C07  }
0x16f: {  	[timem:s3], [sflag:s2] =	dma.local @!p0 [hbm:s0], s1  }
0x170: {  	s0 =	simm.s32 @!p0 $0x7  }
0x171: {  	_ =	swait.ge @!p0 [sflag:s0], s1  }
0x172: {  	s1 =	ssub.s32 @!p0 $0x0, s1;
	[sflag:s0] =	ssyncset.done @!p0 $0x0  }
0x173: {  	[sflag:s0] =	ssyncadd.s32 @!p0 s1  }
0x174: {  	[bflag:$0x3] =	sbarrier.arrive $0xFFFF  }
0x175: {  	_ =	shalt  }

// kernel: kernel.9.cloned.1.call-start
scs
__scs_entry_jumppad:
0x0: {  	(pc) =	sbr.rel $0x88, $3  }
0x1: {  	(tag) =	ssettag $0x0;
	lr =	simm.s32 $0x1  }
0x2: {  	[smem:$0x3F97] =	sst lr;
	_ =	strace $0xD0000000  }
0x3: {  	_ = 	snop  }
0x4: {  	_ = 	snop  }
0x5: {  	_ = 	snop  }
0x6: {  	_ = 	snop  }
0x7: {  	_ = 	snop  }
__scs_overlays_trampoline_lowered:
0x8: {  	[smem:$0x3FA6] =	sst s0  }
0x9: {  	[smem:$0x3FA7] =	sst s1  }
0xa: {  	[smem:$0x3FA8] =	sst s2  }
0xb: {  	[smem:$0x3FA9] =	sst s3  }
0xc: {  	[smem:$0x3FAA] =	sst s4  }
0xd: {  	[smem:$0x3FAB] =	sst s5  }
0xe: {  	[smem:$0x3FAC] =	sst s6  }
0xf: {  	[smem:$0x3FAD] =	sst s7  }
0x10: {  	[smem:$0x3FAE] =	sst s8  }
0x11: {  	[smem:$0x3FAF] =	sst s9;
	s0 =	simm.s32 @!p0 $0x0  }
0x12: {  	s1 =	sld [smem:$0x3F95];
	s0 =	simm.s32 @p0 $0x1  }
0x13: {  	[smem:$0x3FB0] =	sst s0;
	s0 =	simm.s32 @!p1 $0x0  }
0x14: {  	s2 =	sld [smem:$0x3F94];
	s0 =	simm.s32 @p1 $0x1  }
0x15: {  	[smem:$0x3FB1] =	sst s0;
	s0 =	simm.s32 @!p2 $0x0  }
0x16: {  	s3 =	sld [smem:$0x3FDB];
	s0 =	simm.s32 @p2 $0x1  }
0x17: {  	s4 =	simm.s32 $0x1BF5;
	[smem:$0x3FB3] =	sst s0  }
0x18: {  	s0 =	sld [smem:$0x3F96];
	_ =	swait.ge [sflag:s4], $0x0  }
0x19: {  	s7 =	sld [smem:$0x3F97]  }
0x1a: {  	s8 =	sadd.s32 $0xFFFFE003, lr  }
0x1b: {  	s9 =	sadd.s32 $0xFFFFFEF7, lr;
	s5 =	simm.s32 $0xFFFFFFFF;
	p2 =	slt.u32 s8, $0xFFFFF086  }
0x1c: {  	p1 =	slt.u32 s9, $0xF7A;
	s5 =	simm.s32 @!p2 $0x0  }
0x1d: {  	s5 =	simm.s32 @p1 $0x1;
	p0 =	seq.s32 s7, s2  }
0x1e: {  	s7 =	smul.u32 @!p0 $0xF7A, s2;
	p2 =	seq.s32 @!p0 s5, $0x0  }
0x1f: {  	s9 =	smul.u32 $0xF7A, s1;
	s8 =	simm.s32 @!p0 $0x1BF5;
	p2 =	por !p2, p0  }
0x20: {  	[sflag:s8] =	ssyncset.s32 @!p0 $0xFFFFF086;
	s6 =	sadd.s32 @!p0 s3, s7;
	s7 =	simm.s32 @!p0 $0x108  }
0x21: {  	s3 =	sadd.s32 s3, s9;
	s6 =	sadd.s32 @!p0 $0x88, s6;
	s7 =	simm.s32 @p2 $0x1082  }
0x22: {  	[simem:s7], [sflag:s8] =	dma.local @!p0 [hbm:s6], $0xF7A  }
0x23: {  	s9 =	sor.u32 $0xD0000000, s2;
	s6 =	simm.s32 $0x108;
	_ =	swait.ge @!p0 [sflag:s8], $0x0  }
0x24: {  	s3 =	sadd.s32 $0x88, s3;
	s6 =	simm.s32 @!p1 $0x1082;
	[sflag:s4] =	ssyncset.s32 $0xFFFFF086  }
0x25: {  	[simem:s6], [sflag:s4] =	dma.local [hbm:s3], $0xF7A  }
0x26: {  	[smem:$0x3F97] =	sst s1;
	(tag) =	ssettag s2;
	_ =	strace s9  }
0x27: {  	s1 =	sld [smem:$0x3FA7]  }
0x28: {  	s2 =	sld [smem:$0x3FA8]  }
0x29: {  	s4 =	sld [smem:$0x3FAA]  }
0x2a: {  	p0 =	seq.s32 s5, $0x0;
	s5 =	sld [smem:$0x3FAB]  }
0x2b: {  	s6 =	sld [smem:$0x3FAC]  }
0x2c: {  	s7 =	sld [smem:$0x3FAD]  }
0x2d: {  	s3 =	simm.s32 $0x108;
	s8 =	sld [smem:$0x3FAE]  }
0x2e: {  	s3 =	simm.s32 @!p0 $0x1082;
	s9 =	sld [smem:$0x3FAF]  }
0x2f: {  	lr =	sadd.s32 s0, s3;
	s0 =	sld [smem:$0x3FA6]  }
0x30: {  	s3 =	sld [smem:$0x3FA9]  }
0x31: {  	[smem:$0x3FB2] =	sst s10  }
0x32: {  	s10 =	sld [smem:$0x3FB0];
	_ =	sdelay $0x3  }
0x33: {  	p0 =	seq.s32 s10, $0x1;
	s10 =	sld [smem:$0x3FB2];
	_ =	sdelay $0x3  }
0x34: {  	[smem:$0x3FB2] =	sst s10  }
0x35: {  	s10 =	sld [smem:$0x3FB1];
	_ =	sdelay $0x3  }
0x36: {  	p1 =	seq.s32 s10, $0x1;
	s10 =	sld [smem:$0x3FB2];
	_ =	sdelay $0x3  }
0x37: {  	[smem:$0x3FB2] =	sst s10  }
0x38: {  	s10 =	sld [smem:$0x3FB3]  }
0x39: {  	_ = 	snop;
	(pc) =	sbr.ind lr, $3  }
0x3a: {  	_ = 	snop  }
0x3b: {  	_ = 	snop  }
0x3c: {  	p2 =	seq.s32 s10, $0x1;
	s10 =	sld [smem:$0x3FB2]  }
0x3d: {  	_ =	shalt  }
0x3e: {  	_ =	shalt  }
0x3f: {  	_ =	shalt  }
0x40: {  	_ =	shalt  }
0x41: {  	_ =	shalt  }
0x42: {  	_ =	shalt  }
0x43: {  	_ =	shalt  }
0x44: {  	_ =	shalt  }
0x45: {  	_ =	shalt  }
0x46: {  	_ =	shalt  }
0x47: {  	_ =	shalt  }
0x48: {  	_ =	shalt  }
0x49: {  	_ =	shalt  }
0x4a: {  	_ =	shalt  }
0x4b: {  	_ =	shalt  }
0x4c: {  	_ =	shalt  }
0x4d: {  	_ =	shalt  }
0x4e: {  	_ =	shalt  }
0x4f: {  	_ =	shalt  }
0x50: {  	_ =	shalt  }
0x51: {  	_ =	shalt  }
0x52: {  	_ =	shalt  }
0x53: {  	_ =	shalt  }
0x54: {  	_ =	shalt  }
0x55: {  	_ =	shalt  }
0x56: {  	_ =	shalt  }
0x57: {  	_ =	shalt  }
0x58: {  	_ =	shalt  }
0x59: {  	_ =	shalt  }
0x5a: {  	_ =	shalt  }
0x5b: {  	_ =	shalt  }
0x5c: {  	_ =	shalt  }
0x5d: {  	_ =	shalt  }
0x5e: {  	_ =	shalt  }
0x5f: {  	_ =	shalt  }
0x60: {  	_ =	shalt  }
0x61: {  	_ =	shalt  }
0x62: {  	_ =	shalt  }
0x63: {  	_ =	shalt  }
0x64: {  	_ =	shalt  }
0x65: {  	_ =	shalt  }
0x66: {  	_ =	shalt  }
0x67: {  	_ =	shalt  }
0x68: {  	_ =	shalt  }
0x69: {  	_ =	shalt  }
0x6a: {  	_ =	shalt  }
0x6b: {  	_ =	shalt  }
0x6c: {  	_ =	shalt  }
0x6d: {  	_ =	shalt  }
0x6e: {  	_ =	shalt  }
0x6f: {  	_ =	shalt  }
0x70: {  	_ =	shalt  }
0x71: {  	_ =	shalt  }
0x72: {  	_ =	shalt  }
0x73: {  	_ =	shalt  }
0x74: {  	_ =	shalt  }
0x75: {  	_ =	shalt  }
0x76: {  	_ =	shalt  }
0x77: {  	_ =	shalt  }
0x78: {  	_ =	shalt  }
0x79: {  	_ =	shalt  }
0x7a: {  	_ =	shalt  }
0x7b: {  	_ =	shalt  }
0x7c: {  	_ =	shalt  }
0x7d: {  	_ =	shalt  }
0x7e: {  	_ =	shalt  }
0x7f: {  	_ =	shalt  }
0x80: {  	_ =	shalt  }
0x81: {  	_ =	shalt  }
0x82: {  	_ =	shalt  }
0x83: {  	_ =	shalt  }
0x84: {  	_ =	shalt  }
0x85: {  	_ =	shalt  }
0x86: {  	_ =	shalt  }
0x87: {  	_ =	shalt  }
.Lfunc_end0:
.L_simem_size_0:
called_computation.1_lowered:
.L_overlay_start_0:
0x88: {  	s2 =	sld [smem:$0x3FD9]  }
0x89: {  	s3 =	sld [smem:$0x3FFE];
	_ =	sdelay $0x1  }
0x8a: {  	s1 =	srdreg.scid  }
0x8b: {  	s0 =	sand.u32 $0x1, s1  }
0x8c: {  	s17 =	sshll.u32 s0, $0xA;
	s2 =	sadd.s32 s3, s2  }
0x8d: {  	s2 =	sadd.s32 s2, s17  }
0x8e: {  	[smem:$0x3FBE] =	sst s2  }
0x8f: {  	_ = 	snop  }
0x90: {  	s2 =	sld [smem:$0x3FD0];
	(tm) =	ssettm $0x1  }
0x91: {  	s18 =	sld [smem:$0x3FFB];
	_ =	sdelay $0x3  }
0x92: {  	_ =	strace s18  }
0x93: {  	s3 =	sld [smem:$0x3FFC];
	_ =	sdelay $0x3  }
0x94: {  	_ =	strace s3  }
0x95: {  	s3 =	sld [smem:$0x3FFD];
	_ =	sdelay $0x3  }
0x96: {  	_ =	strace s3  }
0x97: {  	_ =	strace $0x8FFFFFFF  }
0x98: {  	s19 =	sld [smem:$0x3FDB];
	_ =	sdelay $0x1  }
0x99: {  	s4 =	simm.s32 $_scs_section_size  }
0x9a: {  	s5 =	simm.s32 $_size__tile_overlayer_lowered;
	s6 =	simm.s32 $_tile_overlayer_lowered  }
0x9b: {  	s22 =	simm.s32 $0x1BFF;
	s21 =	sshll.u32 s6, $0x1;
	s3 =	sadd.s32 s4, s19  }
0x9c: {  	s7 =	simm.s32 $0x0;
	s20 =	sshll.u32 s5, $0x1;
	s5 =	sadd.s32 s21, s3  }
0x9d: {  	[timem:s7], [sflag:s22] =	dma.local [hbm:s5], s20  }
0x9e: {  	_ =	swait.ge [sflag:s22], s20  }
0x9f: {  	s4 =	ssub.s32 $0x0, s20;
	[sflag:s22] =	ssyncset.done $0x0  }
0xa0: {  	[sflag:s22] =	ssyncadd.s32 s4;
	_ =	sdelay $0x1  }
0xa1: {  	s23 =	simm.s32 $0x1B8B  }
0xa2: {  	_ =	swait.ge [sflag:s23], $0x1  }
0xa3: {  	[sflag:s23] =	ssyncset.done $0x0  }
0xa4: {  	s25 =	simm.s32 $0x1B8E;
	s24 =	sld [smem:$0x3FFE];
	[sflag:s23] =	ssyncadd.s32 $0xFFFFFFFF  }
0xa5: {  	s26 =	simm.s32 $execute0_lowered;
	[smem:$0x3FD2] =	sst s25  }
0xa6: {  	s5 =	sshll.u32 s26, $0x1;
	_ =	strace $0x80000049;
	[dreg:$0x1] =	wrdreg $0xFFFFFFFF  }
0xa7: {  	s28 =	simm.s32 $_size_execute0_lowered;
	s3 =	sadd.s32 s3, s5;
	[dreg:$0x0] =	wrdreg $0x0  }
0xa8: {  	s5 =	sshll.u32 s28, $0x1;
	[dreg:$0x2] =	wrdreg s3  }
0xa9: {  	[dreg:$0x3] =	wrdreg s5  }
0xaa: {  	[dreg:$0x4] =	wrdreg $0xC0  }
0xab: {  	_ =	task [dreg:s7], $0x5FFFF  }
0xac: {  	[dreg:$0x1] =	wrdreg $0xFFFFFFFF  }
0xad: {  	[dreg:$0x0] =	wrdreg $0x60  }
0xae: {  	[dreg:$0x2] =	wrdreg s2  }
0xaf: {  	[dreg:$0x3] =	wrdreg s24  }
0xb0: {  	[dreg:$0x4] =	wrdreg $0x54000  }
0xb1: {  	[dreg:$0x5] =	wrdreg $0x9  }
0xb2: {  	_ =	task.clear_ibuf [dreg:s7], $0x6FFFF;
	_ =	strace $0x90000049  }
0xb3: {  	s29 =	simm.s32 $0x9;
	_ =	strace $0x8000004B  }
0xb4: {  	_ =	swait.ge [sflag:s29], $0x1  }
0xb5: {  	[sflag:s29] =	ssyncadd.s32 $0xFFFFFFFF  }
0xb6: {  	_ =	strace $0x9000004B  }
0xb7: {  	_ =	sfence  }
0xb8: {  	s30 =	sld [smem:$0x0];
	_ =	sdelay $0x2  }
0xb9: {  	s31 =	sshll.u32 s1, $0xD;
	s1 =	sshrl.u32 s1, $0x2  }
0xba: {  	s3 =	sand.u32 $0x4000, s31;
	s1 =	sadd.s32 s1, s30  }
0xbb: {  	s0 =	sor.u32 s3, s0;
	s1 =	sshll.u32 s1, $0x11  }
0xbc: {  	s0 =	sor.u32 s1, s0  }
0xbd: {  	s0 =	sadd.s32 $0x8F2B, s0  }
0xbe: {  	[sflag:s0] =	ssyncadd.remote.s32 $0x1  }
0xbf: {  	_ =	sfence.sel $0xFFFF  }
0xc0: {  	[dreg:$0x0] =	wrdreg $0xFFFFFFFF;
	(pc) =	sbr.abs _section_cstart, $3  }
0xc1: {  	[dreg:$0x1] =	wrdreg $0xFFFFFFFF  }
0xc2: {  	_ =	task.clear_ibuf [dreg:s7], $0x2FFFF;
	_ =	strace $0x9FFFFFFF  }
0xc3: {  	(tm) =	ssettm $0x7FFFFFFF  }
tec
execute0_lowered:
.L_overlay_start_1:
0x0: {  	(tag) =	ssettag $0x1  }
0x1: {  	s1 =	rddreg [dreg:$0x0]  }
0x2: {  	s0 =	rddreg [dreg:$0x1]  }
0x3: {  	s3 =	rddreg [dreg:$0x2];
	s13 =	stileid.u32  }
0x4: {  	s2 =	srdreg.scid;
	s6 =	smul.u32 $0x280, s13  }
0x5: {  	s4 =	simm.s32 $0x0;
	s2 =	sand.u32 $0x1, s2;
	s9 =	smul.u32 $0x50000, s13  }
0x6: {  	[smem:$0x7FF] =	sst s4;
	s5 =	sadd.s32 $0xC200, s0;
	s17 =	smul.u32 $0x2710, s13  }
0x7: {  	s19 =	sadd.s32 $0x16000, s0;
	s7 =	smul.u32 $0x2800, s2;
	_ =	strace $0x8000004A  }
0x8: {  	s8 =	sshll.u32 s2, $0x4;
	[dreg:$0x7] =	wrdreg s19;
	s20 =	ssub.s32 $0x2, s2  }
0x9: {  	s2 =	smul.u32 $0x27100, s2;
	s8 =	sor.u32 s13, s8;
	s9 =	sshrl.u32 s9, $0x2  }
0xa: {  	s7 =	sadd.s32 s6, s7;
	s10 =	smul.u32 $0x2710, s8;
	s31 =	sadd.s32 s9, s3  }
0xb: {  	s6 =	sadd.s32 $0x2400, s0;
	s30 =	sadd.s32 $0x7800, s31;
	[dreg:$0x1e] =	wrdreg s31  }
0xc: {  	s11 =	sshrl.u32 s10, $0x3;
	s16 =	sadd.s32 $0x1E0, s10;
	[dreg:$0x1a] =	wrdreg s30  }
0xd: {  	s7 =	sshll.u32 s7, $0x4;
	s22 =	sadd.s32 s5, s11;
	[dreg:$0x5] =	wrdreg s16  }
0xe: {  	s0 =	sadd.s32 s7, s0;
	s23 =	sadd.s32 s6, s11;
	[dreg:$0x8] =	wrdreg s22  }
0xf: {  	s21 =	sshrl.u32 s20, $0x1;
	s18 =	sadd.s32 $0x16600, s0;
	[dreg:$0x9] =	wrdreg s23  }
0x10: {  	s13 =	simm.s32 $0x100;
	s19 =	sadd.s32 $0x16B00, s0;
	[dreg:$0x10] =	wrdreg s18  }
0x11: {  	s7 =	ssub.s32 s20, s21;
	s20 =	sadd.s32 $0x17000, s0;
	[dreg:$0x11] =	wrdreg s19  }
0x12: {  	s24 =	sadd.s32 $0xA, s11;
	s21 =	sadd.s32 $0x17500, s0;
	[dreg:$0x12] =	wrdreg s20  }
0x13: {  	s2 =	sadd.s32 s17, s2;
	s14 =	sadd.s32 s5, s24;
	[dreg:$0x13] =	wrdreg s21  }
0x14: {  	s12 =	sadd.s32 $0x14, s11;
	s9 =	sadd.s32 s6, s24;
	[dreg:$0xa] =	wrdreg s14  }
0x15: {  	s17 =	simm.s32 $0x300;
	s25 =	sadd.s32 s5, s12;
	[dreg:$0xb] =	wrdreg s9  }
0x16: {  	s8 =	sadd.s32 $0x1E, s11;
	s26 =	sadd.s32 s6, s12;
	[dreg:$0xc] =	wrdreg s25  }
0x17: {  	s28 =	sadd.s32 $0x2800, s31;
	s15 =	sadd.s32 s5, s8;
	[dreg:$0xd] =	wrdreg s26  }
0x18: {  	s29 =	sadd.s32 $0x5000, s31;
	s22 =	sadd.s32 $0x17A00, s0;
	[dreg:$0xe] =	wrdreg s15  }
0x19: {  	s11 =	simm.s32 $0x1;
	s23 =	sadd.s32 $0x17F00, s0;
	[dreg:$0x14] =	wrdreg s22  }
0x1a: {  	s16 =	simm.s32 $0x280;
	s24 =	sadd.s32 $0x18400, s0;
	[dreg:$0x15] =	wrdreg s23  }
0x1b: {  	s0 =	sadd.s32 $0x18900, s0;
	s12 =	simm.s32 $0x80;
	[dreg:$0x16] =	wrdreg s24  }
0x1c: {  	s18 =	simm.s32 $0x380;
	s14 =	sadd.s32 $0x190, s10;
	[dreg:$0x17] =	wrdreg s0  }
0x1d: {  	s19 =	simm.s32 $0x3;
	s9 =	sadd.s32 s6, s8;
	[dreg:$0x4] =	wrdreg s14  }
0x1e: {  	s20 =	simm.s32 $0x50;
	s10 =	sadd.s32 $0x230, s10;
	[dreg:$0xf] =	wrdreg s9  }
0x1f: {  	s21 =	simm.s32 $0x4;
	s25 =	smax.u32 s7, $0x1;
	[dreg:$0x6] =	wrdreg s10  }
0x20: {  	s26 =	sadd.s32 $0x140, s2;
	s2 =	sadd.s32 $0xA000, s31;
	[dreg:$0x18] =	wrdreg s25  }
0x21: {  	s7 =	sadd.s32 $0xC800, s31;
	s0 =	simm.s32 $0x0;
	[dreg:$0x19] =	wrdreg s26  }
0x22: {  	s8 =	sadd.s32 $0xF000, s31;
	s15 =	simm.s32 $0x200;
	[smem:$0x7FD] =	sst s0  }
0x23: {  	s22 =	simm.s32 $0x2C00;
	s23 =	simm.s32 $0x5;
	[dreg:$0x1b] =	wrdreg s2  }
0x24: {  	s24 =	simm.s32 $0x2;
	s26 =	sadd.s32 $0x11800, s31;
	[dreg:$0x1c] =	wrdreg s7  }
0x25: {  	s9 =	simm.s32 $0x400;
	s10 =	simm.s32 $0x7;
	[dreg:$0x1d] =	wrdreg s8  }
0x26: {  	s14 =	simm.s32 $0x180;
	s25 =	simm.s32 $0x6;
	[dreg:$0x1f] =	wrdreg s26  }
.LBB2_1:
0x27: {  	s0 =	rddreg [dreg:$0x7]  }
0x28: {  	[tilespmem:s9], [sflag:$0x7] =	stream.linear.gather [hbm4b:s0+s4], $0x2800, $0x38;
	[tilespmem:$0x19400] =	vst v63  }
0x29: {  	_ =	swait.ge [sflag:s10], $0x2800  }
0x2a: {  	[sflag:s10] =	ssyncset.done $0x0  }
0x2b: {  	[sflag:s10] =	ssyncadd.s32 $0xFFFFD800  }
0x2c: {  	[spmem:s31] =	stream.linear.scatter [tilespmem:s9], [sflag:$0x1], $0x2800, $0x38;
	[tilespmem:$0x19400] =	vst v63  }
0x2d: {  	_ = 	snop  }
0x2e: {  	[spmem:s28] =	stream.linear.scatter [tilespmem:s9], [sflag:$0x1], $0x2800, $0x38;
	[tilespmem:$0x19400] =	vst v63  }
0x2f: {  	_ = 	snop  }
0x30: {  	[spmem:s29] =	stream.linear.scatter [tilespmem:s9], [sflag:$0x1], $0x2800, $0x38;
	[tilespmem:$0x19400] =	vst v63  }
0x31: {  	_ = 	snop  }
0x32: {  	[spmem:s30] =	stream.linear.scatter [tilespmem:s9], [sflag:$0x1], $0x2800, $0x38;
	[tilespmem:$0x19400] =	vst v63  }
0x33: {  	s31 =	smov.u32 s2  }
0x34: {  	[spmem:s31] =	stream.linear.scatter [tilespmem:s9], [sflag:$0x1], $0x2800, $0x38;
	[tilespmem:$0x19400] =	vst v63  }
0x35: {  	s2 =	smov.u32 s28;
	s28 =	smov.u32 s7  }
0x36: {  	[spmem:s28] =	stream.linear.scatter [tilespmem:s9], [sflag:$0x1], $0x2800, $0x38;
	[tilespmem:$0x19400] =	vst v63  }
0x37: {  	_ = 	snop  }
0x38: {  	[spmem:s8] =	stream.linear.scatter [tilespmem:s9], [sflag:$0x1], $0x2800, $0x38;
	[tilespmem:$0x19400] =	vst v63  }
0x39: {  	_ = 	snop  }
0x3a: {  	[spmem:s26] =	stream.linear.scatter [tilespmem:s9], [sflag:$0x1], $0x2800, $0x38;
	[tilespmem:$0x19400] =	vst v63  }
0x3b: {  	_ =	swait.ge [sflag:s11], $0x2800  }
0x3c: {  	[sflag:s11] =	ssyncset.done $0x0  }
0x3d: {  	[sflag:s11] =	ssyncadd.s32 $0xFFFFD800  }
0x3e: {  	_ =	swait.ge [sflag:s11], $0x2800  }
0x3f: {  	[sflag:s11] =	ssyncset.done $0x0  }
0x40: {  	[sflag:s11] =	ssyncadd.s32 $0xFFFFD800  }
0x41: {  	_ =	swait.ge [sflag:s11], $0x2800  }
0x42: {  	[sflag:s11] =	ssyncset.done $0x0  }
0x43: {  	[sflag:s11] =	ssyncadd.s32 $0xFFFFD800  }
0x44: {  	_ =	swait.ge [sflag:s11], $0x2800  }
0x45: {  	[sflag:s11] =	ssyncset.done $0x0  }
0x46: {  	[sflag:s11] =	ssyncadd.s32 $0xFFFFD800  }
0x47: {  	_ =	swait.ge [sflag:s11], $0x2800  }
0x48: {  	[sflag:s11] =	ssyncset.done $0x0  }
0x49: {  	[sflag:s11] =	ssyncadd.s32 $0xFFFFD800  }
0x4a: {  	_ =	swait.ge [sflag:s11], $0x2800  }
0x4b: {  	[sflag:s11] =	ssyncset.done $0x0  }
0x4c: {  	[sflag:s11] =	ssyncadd.s32 $0xFFFFD800  }
0x4d: {  	_ =	swait.ge [sflag:s11], $0x2800  }
0x4e: {  	[sflag:s11] =	ssyncset.done $0x0  }
0x4f: {  	[sflag:s11] =	ssyncadd.s32 $0xFFFFD800  }
0x50: {  	_ =	swait.ge [sflag:s11], $0x2800  }
0x51: {  	[sflag:s11] =	ssyncset.done $0x0  }
0x52: {  	[sflag:s11] =	ssyncadd.s32 $0xFFFFD800  }
0x53: {  	[bflag:$0x0] =	sbarrier.arrive $0xFFFF  }
0x54: {  	s8 =	rddreg [dreg:$0x8]  }
0x55: {  	[tilespmem:s4], [sflag:$0x3] =	stream.linear.gather [hbm4b:s8+s4], $0x50, $0x38;
	[tilespmem:$0x19400] =	vst v63  }
0x56: {  	s26 =	rddreg [dreg:$0x9]  }
0x57: {  	[tilespmem:s12], [sflag:$0x3] =	stream.linear.gather [hbm4b:s26+s4], $0x50, $0x38;
	[tilespmem:$0x19400] =	vst v63  }
0x58: {  	s31 =	rddreg [dreg:$0xa]  }
0x59: {  	[tilespmem:s13], [sflag:$0x4] =	stream.linear.gather [hbm4b:s31+s4], $0x50, $0x38;
	[tilespmem:$0x19400] =	vst v63  }
0x5a: {  	s8 =	rddreg [dreg:$0xb]  }
0x5b: {  	[tilespmem:s14], [sflag:$0x4] =	stream.linear.gather [hbm4b:s8+s4], $0x50, $0x38;
	[tilespmem:$0x19400] =	vst v63  }
0x5c: {  	s26 =	rddreg [dreg:$0xc]  }
0x5d: {  	[tilespmem:s15], [sflag:$0x5] =	stream.linear.gather [hbm4b:s26+s4], $0x50, $0x38;
	[tilespmem:$0x19400] =	vst v63  }
0x5e: {  	s31 =	rddreg [dreg:$0xd]  }
0x5f: {  	[tilespmem:s16], [sflag:$0x5] =	stream.linear.gather [hbm4b:s31+s4], $0x50, $0x38;
	[tilespmem:$0x19400] =	vst v63  }
0x60: {  	s8 =	rddreg [dreg:$0xe]  }
0x61: {  	[tilespmem:s17], [sflag:$0x6] =	stream.linear.gather [hbm4b:s8+s4], $0x50, $0x38;
	[tilespmem:$0x19400] =	vst v63  }
0x62: {  	s26 =	rddreg [dreg:$0xf]  }
0x63: {  	[tilespmem:s18], [sflag:$0x6] =	stream.linear.gather [hbm4b:s26+s4], $0x50, $0x38;
	[tilespmem:$0x19400] =	vst v63  }
0x64: {  	_ =	swait.ge [sflag:s19], $0x50  }
0x65: {  	[sflag:s19] =	ssyncset.done $0x0  }
0x66: {  	[sflag:s19] =	ssyncadd.s32 $0xFFFFFFB0  }
0x67: {  	_ =	swait.ge [sflag:s19], $0x50  }
0x68: {  	[sflag:s19] =	ssyncset.done $0x0  }
0x69: {  	[sflag:s19] =	ssyncadd.s32 $0xFFFFFFB0  }
0x6a: {  	[tilespmem:s9], [sflag:$0x1] =	stream.indirect.gather [hbm4b:s1+s20], $0x80, s4, s20, $0xb8;
	[tilespmem:$0x19400] =	vst v63  }
0x6b: {  	_ =	swait.ge [sflag:s21], $0x50  }
0x6c: {  	[sflag:s21] =	ssyncset.done $0x0  }
0x6d: {  	[sflag:s21] =	ssyncadd.s32 $0xFFFFFFB0  }
0x6e: {  	_ =	swait.ge [sflag:s21], $0x50  }
0x6f: {  	[sflag:s21] =	ssyncset.done $0x0  }
0x70: {  	[sflag:s21] =	ssyncadd.s32 $0xFFFFFFB0  }
0x71: {  	[tilespmem:s22], [sflag:$0x2] =	stream.indirect.gather [hbm4b:s1+s20], $0x80, s13, s20, $0xb8;
	[tilespmem:$0x19400] =	vst v63  }
0x72: {  	_ =	swait.ge [sflag:s11], $0x2800  }
0x73: {  	[sflag:s11] =	ssyncset.done $0x0  }
0x74: {  	[sflag:s11] =	ssyncadd.s32 $0xFFFFD800  }
0x75: {  	[spmem:s3] =	stream.indirect.scatter.add.f32 [tilespmem:s9], [sflag:$0x7], $0x80, s12, s20, $0xb8;
	[tilespmem:$0x19400] =	vst v63  }
0x76: {  	_ =	swait.ge [sflag:s10], $0x2800  }
0x77: {  	s31 =	rddreg [dreg:$0x19]  }
0x78: {  	[sflag:s10] =	ssyncset.done $0x0;
	s28 =	sshrl.u32 s31, $0x3  }
0x79: {  	s7 =	smov.u32 s29;
	[sflag:s10] =	ssyncadd.s32 $0xFFFFD800;
	s29 =	sadd.s32 s5, s28  }
0x7a: {  	[tilespmem:s4], [sflag:$0x3] =	stream.linear.gather [hbm4b:s29+s4], $0x50, $0x38;
	[tilespmem:$0x19400] =	vst v63  }
0x7b: {  	s28 =	sadd.s32 s6, s28  }
0x7c: {  	[tilespmem:s12], [sflag:$0x3] =	stream.linear.gather [hbm4b:s28+s4], $0x50, $0x38;
	[tilespmem:$0x19400] =	vst v63  }
0x7d: {  	_ =	swait.ge [sflag:s23], $0x50  }
0x7e: {  	[sflag:s23] =	ssyncset.done $0x0  }
0x7f: {  	[sflag:s23] =	ssyncadd.s32 $0xFFFFFFB0  }
0x80: {  	_ =	swait.ge [sflag:s23], $0x50  }
0x81: {  	[sflag:s23] =	ssyncset.done $0x0  }
0x82: {  	[sflag:s23] =	ssyncadd.s32 $0xFFFFFFB0  }
0x83: {  	[tilespmem:s9], [sflag:$0x1] =	stream.indirect.gather [hbm4b:s1+s20], $0x80, s15, s20, $0xb8;
	[tilespmem:$0x19400] =	vst v63  }
0x84: {  	_ =	swait.ge [sflag:s24], $0x2800  }
0x85: {  	[sflag:s24] =	ssyncset.done $0x0  }
0x86: {  	s28 =	smin.u32 s4, $0x77;
	[sflag:s24] =	ssyncadd.s32 $0xFFFFD800  }
0x87: {  	[spmem:s3] =	stream.indirect.scatter.add.f32 [tilespmem:s22], [sflag:$0x7], $0x80, s14, s20, $0xb8;
	[tilespmem:$0x19400] =	vst v63  }
0x88: {  	s28 =	smul.u32 $0x50, s28;
	_ =	swait.ge [sflag:s10], $0x2800  }
0x89: {  	s29 =	rddreg [dreg:$0x4]  }
0x8a: {  	s28 =	sadd.s32 s28, s29  }
0x8b: {  	[sflag:s10] =	ssyncset.done $0x0;
	s28 =	sshrl.u32 s28, $0x3  }
0x8c: {  	[sflag:s10] =	ssyncadd.s32 $0xFFFFD800;
	s29 =	sadd.s32 s5, s28  }
0x8d: {  	[tilespmem:s13], [sflag:$0x4] =	stream.linear.gather [hbm4b:s29+s4], $0x50, $0x38;
	[tilespmem:$0x19400] =	vst v63  }
0x8e: {  	s28 =	sadd.s32 s6, s28  }
0x8f: {  	[tilespmem:s14], [sflag:$0x4] =	stream.linear.gather [hbm4b:s28+s4], $0x50, $0x38;
	[tilespmem:$0x19400] =	vst v63  }
0x90: {  	_ =	swait.ge [sflag:s25], $0x50  }
0x91: {  	[sflag:s25] =	ssyncset.done $0x0  }
0x92: {  	[sflag:s25] =	ssyncadd.s32 $0xFFFFFFB0  }
0x93: {  	_ =	swait.ge [sflag:s25], $0x50  }
0x94: {  	[sflag:s25] =	ssyncset.done $0x0  }
0x95: {  	[sflag:s25] =	ssyncadd.s32 $0xFFFFFFB0  }
0x96: {  	[tilespmem:s22], [sflag:$0x2] =	stream.indirect.gather [hbm4b:s1+s20], $0x80, s17, s20, $0xb8;
	[tilespmem:$0x19400] =	vst v63  }
0x97: {  	_ =	swait.ge [sflag:s11], $0x2800  }
0x98: {  	[sflag:s11] =	ssyncset.done $0x0  }
0x99: {  	s28 =	smin.u32 s4, $0x76;
	[sflag:s11] =	ssyncadd.s32 $0xFFFFD800  }
0x9a: {  	[spmem:s3] =	stream.indirect.scatter.add.f32 [tilespmem:s9], [sflag:$0x7], $0x80, s16, s20, $0xb8;
	[tilespmem:$0x19400] =	vst v63  }
0x9b: {  	s28 =	smul.u32 $0x50, s28;
	_ =	swait.ge [sflag:s10], $0x2800  }
0x9c: {  	s29 =	rddreg [dreg:$0x5]  }
0x9d: {  	s28 =	sadd.s32 s28, s29  }
0x9e: {  	[sflag:s10] =	ssyncset.done $0x0;
	s28 =	sshrl.u32 s28, $0x3  }
0x9f: {  	[sflag:s10] =	ssyncadd.s32 $0xFFFFD800;
	s29 =	sadd.s32 s5, s28  }
0xa0: {  	[tilespmem:s15], [sflag:$0x5] =	stream.linear.gather [hbm4b:s29+s4], $0x50, $0x38;
	[tilespmem:$0x19400] =	vst v63  }
0xa1: {  	s28 =	sadd.s32 s6, s28  }
0xa2: {  	[tilespmem:s16], [sflag:$0x5] =	stream.linear.gather [hbm4b:s28+s4], $0x50, $0x38;
	[tilespmem:$0x19400] =	vst v63  }
0xa3: {  	_ =	swait.ge [sflag:s24], $0x2800  }
0xa4: {  	[sflag:s24] =	ssyncset.done $0x0  }
0xa5: {  	s28 =	smin.u32 s4, $0x75;
	[sflag:s24] =	ssyncadd.s32 $0xFFFFD800  }
0xa6: {  	[spmem:s3] =	stream.indirect.scatter.add.f32 [tilespmem:s22], [sflag:$0x7], $0x80, s18, s20, $0xb8;
	[tilespmem:$0x19400] =	vst v63  }
0xa7: {  	s28 =	smul.u32 $0x50, s28;
	_ =	swait.ge [sflag:s10], $0x2800  }
0xa8: {  	s29 =	rddreg [dreg:$0x6]  }
0xa9: {  	s28 =	sadd.s32 s28, s29  }
0xaa: {  	[sflag:s10] =	ssyncset.done $0x0;
	s29 =	sshrl.u32 s28, $0x3  }
0xab: {  	[sflag:s10] =	ssyncadd.s32 $0xFFFFD800;
	s28 =	sadd.s32 s5, s29  }
0xac: {  	[tilespmem:s17], [sflag:$0x6] =	stream.linear.gather [hbm4b:s28+s4], $0x50, $0x38;
	[tilespmem:$0x19400] =	vst v63  }
0xad: {  	s30 =	sadd.s32 s6, s29;
	s29 =	sadd.s32 $0x140, s31;
	s28 =	simm.s32 $0x4  }
.LBB2_2:
0xae: {  	[tilespmem:s18], [sflag:$0x6] =	stream.linear.gather [hbm4b:s30+s4], $0x50, $0x38;
	[tilespmem:$0x19400] =	vst v63  }
0xaf: {  	_ =	swait.ge [sflag:s19], $0x50  }
0xb0: {  	[sflag:s19] =	ssyncset.done $0x0  }
0xb1: {  	[sflag:s19] =	ssyncadd.s32 $0xFFFFFFB0  }
0xb2: {  	_ =	swait.ge [sflag:s19], $0x50  }
0xb3: {  	[sflag:s19] =	ssyncset.done $0x0  }
0xb4: {  	[sflag:s19] =	ssyncadd.s32 $0xFFFFFFB0  }
0xb5: {  	[tilespmem:s9], [sflag:$0x1] =	stream.indirect.gather [hbm4b:s1+s20], $0x80, s4, s20, $0xb8;
	[tilespmem:$0x19400] =	vst v63  }
0xb6: {  	_ =	swait.ge [sflag:s21], $0x50  }
0xb7: {  	[sflag:s21] =	ssyncset.done $0x0  }
0xb8: {  	[sflag:s21] =	ssyncadd.s32 $0xFFFFFFB0  }
0xb9: {  	_ =	swait.ge [sflag:s21], $0x50  }
0xba: {  	[sflag:s21] =	ssyncset.done $0x0  }
0xbb: {  	[sflag:s21] =	ssyncadd.s32 $0xFFFFFFB0  }
0xbc: {  	[tilespmem:s22], [sflag:$0x2] =	stream.indirect.gather [hbm4b:s1+s20], $0x80, s13, s20, $0xb8;
	[tilespmem:$0x19400] =	vst v63  }
0xbd: {  	_ =	swait.ge [sflag:s11], $0x2800  }
0xbe: {  	[sflag:s11] =	ssyncset.done $0x0  }
0xbf: {  	[sflag:s11] =	ssyncadd.s32 $0xFFFFD800  }
0xc0: {  	[spmem:s3] =	stream.indirect.scatter.add.f32 [tilespmem:s9], [sflag:$0x7], $0x80, s12, s20, $0xb8;
	[tilespmem:$0x19400] =	vst v63  }
0xc1: {  	_ =	swait.ge [sflag:s10], $0x2800  }
0xc2: {  	s31 =	sshrl.u32 s29, $0x3;
	[sflag:s10] =	ssyncset.done $0x0  }
0xc3: {  	s0 =	sadd.s32 s5, s31;
	[sflag:s10] =	ssyncadd.s32 $0xFFFFD800  }
0xc4: {  	[tilespmem:s4], [sflag:$0x3] =	stream.linear.gather [hbm4b:s0+s4], $0x50, $0x38;
	[tilespmem:$0x19400] =	vst v63  }
0xc5: {  	s31 =	sadd.s32 s6, s31  }
0xc6: {  	[tilespmem:s12], [sflag:$0x3] =	stream.linear.gather [hbm4b:s31+s4], $0x50, $0x38;
	[tilespmem:$0x19400] =	vst v63  }
0xc7: {  	_ =	swait.ge [sflag:s23], $0x50  }
0xc8: {  	[sflag:s23] =	ssyncset.done $0x0  }
0xc9: {  	[sflag:s23] =	ssyncadd.s32 $0xFFFFFFB0  }
0xca: {  	_ =	swait.ge [sflag:s23], $0x50  }
0xcb: {  	[sflag:s23] =	ssyncset.done $0x0  }
0xcc: {  	[sflag:s23] =	ssyncadd.s32 $0xFFFFFFB0  }
0xcd: {  	[tilespmem:s9], [sflag:$0x1] =	stream.indirect.gather [hbm4b:s1+s20], $0x80, s15, s20, $0xb8;
	[tilespmem:$0x19400] =	vst v63  }
0xce: {  	_ =	swait.ge [sflag:s24], $0x2800  }
0xcf: {  	s30 =	smov.u32 s28;
	[sflag:s24] =	ssyncset.done $0x0  }
0xd0: {  	s8 =	smin.u32 s30, $0x77;
	[sflag:s24] =	ssyncadd.s32 $0xFFFFD800  }
0xd1: {  	[spmem:s3] =	stream.indirect.scatter.add.f32 [tilespmem:s22], [sflag:$0x7], $0x80, s14, s20, $0xb8;
	[tilespmem:$0x19400] =	vst v63  }
0xd2: {  	s0 =	smul.u32 $0x50, s8;
	_ =	swait.ge [sflag:s10], $0x2800  }
0xd3: {  	s26 =	rddreg [dreg:$0x4]  }
0xd4: {  	s0 =	sadd.s32 s0, s26  }
0xd5: {  	[sflag:s10] =	ssyncset.done $0x0;
	s0 =	sshrl.u32 s0, $0x3  }
0xd6: {  	[sflag:s10] =	ssyncadd.s32 $0xFFFFD800;
	s8 =	sadd.s32 s5, s0  }
0xd7: {  	[tilespmem:s13], [sflag:$0x4] =	stream.linear.gather [hbm4b:s8+s4], $0x50, $0x38;
	[tilespmem:$0x19400] =	vst v63  }
0xd8: {  	s0 =	sadd.s32 s6, s0  }
0xd9: {  	[tilespmem:s14], [sflag:$0x4] =	stream.linear.gather [hbm4b:s0+s4], $0x50, $0x38;
	[tilespmem:$0x19400] =	vst v63  }
0xda: {  	_ =	swait.ge [sflag:s25], $0x50  }
0xdb: {  	[sflag:s25] =	ssyncset.done $0x0  }
0xdc: {  	[sflag:s25] =	ssyncadd.s32 $0xFFFFFFB0  }
0xdd: {  	_ =	swait.ge [sflag:s25], $0x50  }
0xde: {  	[sflag:s25] =	ssyncset.done $0x0  }
0xdf: {  	[sflag:s25] =	ssyncadd.s32 $0xFFFFFFB0  }
0xe0: {  	[tilespmem:s22], [sflag:$0x2] =	stream.indirect.gather [hbm4b:s1+s20], $0x80, s17, s20, $0xb8;
	[tilespmem:$0x19400] =	vst v63  }
0xe1: {  	_ =	swait.ge [sflag:s11], $0x2800  }
0xe2: {  	[sflag:s11] =	ssyncset.done $0x0  }
0xe3: {  	s26 =	smin.u32 s30, $0x76;
	[sflag:s11] =	ssyncadd.s32 $0xFFFFD800  }
0xe4: {  	[spmem:s3] =	stream.indirect.scatter.add.f32 [tilespmem:s9], [sflag:$0x7], $0x80, s16, s20, $0xb8;
	[tilespmem:$0x19400] =	vst v63  }
0xe5: {  	s0 =	smul.u32 $0x50, s26;
	_ =	swait.ge [sflag:s10], $0x2800  }
0xe6: {  	s8 =	rddreg [dreg:$0x5]  }
0xe7: {  	s0 =	sadd.s32 s0, s8  }
0xe8: {  	[sflag:s10] =	ssyncset.done $0x0;
	s0 =	sshrl.u32 s0, $0x3  }
0xe9: {  	[sflag:s10] =	ssyncadd.s32 $0xFFFFD800;
	s26 =	sadd.s32 s5, s0  }
0xea: {  	[tilespmem:s15], [sflag:$0x5] =	stream.linear.gather [hbm4b:s26+s4], $0x50, $0x38;
	[tilespmem:$0x19400] =	vst v63  }
0xeb: {  	s0 =	sadd.s32 s6, s0  }
0xec: {  	[tilespmem:s16], [sflag:$0x5] =	stream.linear.gather [hbm4b:s0+s4], $0x50, $0x38;
	[tilespmem:$0x19400] =	vst v63  }
0xed: {  	_ =	swait.ge [sflag:s24], $0x2800  }
0xee: {  	[sflag:s24] =	ssyncset.done $0x0  }
0xef: {  	s31 =	smin.u32 s30, $0x75;
	[sflag:s24] =	ssyncadd.s32 $0xFFFFD800  }
0xf0: {  	[spmem:s3] =	stream.indirect.scatter.add.f32 [tilespmem:s22], [sflag:$0x7], $0x80, s18, s20, $0xb8;
	[tilespmem:$0x19400] =	vst v63  }
0xf1: {  	s0 =	smul.u32 $0x50, s31;
	_ =	swait.ge [sflag:s10], $0x2800  }
0xf2: {  	p0 =	sne.s32 s28, $0x78;
	s30 =	rddreg [dreg:$0x6]  }
.Ltmp0:
0xf3: {  	s0 =	sadd.s32 s0, s30;
	(pc) =	sbr.rel @p0 .LBB2_2-.Ltmp0, $4  }
0xf4: {  	[sflag:s10] =	ssyncset.done $0x0;
	s0 =	sshrl.u32 s0, $0x3  }
0xf5: {  	[sflag:s10] =	ssyncadd.s32 $0xFFFFD800;
	s30 =	sadd.s32 s5, s0  }
0xf6: {  	[tilespmem:s17], [sflag:$0x6] =	stream.linear.gather [hbm4b:s30+s4], $0x50, $0x38;
	[tilespmem:$0x19400] =	vst v63  }
0xf7: {  	s28 =	sadd.s32 $0x4, s28;
	s29 =	sadd.s32 $0x140, s29;
	s30 =	sadd.s32 s6, s0  }
0xf8: {  	[tilespmem:s18], [sflag:$0x6] =	stream.linear.gather [hbm4b:s30+s4], $0x50, $0x38;
	[tilespmem:$0x19400] =	vst v63  }
0xf9: {  	_ =	swait.ge [sflag:s19], $0x50  }
0xfa: {  	[sflag:s19] =	ssyncset.done $0x0  }
0xfb: {  	[sflag:s19] =	ssyncadd.s32 $0xFFFFFFB0  }
0xfc: {  	_ =	swait.ge [sflag:s19], $0x50  }
0xfd: {  	[sflag:s19] =	ssyncset.done $0x0  }
0xfe: {  	[sflag:s19] =	ssyncadd.s32 $0xFFFFFFB0  }
0xff: {  	[tilespmem:s9], [sflag:$0x1] =	stream.indirect.gather [hbm4b:s1+s20], $0x80, s4, s20, $0xb8;
	[tilespmem:$0x19400] =	vst v63  }
0x100: {  	_ =	swait.ge [sflag:s11], $0x2800  }
0x101: {  	[sflag:s11] =	ssyncset.done $0x0  }
0x102: {  	[sflag:s11] =	ssyncadd.s32 $0xFFFFD800  }
0x103: {  	[spmem:s3] =	stream.indirect.scatter.add.f32 [tilespmem:s9], [sflag:$0x7], $0x80, s12, s20, $0xb8;
	[tilespmem:$0x19400] =	vst v63  }
0x104: {  	_ =	swait.ge [sflag:s10], $0x2800  }
0x105: {  	[sflag:s10] =	ssyncset.done $0x0  }
0x106: {  	[sflag:s10] =	ssyncadd.s32 $0xFFFFD800  }
0x107: {  	_ =	swait.ge [sflag:s21], $0x50  }
0x108: {  	[sflag:s21] =	ssyncset.done $0x0  }
0x109: {  	[sflag:s21] =	ssyncadd.s32 $0xFFFFFFB0  }
0x10a: {  	_ =	swait.ge [sflag:s21], $0x50  }
0x10b: {  	[sflag:s21] =	ssyncset.done $0x0  }
0x10c: {  	[sflag:s21] =	ssyncadd.s32 $0xFFFFFFB0  }
0x10d: {  	_ =	swait.ge [sflag:s23], $0x50  }
0x10e: {  	[sflag:s23] =	ssyncset.done $0x0  }
0x10f: {  	[sflag:s23] =	ssyncadd.s32 $0xFFFFFFB0  }
0x110: {  	_ =	swait.ge [sflag:s23], $0x50  }
0x111: {  	[sflag:s23] =	ssyncset.done $0x0  }
0x112: {  	[sflag:s23] =	ssyncadd.s32 $0xFFFFFFB0  }
0x113: {  	_ =	swait.ge [sflag:s25], $0x50  }
0x114: {  	[sflag:s25] =	ssyncset.done $0x0  }
0x115: {  	[sflag:s25] =	ssyncadd.s32 $0xFFFFFFB0  }
0x116: {  	_ =	swait.ge [sflag:s25], $0x50  }
0x117: {  	[sflag:s25] =	ssyncset.done $0x0  }
0x118: {  	[sflag:s25] =	ssyncadd.s32 $0xFFFFFFB0  }
0x119: {  	[bflag:$0x0] =	sbarrier.arrive $0xFFFF  }
0x11a: {  	s0 =	rddreg [dreg:$0x1e]  }
0x11b: {  	[tilespmem:s9], [sflag:$0x7] =	stream.linear.gather [spmem:s0], $0x2800, $0x38;
	[tilespmem:$0x19400] =	vst v63  }
0x11c: {  	_ =	swait.ge [sflag:s10], $0x2800  }
0x11d: {  	[sflag:s10] =	ssyncset.done $0x0  }
0x11e: {  	s26 =	rddreg [dreg:$0x10];
	[sflag:s10] =	ssyncadd.s32 $0xFFFFD800  }
0x11f: {  	[hbm4b:s26+s4] =	stream.linear.scatter [tilespmem:s9], [sflag:$0x1], $0x2800, $0x38;
	[tilespmem:$0x19400] =	vst v63  }
0x120: {  	_ = 	snop  }
0x121: {  	[tilespmem:s22], [sflag:$0x7] =	stream.linear.gather [spmem:s2], $0x2800, $0x38;
	[tilespmem:$0x19400] =	vst v63  }
0x122: {  	_ =	swait.ge [sflag:s10], $0x2800  }
0x123: {  	[sflag:s10] =	ssyncset.done $0x0  }
0x124: {  	s8 =	rddreg [dreg:$0x11];
	[sflag:s10] =	ssyncadd.s32 $0xFFFFD800  }
0x125: {  	[hbm4b:s8+s4] =	stream.linear.scatter [tilespmem:s22], [sflag:$0x2], $0x2800, $0x38;
	[tilespmem:$0x19400] =	vst v63  }
0x126: {  	_ =	swait.ge [sflag:s11], $0x2800  }
0x127: {  	[sflag:s11] =	ssyncset.done $0x0  }
0x128: {  	[sflag:s11] =	ssyncadd.s32 $0xFFFFD800  }
0x129: {  	[tilespmem:s9], [sflag:$0x7] =	stream.linear.gather [spmem:s7], $0x2800, $0x38;
	[tilespmem:$0x19400] =	vst v63  }
0x12a: {  	_ =	swait.ge [sflag:s10], $0x2800  }
0x12b: {  	[sflag:s10] =	ssyncset.done $0x0  }
0x12c: {  	s26 =	rddreg [dreg:$0x12];
	[sflag:s10] =	ssyncadd.s32 $0xFFFFD800  }
0x12d: {  	[hbm4b:s26+s4] =	stream.linear.scatter [tilespmem:s9], [sflag:$0x1], $0x2800, $0x38;
	[tilespmem:$0x19400] =	vst v63  }
0x12e: {  	_ =	swait.ge [sflag:s24], $0x2800  }
0x12f: {  	[sflag:s24] =	ssyncset.done $0x0  }
0x130: {  	s30 =	rddreg [dreg:$0x1a];
	[sflag:s24] =	ssyncadd.s32 $0xFFFFD800  }
0x131: {  	[tilespmem:s22], [sflag:$0x7] =	stream.linear.gather [spmem:s30], $0x2800, $0x38;
	[tilespmem:$0x19400] =	vst v63  }
0x132: {  	_ =	swait.ge [sflag:s10], $0x2800  }
0x133: {  	[sflag:s10] =	ssyncset.done $0x0  }
0x134: {  	s28 =	smov.u32 s2;
	s2 =	rddreg [dreg:$0x13];
	[sflag:s10] =	ssyncadd.s32 $0xFFFFD800  }
0x135: {  	[hbm4b:s2+s4] =	stream.linear.scatter [tilespmem:s22], [sflag:$0x2], $0x2800, $0x38;
	[tilespmem:$0x19400] =	vst v63  }
0x136: {  	_ =	swait.ge [sflag:s11], $0x2800  }
0x137: {  	[sflag:s11] =	ssyncset.done $0x0  }
0x138: {  	s2 =	rddreg [dreg:$0x1b];
	[sflag:s11] =	ssyncadd.s32 $0xFFFFD800  }
0x139: {  	[tilespmem:s9], [sflag:$0x7] =	stream.linear.gather [spmem:s2], $0x2800, $0x38;
	[tilespmem:$0x19400] =	vst v63  }
0x13a: {  	_ =	swait.ge [sflag:s10], $0x2800  }
0x13b: {  	[sflag:s10] =	ssyncset.done $0x0  }
0x13c: {  	s29 =	smov.u32 s7;
	s7 =	rddreg [dreg:$0x14];
	[sflag:s10] =	ssyncadd.s32 $0xFFFFD800  }
0x13d: {  	[hbm4b:s7+s4] =	stream.linear.scatter [tilespmem:s9], [sflag:$0x1], $0x2800, $0x38;
	[tilespmem:$0x19400] =	vst v63  }
0x13e: {  	_ =	swait.ge [sflag:s24], $0x2800  }
0x13f: {  	[sflag:s24] =	ssyncset.done $0x0  }
0x140: {  	s7 =	rddreg [dreg:$0x1c];
	[sflag:s24] =	ssyncadd.s32 $0xFFFFD800  }
0x141: {  	[tilespmem:s22], [sflag:$0x7] =	stream.linear.gather [spmem:s7], $0x2800, $0x38;
	[tilespmem:$0x19400] =	vst v63  }
0x142: {  	_ =	swait.ge [sflag:s10], $0x2800  }
0x143: {  	[sflag:s10] =	ssyncset.done $0x0  }
0x144: {  	s8 =	rddreg [dreg:$0x15];
	[sflag:s10] =	ssyncadd.s32 $0xFFFFD800  }
0x145: {  	[hbm4b:s8+s4] =	stream.linear.scatter [tilespmem:s22], [sflag:$0x2], $0x2800, $0x38;
	[tilespmem:$0x19400] =	vst v63  }
0x146: {  	_ =	swait.ge [sflag:s11], $0x2800  }
0x147: {  	[sflag:s11] =	ssyncset.done $0x0  }
0x148: {  	s8 =	rddreg [dreg:$0x1d];
	[sflag:s11] =	ssyncadd.s32 $0xFFFFD800  }
0x149: {  	[tilespmem:s9], [sflag:$0x7] =	stream.linear.gather [spmem:s8], $0x2800, $0x38;
	[tilespmem:$0x19400] =	vst v63  }
0x14a: {  	_ =	swait.ge [sflag:s10], $0x2800  }
0x14b: {  	[sflag:s10] =	ssyncset.done $0x0  }
0x14c: {  	s26 =	rddreg [dreg:$0x16];
	[sflag:s10] =	ssyncadd.s32 $0xFFFFD800  }
0x14d: {  	[hbm4b:s26+s4] =	stream.linear.scatter [tilespmem:s9], [sflag:$0x1], $0x2800, $0x38;
	[tilespmem:$0x19400] =	vst v63  }
0x14e: {  	_ =	swait.ge [sflag:s24], $0x2800  }
0x14f: {  	[sflag:s24] =	ssyncset.done $0x0  }
0x150: {  	s26 =	rddreg [dreg:$0x1f];
	[sflag:s24] =	ssyncadd.s32 $0xFFFFD800  }
0x151: {  	[tilespmem:s22], [sflag:$0x7] =	stream.linear.gather [spmem:s26], $0x2800, $0x38;
	[tilespmem:$0x19400] =	vst v63  }
0x152: {  	_ =	swait.ge [sflag:s10], $0x2800  }
0x153: {  	[sflag:s10] =	ssyncset.done $0x0  }
0x154: {  	s0 =	rddreg [dreg:$0x17];
	[sflag:s10] =	ssyncadd.s32 $0xFFFFD800  }
0x155: {  	[hbm4b:s0+s4] =	stream.linear.scatter [tilespmem:s22], [sflag:$0x2], $0x2800, $0x38;
	[tilespmem:$0x19400] =	vst v63  }
0x156: {  	_ =	swait.ge [sflag:s11], $0x2800  }
0x157: {  	[sflag:s11] =	ssyncset.done $0x0  }
0x158: {  	[sflag:s11] =	ssyncadd.s32 $0xFFFFD800  }
0x159: {  	_ =	swait.ge [sflag:s24], $0x2800  }
0x15a: {  	s31 =	sld [smem:$0x7FD];
	_ =	sdelay $0x2  }
0x15b: {  	s0 =	rddreg [dreg:$0x18];
	s31 =	sadd.s32 $0x1, s31  }
0x15c: {  	p0 =	sne.s32 s31, s0  }
.Ltmp1:
0x15d: {  	_ = 	snop;
	(pc) =	sbr.rel @p0 .LBB2_1-.Ltmp1, $3  }
0x15e: {  	_ =	sdelay $0x1  }
0x15f: {  	[sflag:s24] =	ssyncset.done $0x0;
	[smem:$0x7FD] =	sst s31  }
0x160: {  	[sflag:s24] =	ssyncadd.s32 $0xFFFFD800;
	s31 =	rddreg [dreg:$0x1e]  }
0x161: {  	_ =	sfence.sel $0x180000  }
0x162: {  	[bflag:$0x0] =	sbarrier.arrive $0xFFFF  }
0x163: {  	_ =	strace $0x9000004A  }
0x164: {  	s0 =	stileid.u32;
	[bflag:$0x2] =	sbarrier.arrive $0xFFFF  }
0x165: {  	p0 =	sne.s32 s0, $0x0;
	s0 =	rddreg [dreg:$0x3]  }
0x166: {  	s0 =	sadd.s32 @!p0 $0x100000, s0  }
0x167: {  	[sflag:s0] =	ssyncadd.tile.s32 @!p0 $0x1;
	_ =	shalt  }
.Lfunc_end2:
_tile_overlayer_lowered:
.L_overlay_start_2:
0x168: {  	(tag) =	ssettag $0x2  }
0x169: {  	s0 =	rddreg [dreg:$0x0];
	s2 =	stileid.u32  }
0x16a: {  	s1 =	rddreg [dreg:$0x1];
	p0 =	sne.s32 s2, $0x0  }
0x16b: {  	s3 =	rddreg [dreg:$0x2];
	[bflag:$0x3] =	sbarrier.arrive $0xFFFF;
	s2 =	simm.s32 @!p0 $0x1C07  }
0x16c: {  	[timem:s3], [sflag:s2] =	dma.local @!p0 [hbm:s0], s1  }
0x16d: {  	s0 =	simm.s32 @!p0 $0x7  }
0x16e: {  	_ =	swait.ge @!p0 [sflag:s0], s1  }
0x16f: {  	s1 =	ssub.s32 @!p0 $0x0, s1;
	[sflag:s0] =	ssyncset.done @!p0 $0x0  }
0x170: {  	[sflag:s0] =	ssyncadd.s32 @!p0 s1  }
0x171: {  	[bflag:$0x3] =	sbarrier.arrive $0xFFFF  }
0x172: {  	_ =	shalt  }

</sc_bundles>
